<compile_context>
chip_gen: v7x
topology: tpu7x:2x2x1
jax: 0.10.2.dev20260603
libtpu: 0.0.44.dev20260713+nightly
codegen_flags: <defaults>
</compile_context>

<pallas_src>
import functools

import jax
import jax.numpy as jnp
from jax import lax
from jax.experimental import pallas as pl
from jax.experimental.pallas import tpu as pltpu
from jax.experimental.pallas import tpu_sc as plsc

FILTER_THRESHOLD = 0.95
FILTER_FACTOR = 0.5

_CHUNK_ROWS = 8
_UNROLL = 8
_NBUF = 3

_BCAST_DNUMS = lax.GatherDimensionNumbers(
    offset_dims=(), collapsed_slice_dims=(0,), start_index_map=(0,)
)


def _lane_broadcast(vec, idx, lanes):
    return lax.gather(
        vec,
        jnp.full((lanes, 1), idx, jnp.int32),
        _BCAST_DNUMS,
        (1,),
        mode=lax.GatherScatterMode.PROMISE_IN_BOUNDS,
    )


def _make_sc_kernel(B):
    info = plsc.get_sparse_core_info()
    nw = info.num_cores * info.num_subcores
    lanes = info.num_lanes
    rows_w = B // nw
    n_chunks = rows_w // _CHUNK_ROWS
    mesh = plsc.VectorSubcoreMesh(core_axis_name="c", subcore_axis_name="s")

    @functools.partial(
        pl.kernel,
        mesh=mesh,
        compiler_params=pltpu.CompilerParams(use_tc_tiling_on_sc=True),
        out_type=jax.ShapeDtypeStruct((B, B), jnp.float32),
        scratch_types=[
            pltpu.VMEM((_NBUF, _CHUNK_ROWS, B), jnp.float32),
            pltpu.SemaphoreType.DMA((_NBUF,)),
            pltpu.SemaphoreType.DMA((_NBUF,)),
        ],
    )
    def sc_filter(scores_hbm, out_hbm, bufs, sem_in, sem_out):
        wid = lax.axis_index("s") * info.num_cores + lax.axis_index("c")
        base = wid * rows_w
        lane = lax.iota(jnp.int32, lanes)

        def start_in(g):
            row0 = base + g * _CHUNK_ROWS
            pltpu.async_copy(
                scores_hbm.at[pl.ds(row0, _CHUNK_ROWS)],
                bufs.at[g % _NBUF],
                sem_in.at[g % _NBUF],
            )

        def start_out(g):
            row0 = base + g * _CHUNK_ROWS
            pltpu.async_copy(
                bufs.at[g % _NBUF],
                out_hbm.at[pl.ds(row0, _CHUNK_ROWS)],
                sem_out.at[g % _NBUF],
            )

        def wait_out(g):
            row0 = base + g * _CHUNK_ROWS
            pltpu.make_async_copy(
                bufs.at[g % _NBUF],
                out_hbm.at[pl.ds(row0, _CHUNK_ROWS)],
                sem_out.at[g % _NBUF],
            ).wait()

        def wait_in(g):
            row0 = base + g * _CHUNK_ROWS
            pltpu.make_async_copy(
                scores_hbm.at[pl.ds(row0, _CHUNK_ROWS)],
                bufs.at[g % _NBUF],
                sem_in.at[g % _NBUF],
            ).wait()

        start_in(0)

        def chunk_body(g, carry):
            @pl.when(g >= _NBUF - 1)
            def _():
                wait_out(g - (_NBUF - 1))

            @pl.when(g + 1 < n_chunks)
            def _():
                start_in(g + 1)

            wait_in(g)
            row0 = base + g * _CHUNK_ROWS
            b = g % _NBUF
            calign = (row0 // lanes) * lanes

            for r in range(_CHUNK_ROWS):
                dlane = row0 - calign + r
                dvec = bufs[b, r, pl.ds(calign, lanes)]
                th = _lane_broadcast(dvec, dlane, lanes) * FILTER_THRESHOLD

                @plsc.parallel_loop(0, calign, step=lanes, unroll=_UNROLL)
                def left_body(c, b=b, r=r, th=th):
                    sl = pl.ds(c, lanes)
                    v = bufs[b, r, sl]
                    bufs[b, r, sl] = jnp.where(v > th, v * FILTER_FACTOR, v)

                @plsc.parallel_loop(calign + lanes, B, step=lanes, unroll=_UNROLL)
                def right_body(c, b=b, r=r, th=th):
                    sl = pl.ds(c, lanes)
                    v = bufs[b, r, sl]
                    bufs[b, r, sl] = jnp.where(v > th, v * FILTER_FACTOR, v)

                m = (dvec > th) & (lane != dlane)
                bufs[b, r, pl.ds(calign, lanes)] = jnp.where(
                    m, dvec * FILTER_FACTOR, dvec
                )

            start_out(g)
            return carry

        lax.fori_loop(0, n_chunks, chunk_body, 0)
        for t in range(_NBUF - 1):
            wait_out(n_chunks - (_NBUF - 1) + t)

    return sc_filter


def kernel(scores):
    B = scores.shape[0]
    return _make_sc_kernel(B)(scores)

# --- scband reference (transcript-rebuilt; emitter-appended) ---
"""Pipeline reference for scband-sparse-bi-encoder-module-17325898072103 (READ-ONLY COPY).

The authoritative reference and input builder live on the scoring server;
editing this copy changes nothing except your own understanding.
"""

import jax, jax.numpy as jnp
import numpy as np

FILTER_THRESHOLD = 0.95
FILTER_FACTOR = 0.5


def setup_inputs(seed: int = 0) -> dict:
    key = jax.random.key(seed)
    scores = jax.random.normal(key, (4096, 4096), dtype=jnp.float32)
    return {"scores": scores}


def reference(scores):
    # Faithful translation of SparseBiEncoderModule._get_idx (offset=0) followed by
    # _filter_high_negatives applied in-place to the [B, B] score matrix.
    B = scores.shape[0]
    idx = jnp.arange(B)
    pos_idx = idx  # offset = 0 (single-device case)
    # pos_scores = scores[idx, pos_idx]  -- diagonal gather
    pos_scores = scores[idx, pos_idx]
    thresh = FILTER_THRESHOLD * pos_scores[:, None]
    mask = scores > thresh
    # never down-weight the positive itself
    mask = mask.at[idx, pos_idx].set(False)
    # scores[mask] = scores[mask] * filter_factor  (functional equivalent)
    out = jnp.where(mask, scores * FILTER_FACTOR, scores)
    return out

if __name__ == "__main__":
    import jax
    _d = setup_inputs()
    print(jax.jit(kernel)(*tuple(_d.values())))

</pallas_src>

<mosaic_0001>
#map = affine_map<(d0, d1) -> (0, 0)>
module attributes {stable_mosaic.version = 14 : i64} {
  func.func @sc_filter(%arg0: i32, %arg1: i32, %arg2: memref<4096x4096xf32, #tpu.memory_space<hbm>>, %arg3: memref<4096x4096xf32, #tpu.memory_space<hbm>>, %arg4: memref<3x8x4096xf32, #tpu.memory_space<vmem>>, %arg5: memref<3x!tpu.dma_semaphore, #tpu.memory_space<semaphore_mem>>, %arg6: memref<3x!tpu.dma_semaphore, #tpu.memory_space<semaphore_mem>>) attributes {dimension_semantics = [#tpu.dimension_semantics<core_parallel>, #tpu.dimension_semantics<subcore_parallel>], iteration_bounds = array<i64: 2, 16>, scalar_prefetch = 0 : i64, scratch_operands = 3 : i64, tpu.core_type = #tpu.core_type<sc_vector_subcore>, window_params = [{transform_indices = #map}, {transform_indices = #map}]} {
    %mul3A = arith.constant 2 : i32
    %mul3A_0 = arith.muli %arg1, %mul3A : i32
    %add3A = arith.addi %mul3A_0, %arg0 : i32
    %mul3A_1 = arith.constant 128 : i32
    %mul3A_2 = arith.muli %add3A, %mul3A_1 : i32
    %iota3A = tpu.iota {dimensions = array<i32: 0>} : vector<16xi32>
    %add3A_3 = arith.constant 0 : i32
    %add3A_4 = arith.addi %mul3A_2, %add3A_3 : i32
    %dma_start3A = arith.constant 0 : i32
    %dma_start3A_5 = arith.constant 0 : i32
    %dma_start3A_6 = arith.constant 0 : i32
    %dma_start3A_7 = arith.constant 0 : i32
    %dma_start3A_8 = tpu.memref_slice %arg4[%dma_start3A, %dma_start3A_6, %dma_start3A_7] : memref<3x8x4096xf32, #tpu.memory_space<vmem>> -> memref<1x8x4096xf32, #tpu.memory_space<vmem>>
    %dma_start3A_9 = tpu.memref_squeeze %dma_start3A_8 : memref<1x8x4096xf32, #tpu.memory_space<vmem>> -> memref<8x4096xf32, #tpu.memory_space<vmem>>
    %dma_start3A_10 = arith.constant 0 : i32
    %dma_start3A_11 = tpu.memref_slice %arg2[%add3A_4, %dma_start3A_10] : memref<4096x4096xf32, #tpu.memory_space<hbm>> -> memref<8x4096xf32, #tpu.memory_space<hbm>>
    %dma_start3A_12 = tpu.memref_slice %arg5[%dma_start3A_5] : memref<3x!tpu.dma_semaphore, #tpu.memory_space<semaphore_mem>> -> memref<1x!tpu.dma_semaphore, #tpu.memory_space<semaphore_mem>>
    %dma_start3A_13 = tpu.memref_squeeze %dma_start3A_12 : memref<1x!tpu.dma_semaphore, #tpu.memory_space<semaphore_mem>> -> memref<!tpu.dma_semaphore, #tpu.memory_space<semaphore_mem>>
    %dma_start3A_14 = arith.constant 0 : i32
    %dma_start3A_15 = arith.constant 0 : i32
    %dma_start3A_16 = tpu.memref_slice %arg4[%dma_start3A, %dma_start3A_14, %dma_start3A_15] : memref<3x8x4096xf32, #tpu.memory_space<vmem>> -> memref<1x8x4096xf32, #tpu.memory_space<vmem>>
    %dma_start3A_17 = tpu.memref_squeeze %dma_start3A_16 : memref<1x8x4096xf32, #tpu.memory_space<vmem>> -> memref<8x4096xf32, #tpu.memory_space<vmem>>
    %dma_start3A_18 = arith.constant 0 : i32
    %dma_start3A_19 = tpu.memref_slice %arg2[%add3A_4, %dma_start3A_18] : memref<4096x4096xf32, #tpu.memory_space<hbm>> -> memref<8x4096xf32, #tpu.memory_space<hbm>>
    tpu.enqueue_dma source(%dma_start3A_19 : memref<8x4096xf32, #tpu.memory_space<hbm>>) target(%dma_start3A_17 : memref<8x4096xf32, #tpu.memory_space<vmem>>) target_semaphore(%dma_start3A_13 : memref<!tpu.dma_semaphore, #tpu.memory_space<semaphore_mem>>)
    %scan3A = arith.constant 0 : i32
    %scan3A_20 = arith.constant 0 : i32
    %scan3A_21 = arith.constant 16 : i32
    %scan3A_22 = arith.addi %scan3A_20, %scan3A_21 : i32
    %scan3A_23 = arith.constant 1 : i32
    scf.for %scan3A_60 = %scan3A_20 to %scan3A_22 step %scan3A_23  : i32 {
      %ge3A = arith.constant 2 : i32
      %ge3A_61 = arith.cmpi sge, %scan3A_60, %ge3A : i32
      %convert_element_type3A = arith.extui %ge3A_61 : i1 to i32
      %cond3A = arith.constant 0 : i32
      %cond3A_62 = arith.cmpi ne, %convert_element_type3A, %cond3A : i32
      scf.if %cond3A_62 {
        %sub3A_485 = arith.constant 2 : i32
        %sub3A_486 = arith.subi %scan3A_60, %sub3A_485 : i32
        %mul3A_487 = arith.constant 8 : i32
        %mul3A_488 = arith.muli %sub3A_486, %mul3A_487 : i32
        %add3A_489 = arith.addi %mul3A_2, %mul3A_488 : i32
        %jit3A_490 = arith.constant 3 : i32
        %eq3A_491 = arith.constant 0 : i32
        %eq3A_492 = arith.cmpi eq, %jit3A_490, %eq3A_491 : i32
        %jit3A_493 = arith.constant 1 : i32
        %select_n3A_494 = arith.select %eq3A_492, %jit3A_493, %jit3A_490 : i32
        %rem3A_495 = arith.remsi %sub3A_486, %select_n3A_494 : i32
        %ne3A_496 = arith.constant 0 : i32
        %ne3A_497 = arith.cmpi ne, %rem3A_495, %ne3A_496 : i32
        %lt3A_498 = arith.constant 0 : i32
        %lt3A_499 = arith.cmpi slt, %rem3A_495, %lt3A_498 : i32
        %lt3A_500 = arith.constant 0 : i32
        %lt3A_501 = arith.cmpi slt, %select_n3A_494, %lt3A_500 : i32
        %ne3A_502 = arith.xori %lt3A_499, %lt3A_501 : i1
        %and3A_503 = arith.andi %ne3A_502, %ne3A_497 : i1
        %add3A_504 = arith.addi %rem3A_495, %select_n3A_494 : i32
        %select_n3A_505 = arith.select %and3A_503, %add3A_504, %rem3A_495 : i32
        %jit3A_506 = arith.constant 3 : i32
        %eq3A_507 = arith.constant 0 : i32
        %eq3A_508 = arith.cmpi eq, %jit3A_506, %eq3A_507 : i32
        %jit3A_509 = arith.constant 1 : i32
        %select_n3A_510 = arith.select %eq3A_508, %jit3A_509, %jit3A_506 : i32
        %rem3A_511 = arith.remsi %sub3A_486, %select_n3A_510 : i32
        %ne3A_512 = arith.constant 0 : i32
        %ne3A_513 = arith.cmpi ne, %rem3A_511, %ne3A_512 : i32
        %lt3A_514 = arith.constant 0 : i32
        %lt3A_515 = arith.cmpi slt, %rem3A_511, %lt3A_514 : i32
        %lt3A_516 = arith.constant 0 : i32
        %lt3A_517 = arith.cmpi slt, %select_n3A_510, %lt3A_516 : i32
        %ne3A_518 = arith.xori %lt3A_515, %lt3A_517 : i1
        %and3A_519 = arith.andi %ne3A_518, %ne3A_513 : i1
        %add3A_520 = arith.addi %rem3A_511, %select_n3A_510 : i32
        %select_n3A_521 = arith.select %and3A_519, %add3A_520, %rem3A_511 : i32
        %dma_wait3A_522 = arith.constant 0 : i32
        %dma_wait3A_523 = arith.constant 0 : i32
        %dma_wait3A_524 = tpu.memref_slice %arg4[%select_n3A_505, %dma_wait3A_522, %dma_wait3A_523] : memref<3x8x4096xf32, #tpu.memory_space<vmem>> -> memref<1x8x4096xf32, #tpu.memory_space<vmem>>
        %dma_wait3A_525 = tpu.memref_squeeze %dma_wait3A_524 : memref<1x8x4096xf32, #tpu.memory_space<vmem>> -> memref<8x4096xf32, #tpu.memory_space<vmem>>
        %dma_wait3A_526 = arith.constant 0 : i32
        %dma_wait3A_527 = tpu.memref_slice %arg3[%add3A_489, %dma_wait3A_526] : memref<4096x4096xf32, #tpu.memory_space<hbm>> -> memref<8x4096xf32, #tpu.memory_space<hbm>>
        %dma_wait3A_528 = tpu.memref_slice %arg6[%select_n3A_521] : memref<3x!tpu.dma_semaphore, #tpu.memory_space<semaphore_mem>> -> memref<1x!tpu.dma_semaphore, #tpu.memory_space<semaphore_mem>>
        %dma_wait3A_529 = tpu.memref_squeeze %dma_wait3A_528 : memref<1x!tpu.dma_semaphore, #tpu.memory_space<semaphore_mem>> -> memref<!tpu.dma_semaphore, #tpu.memory_space<semaphore_mem>>
        %dma_wait3A_530 = arith.constant 0 : i32
        %dma_wait3A_531 = tpu.memref_slice %arg3[%add3A_489, %dma_wait3A_530] : memref<4096x4096xf32, #tpu.memory_space<hbm>> -> memref<8x4096xf32, #tpu.memory_space<hbm>>
        %dma_wait3A_532 = arith.constant 0 : i32
        %dma_wait3A_533 = arith.constant 0 : i32
        %dma_wait3A_534 = tpu.memref_slice %arg4[%select_n3A_505, %dma_wait3A_532, %dma_wait3A_533] : memref<3x8x4096xf32, #tpu.memory_space<vmem>> -> memref<1x8x4096xf32, #tpu.memory_space<vmem>>
        %dma_wait3A_535 = tpu.memref_squeeze %dma_wait3A_534 : memref<1x8x4096xf32, #tpu.memory_space<vmem>> -> memref<8x4096xf32, #tpu.memory_space<vmem>>
        tpu.wait_dma2 semaphore(%dma_wait3A_529 : memref<!tpu.dma_semaphore, #tpu.memory_space<semaphore_mem>>) src(%dma_wait3A_535 : memref<8x4096xf32, #tpu.memory_space<vmem>>) dst(%dma_wait3A_531 : memref<8x4096xf32, #tpu.memory_space<hbm>>)
      } else {
      }
      %add3A_63 = arith.constant 1 : i32
      %add3A_64 = arith.addi %scan3A_60, %add3A_63 : i32
      %lt3A = arith.constant 16 : i32
      %lt3A_65 = arith.cmpi slt, %add3A_64, %lt3A : i32
      %convert_element_type3A_66 = arith.extui %lt3A_65 : i1 to i32
      %cond3A_67 = arith.constant 0 : i32
      %cond3A_68 = arith.cmpi ne, %convert_element_type3A_66, %cond3A_67 : i32
      scf.if %cond3A_68 {
        %add3A_485 = arith.constant 1 : i32
        %add3A_486 = arith.addi %scan3A_60, %add3A_485 : i32
        %mul3A_487 = arith.constant 8 : i32
        %mul3A_488 = arith.muli %add3A_486, %mul3A_487 : i32
        %add3A_489 = arith.addi %mul3A_2, %mul3A_488 : i32
        %jit3A_490 = arith.constant 3 : i32
        %eq3A_491 = arith.constant 0 : i32
        %eq3A_492 = arith.cmpi eq, %jit3A_490, %eq3A_491 : i32
        %jit3A_493 = arith.constant 1 : i32
        %select_n3A_494 = arith.select %eq3A_492, %jit3A_493, %jit3A_490 : i32
        %rem3A_495 = arith.remsi %add3A_486, %select_n3A_494 : i32
        %ne3A_496 = arith.constant 0 : i32
        %ne3A_497 = arith.cmpi ne, %rem3A_495, %ne3A_496 : i32
        %lt3A_498 = arith.constant 0 : i32
        %lt3A_499 = arith.cmpi slt, %rem3A_495, %lt3A_498 : i32
        %lt3A_500 = arith.constant 0 : i32
        %lt3A_501 = arith.cmpi slt, %select_n3A_494, %lt3A_500 : i32
        %ne3A_502 = arith.xori %lt3A_499, %lt3A_501 : i1
        %and3A_503 = arith.andi %ne3A_502, %ne3A_497 : i1
        %add3A_504 = arith.addi %rem3A_495, %select_n3A_494 : i32
        %select_n3A_505 = arith.select %and3A_503, %add3A_504, %rem3A_495 : i32
        %jit3A_506 = arith.constant 3 : i32
        %eq3A_507 = arith.constant 0 : i32
        %eq3A_508 = arith.cmpi eq, %jit3A_506, %eq3A_507 : i32
        %jit3A_509 = arith.constant 1 : i32
        %select_n3A_510 = arith.select %eq3A_508, %jit3A_509, %jit3A_506 : i32
        %rem3A_511 = arith.remsi %add3A_486, %select_n3A_510 : i32
        %ne3A_512 = arith.constant 0 : i32
        %ne3A_513 = arith.cmpi ne, %rem3A_511, %ne3A_512 : i32
        %lt3A_514 = arith.constant 0 : i32
        %lt3A_515 = arith.cmpi slt, %rem3A_511, %lt3A_514 : i32
        %lt3A_516 = arith.constant 0 : i32
        %lt3A_517 = arith.cmpi slt, %select_n3A_510, %lt3A_516 : i32
        %ne3A_518 = arith.xori %lt3A_515, %lt3A_517 : i1
        %and3A_519 = arith.andi %ne3A_518, %ne3A_513 : i1
        %add3A_520 = arith.addi %rem3A_511, %select_n3A_510 : i32
        %select_n3A_521 = arith.select %and3A_519, %add3A_520, %rem3A_511 : i32
        %dma_start3A_522 = arith.constant 0 : i32
        %dma_start3A_523 = arith.constant 0 : i32
        %dma_start3A_524 = tpu.memref_slice %arg4[%select_n3A_505, %dma_start3A_522, %dma_start3A_523] : memref<3x8x4096xf32, #tpu.memory_space<vmem>> -> memref<1x8x4096xf32, #tpu.memory_space<vmem>>
        %dma_start3A_525 = tpu.memref_squeeze %dma_start3A_524 : memref<1x8x4096xf32, #tpu.memory_space<vmem>> -> memref<8x4096xf32, #tpu.memory_space<vmem>>
        %dma_start3A_526 = arith.constant 0 : i32
        %dma_start3A_527 = tpu.memref_slice %arg2[%add3A_489, %dma_start3A_526] : memref<4096x4096xf32, #tpu.memory_space<hbm>> -> memref<8x4096xf32, #tpu.memory_space<hbm>>
        %dma_start3A_528 = tpu.memref_slice %arg5[%select_n3A_521] : memref<3x!tpu.dma_semaphore, #tpu.memory_space<semaphore_mem>> -> memref<1x!tpu.dma_semaphore, #tpu.memory_space<semaphore_mem>>
        %dma_start3A_529 = tpu.memref_squeeze %dma_start3A_528 : memref<1x!tpu.dma_semaphore, #tpu.memory_space<semaphore_mem>> -> memref<!tpu.dma_semaphore, #tpu.memory_space<semaphore_mem>>
        %dma_start3A_530 = arith.constant 0 : i32
        %dma_start3A_531 = arith.constant 0 : i32
        %dma_start3A_532 = tpu.memref_slice %arg4[%select_n3A_505, %dma_start3A_530, %dma_start3A_531] : memref<3x8x4096xf32, #tpu.memory_space<vmem>> -> memref<1x8x4096xf32, #tpu.memory_space<vmem>>
        %dma_start3A_533 = tpu.memref_squeeze %dma_start3A_532 : memref<1x8x4096xf32, #tpu.memory_space<vmem>> -> memref<8x4096xf32, #tpu.memory_space<vmem>>
        %dma_start3A_534 = arith.constant 0 : i32
        %dma_start3A_535 = tpu.memref_slice %arg2[%add3A_489, %dma_start3A_534] : memref<4096x4096xf32, #tpu.memory_space<hbm>> -> memref<8x4096xf32, #tpu.memory_space<hbm>>
        tpu.enqueue_dma source(%dma_start3A_535 : memref<8x4096xf32, #tpu.memory_space<hbm>>) target(%dma_start3A_533 : memref<8x4096xf32, #tpu.memory_space<vmem>>) target_semaphore(%dma_start3A_529 : memref<!tpu.dma_semaphore, #tpu.memory_space<semaphore_mem>>)
      } else {
      }
      %mul3A_69 = arith.constant 8 : i32
      %mul3A_70 = arith.muli %scan3A_60, %mul3A_69 : i32
      %add3A_71 = arith.addi %mul3A_2, %mul3A_70 : i32
      %jit3A = arith.constant 3 : i32
      %eq3A = arith.constant 0 : i32
      %eq3A_72 = arith.cmpi eq, %jit3A, %eq3A : i32
      %jit3A_73 = arith.constant 1 : i32
      %select_n3A = arith.select %eq3A_72, %jit3A_73, %jit3A : i32
      %rem3A = arith.remsi %scan3A_60, %select_n3A : i32
      %ne3A = arith.constant 0 : i32
      %ne3A_74 = arith.cmpi ne, %rem3A, %ne3A : i32
      %lt3A_75 = arith.constant 0 : i32
      %lt3A_76 = arith.cmpi slt, %rem3A, %lt3A_75 : i32
      %lt3A_77 = arith.constant 0 : i32
      %lt3A_78 = arith.cmpi slt, %select_n3A, %lt3A_77 : i32
      %ne3A_79 = arith.xori %lt3A_76, %lt3A_78 : i1
      %and3A = arith.andi %ne3A_79, %ne3A_74 : i1
      %add3A_80 = arith.addi %rem3A, %select_n3A : i32
      %select_n3A_81 = arith.select %and3A, %add3A_80, %rem3A : i32
      %jit3A_82 = arith.constant 3 : i32
      %eq3A_83 = arith.constant 0 : i32
      %eq3A_84 = arith.cmpi eq, %jit3A_82, %eq3A_83 : i32
      %jit3A_85 = arith.constant 1 : i32
      %select_n3A_86 = arith.select %eq3A_84, %jit3A_85, %jit3A_82 : i32
      %rem3A_87 = arith.remsi %scan3A_60, %select_n3A_86 : i32
      %ne3A_88 = arith.constant 0 : i32
      %ne3A_89 = arith.cmpi ne, %rem3A_87, %ne3A_88 : i32
      %lt3A_90 = arith.constant 0 : i32
      %lt3A_91 = arith.cmpi slt, %rem3A_87, %lt3A_90 : i32
      %lt3A_92 = arith.constant 0 : i32
      %lt3A_93 = arith.cmpi slt, %select_n3A_86, %lt3A_92 : i32
      %ne3A_94 = arith.xori %lt3A_91, %lt3A_93 : i1
      %and3A_95 = arith.andi %ne3A_94, %ne3A_89 : i1
      %add3A_96 = arith.addi %rem3A_87, %select_n3A_86 : i32
      %select_n3A_97 = arith.select %and3A_95, %add3A_96, %rem3A_87 : i32
      %dma_wait3A_98 = arith.constant 0 : i32
      %dma_wait3A_99 = arith.constant 0 : i32
      %dma_wait3A_100 = tpu.memref_slice %arg4[%select_n3A_81, %dma_wait3A_98, %dma_wait3A_99] : memref<3x8x4096xf32, #tpu.memory_space<vmem>> -> memref<1x8x4096xf32, #tpu.memory_space<vmem>>
      %dma_wait3A_101 = tpu.memref_squeeze %dma_wait3A_100 : memref<1x8x4096xf32, #tpu.memory_space<vmem>> -> memref<8x4096xf32, #tpu.memory_space<vmem>>
      %dma_wait3A_102 = arith.constant 0 : i32
      %dma_wait3A_103 = tpu.memref_slice %arg2[%add3A_71, %dma_wait3A_102] : memref<4096x4096xf32, #tpu.memory_space<hbm>> -> memref<8x4096xf32, #tpu.memory_space<hbm>>
      %dma_wait3A_104 = tpu.memref_slice %arg5[%select_n3A_97] : memref<3x!tpu.dma_semaphore, #tpu.memory_space<semaphore_mem>> -> memref<1x!tpu.dma_semaphore, #tpu.memory_space<semaphore_mem>>
      %dma_wait3A_105 = tpu.memref_squeeze %dma_wait3A_104 : memref<1x!tpu.dma_semaphore, #tpu.memory_space<semaphore_mem>> -> memref<!tpu.dma_semaphore, #tpu.memory_space<semaphore_mem>>
      %dma_wait3A_106 = arith.constant 0 : i32
      %dma_wait3A_107 = arith.constant 0 : i32
      %dma_wait3A_108 = tpu.memref_slice %arg4[%select_n3A_81, %dma_wait3A_106, %dma_wait3A_107] : memref<3x8x4096xf32, #tpu.memory_space<vmem>> -> memref<1x8x4096xf32, #tpu.memory_space<vmem>>
      %dma_wait3A_109 = tpu.memref_squeeze %dma_wait3A_108 : memref<1x8x4096xf32, #tpu.memory_space<vmem>> -> memref<8x4096xf32, #tpu.memory_space<vmem>>
      %dma_wait3A_110 = arith.constant 0 : i32
      %dma_wait3A_111 = tpu.memref_slice %arg2[%add3A_71, %dma_wait3A_110] : memref<4096x4096xf32, #tpu.memory_space<hbm>> -> memref<8x4096xf32, #tpu.memory_space<hbm>>
      tpu.wait_dma2 semaphore(%dma_wait3A_105 : memref<!tpu.dma_semaphore, #tpu.memory_space<semaphore_mem>>) src(%dma_wait3A_111 : memref<8x4096xf32, #tpu.memory_space<hbm>>) dst(%dma_wait3A_109 : memref<8x4096xf32, #tpu.memory_space<vmem>>)
      %mul3A_112 = arith.constant 8 : i32
      %mul3A_113 = arith.muli %scan3A_60, %mul3A_112 : i32
      %add3A_114 = arith.addi %mul3A_2, %mul3A_113 : i32
      %jit3A_115 = arith.constant 3 : i32
      %eq3A_116 = arith.constant 0 : i32
      %eq3A_117 = arith.cmpi eq, %jit3A_115, %eq3A_116 : i32
      %jit3A_118 = arith.constant 1 : i32
      %select_n3A_119 = arith.select %eq3A_117, %jit3A_118, %jit3A_115 : i32
      %rem3A_120 = arith.remsi %scan3A_60, %select_n3A_119 : i32
      %ne3A_121 = arith.constant 0 : i32
      %ne3A_122 = arith.cmpi ne, %rem3A_120, %ne3A_121 : i32
      %lt3A_123 = arith.constant 0 : i32
      %lt3A_124 = arith.cmpi slt, %rem3A_120, %lt3A_123 : i32
      %lt3A_125 = arith.constant 0 : i32
      %lt3A_126 = arith.cmpi slt, %select_n3A_119, %lt3A_125 : i32
      %ne3A_127 = arith.xori %lt3A_124, %lt3A_126 : i1
      %and3A_128 = arith.andi %ne3A_127, %ne3A_122 : i1
      %add3A_129 = arith.addi %rem3A_120, %select_n3A_119 : i32
      %select_n3A_130 = arith.select %and3A_128, %add3A_129, %rem3A_120 : i32
      %jit3A_131 = arith.constant 16 : i32
      %div3A = arith.divsi %add3A_114, %jit3A_131 : i32
      %sign3A = arith.constant 0 : i32
      %sign3A_132 = arith.cmpi sgt, %add3A_114, %sign3A : i32
      %sign3A_133 = arith.extui %sign3A_132 : i1 to i32
      %sign3A_134 = arith.constant 0 : i32
      %sign3A_135 = arith.cmpi slt, %add3A_114, %sign3A_134 : i32
      %sign3A_136 = arith.extui %sign3A_135 : i1 to i32
      %sign3A_137 = arith.subi %sign3A_133, %sign3A_136 : i32
      %sign3A_138 = arith.constant 0 : i32
      %sign3A_139 = arith.cmpi sgt, %jit3A_131, %sign3A_138 : i32
      %sign3A_140 = arith.extui %sign3A_139 : i1 to i32
      %sign3A_141 = arith.constant 0 : i32
      %sign3A_142 = arith.cmpi slt, %jit3A_131, %sign3A_141 : i32
      %sign3A_143 = arith.extui %sign3A_142 : i1 to i32
      %sign3A_144 = arith.subi %sign3A_140, %sign3A_143 : i32
      %ne3A_145 = arith.cmpi ne, %sign3A_137, %sign3A_144 : i32
      %rem3A_146 = arith.remsi %add3A_114, %jit3A_131 : i32
      %ne3A_147 = arith.constant 0 : i32
      %ne3A_148 = arith.cmpi ne, %rem3A_146, %ne3A_147 : i32
      %and3A_149 = arith.andi %ne3A_145, %ne3A_148 : i1
      %sub3A = arith.constant 1 : i32
      %sub3A_150 = arith.subi %div3A, %sub3A : i32
      %select_n3A_151 = arith.select %and3A_149, %sub3A_150, %div3A : i32
      %mul3A_152 = arith.constant 16 : i32
      %mul3A_153 = arith.muli %select_n3A_151, %mul3A_152 : i32
      %sub3A_154 = arith.subi %add3A_114, %mul3A_153 : i32
      %add3A_155 = arith.constant 0 : i32
      %add3A_156 = arith.addi %sub3A_154, %add3A_155 : i32
      %get3A = arith.constant 0 : i32
      %get3A_157 = arith.index_cast %select_n3A_130 : i32 to index
      %get3A_158 = arith.index_cast %get3A : i32 to index
      %get3A_159 = arith.index_cast %mul3A_153 : i32 to index
      %get3A_160 = tpu.vector_load %arg4[%get3A_157, %get3A_158, %get3A_159] {strides = array<i32>} : memref<3x8x4096xf32, #tpu.memory_space<vmem>>, vector<1x1x16xf32>,
      %get3A_161 = vector.shape_cast %get3A_160 : vector<1x1x16xf32> to vector<16xf32>
      %broadcast_in_dim3A = vector.broadcast %add3A_156 : i32 to vector<16x1xi32>
      %gather3A = vector.shape_cast %broadcast_in_dim3A : vector<16x1xi32> to vector<16xi32>
      %gather3A_162 = tpu.dynamic_gather %get3A_161[%gather3A] in [0] : vector<16xf32>, vector<16xi32> -> vector<16xf32>
      %mul3A_163 = arith.constant 0.949999988 : f32
      %mul3A_164 = vector.broadcast %mul3A_163 : f32 to vector<16xf32>
      %mul3A_165 = arith.mulf %gather3A_162, %mul3A_164 : vector<16xf32>
      %parallel_loop3A = arith.constant 0 : i32
      %parallel_loop3A_166 = arith.constant 16 : i32
      scf.for %parallel_loop3A_485 = %parallel_loop3A to %mul3A_153 step %parallel_loop3A_166  : i32 {
        %parallel_loop3A_486 = arith.constant 0 : i32
        %parallel_loop3A_487 = arith.index_cast %select_n3A_130 : i32 to index
        %parallel_loop3A_488 = arith.index_cast %parallel_loop3A_486 : i32 to index
        %parallel_loop3A_489 = arith.index_cast %parallel_loop3A_485 : i32 to index
        %parallel_loop3A_490 = tpu.vector_load %arg4[%parallel_loop3A_487, %parallel_loop3A_488, %parallel_loop3A_489] {strides = array<i32>} : memref<3x8x4096xf32, #tpu.memory_space<vmem>>, vector<1x1x16xf32>,
        %parallel_loop3A_491 = vector.shape_cast %parallel_loop3A_490 : vector<1x1x16xf32> to vector<16xf32>
        %parallel_loop3A_492 = arith.cmpf ogt, %parallel_loop3A_491, %mul3A_165 : vector<16xf32>
        %parallel_loop3A_493 = arith.constant 5.000000e-01 : f32
        %parallel_loop3A_494 = vector.broadcast %parallel_loop3A_493 : f32 to vector<16xf32>
        %parallel_loop3A_495 = arith.mulf %parallel_loop3A_491, %parallel_loop3A_494 : vector<16xf32>
        %parallel_loop3A_496 = arith.select %parallel_loop3A_492, %parallel_loop3A_495, %parallel_loop3A_491 : vector<16xi1>, vector<16xf32>
        %parallel_loop3A_497 = arith.constant 0 : i32
        %parallel_loop3A_498 = arith.index_cast %select_n3A_130 : i32 to index
        %parallel_loop3A_499 = arith.index_cast %parallel_loop3A_497 : i32 to index
        %parallel_loop3A_500 = arith.index_cast %parallel_loop3A_485 : i32 to index
        %parallel_loop3A_501 = tpu.vector_load %arg4[%parallel_loop3A_498, %parallel_loop3A_499, %parallel_loop3A_500] {strides = array<i32>} : memref<3x8x4096xf32, #tpu.memory_space<vmem>>, vector<1x1x16xf32>,
        %parallel_loop3A_502 = vector.shape_cast %parallel_loop3A_501 : vector<1x1x16xf32> to vector<16xf32>
        %parallel_loop3A_503 = vector.shape_cast %parallel_loop3A_496 : vector<16xf32> to vector<1x1x16xf32>
        tpu.vector_store %arg4[%parallel_loop3A_498, %parallel_loop3A_499, %parallel_loop3A_500], %parallel_loop3A_503 {strides = array<i32>} : memref<3x8x4096xf32, #tpu.memory_space<vmem>>, vector<1x1x16xf32>,
      } {sc.loop_unroll_factor = 8 : i64, sc.parallel_access}
      %add3A_167 = arith.constant 16 : i32
      %add3A_168 = arith.addi %mul3A_153, %add3A_167 : i32
      %parallel_loop3A_169 = arith.constant 4096 : i32
      %parallel_loop3A_170 = arith.constant 16 : i32
      scf.for %parallel_loop3A_485 = %add3A_168 to %parallel_loop3A_169 step %parallel_loop3A_170  : i32 {
        %parallel_loop3A_486 = arith.constant 0 : i32
        %parallel_loop3A_487 = arith.index_cast %select_n3A_130 : i32 to index
        %parallel_loop3A_488 = arith.index_cast %parallel_loop3A_486 : i32 to index
        %parallel_loop3A_489 = arith.index_cast %parallel_loop3A_485 : i32 to index
        %parallel_loop3A_490 = tpu.vector_load %arg4[%parallel_loop3A_487, %parallel_loop3A_488, %parallel_loop3A_489] {strides = array<i32>} : memref<3x8x4096xf32, #tpu.memory_space<vmem>>, vector<1x1x16xf32>,
        %parallel_loop3A_491 = vector.shape_cast %parallel_loop3A_490 : vector<1x1x16xf32> to vector<16xf32>
        %parallel_loop3A_492 = arith.cmpf ogt, %parallel_loop3A_491, %mul3A_165 : vector<16xf32>
        %parallel_loop3A_493 = arith.constant 5.000000e-01 : f32
        %parallel_loop3A_494 = vector.broadcast %parallel_loop3A_493 : f32 to vector<16xf32>
        %parallel_loop3A_495 = arith.mulf %parallel_loop3A_491, %parallel_loop3A_494 : vector<16xf32>
        %parallel_loop3A_496 = arith.select %parallel_loop3A_492, %parallel_loop3A_495, %parallel_loop3A_491 : vector<16xi1>, vector<16xf32>
        %parallel_loop3A_497 = arith.constant 0 : i32
        %parallel_loop3A_498 = arith.index_cast %select_n3A_130 : i32 to index
        %parallel_loop3A_499 = arith.index_cast %parallel_loop3A_497 : i32 to index
        %parallel_loop3A_500 = arith.index_cast %parallel_loop3A_485 : i32 to index
        %parallel_loop3A_501 = tpu.vector_load %arg4[%parallel_loop3A_498, %parallel_loop3A_499, %parallel_loop3A_500] {strides = array<i32>} : memref<3x8x4096xf32, #tpu.memory_space<vmem>>, vector<1x1x16xf32>,
        %parallel_loop3A_502 = vector.shape_cast %parallel_loop3A_501 : vector<1x1x16xf32> to vector<16xf32>
        %parallel_loop3A_503 = vector.shape_cast %parallel_loop3A_496 : vector<16xf32> to vector<1x1x16xf32>
        tpu.vector_store %arg4[%parallel_loop3A_498, %parallel_loop3A_499, %parallel_loop3A_500], %parallel_loop3A_503 {strides = array<i32>} : memref<3x8x4096xf32, #tpu.memory_space<vmem>>, vector<1x1x16xf32>,
      } {sc.loop_unroll_factor = 8 : i64, sc.parallel_access}
      %gt3A = arith.cmpf ogt, %get3A_161, %mul3A_165 : vector<16xf32>
      %ne3A_171 = vector.broadcast %add3A_156 : i32 to vector<16xi32>
      %ne3A_172 = arith.cmpi ne, %iota3A, %ne3A_171 : vector<16xi32>
      %and3A_173 = arith.andi %gt3A, %ne3A_172 : vector<16xi1>
      %mul3A_174 = arith.constant 5.000000e-01 : f32
      %mul3A_175 = vector.broadcast %mul3A_174 : f32 to vector<16xf32>
      %mul3A_176 = arith.mulf %get3A_161, %mul3A_175 : vector<16xf32>
      %select_n3A_177 = arith.select %and3A_173, %mul3A_176, %get3A_161 : vector<16xi1>, vector<16xf32>
      %swap3A = arith.constant 0 : i32
      %swap3A_178 = arith.index_cast %select_n3A_130 : i32 to index
      %swap3A_179 = arith.index_cast %swap3A : i32 to index
      %swap3A_180 = arith.index_cast %mul3A_153 : i32 to index
      %swap3A_181 = tpu.vector_load %arg4[%swap3A_178, %swap3A_179, %swap3A_180] {strides = array<i32>} : memref<3x8x4096xf32, #tpu.memory_space<vmem>>, vector<1x1x16xf32>,
      %swap3A_182 = vector.shape_cast %swap3A_181 : vector<1x1x16xf32> to vector<16xf32>
      %swap3A_183 = vector.shape_cast %select_n3A_177 : vector<16xf32> to vector<1x1x16xf32>
      tpu.vector_store %arg4[%swap3A_178, %swap3A_179, %swap3A_180], %swap3A_183 {strides = array<i32>} : memref<3x8x4096xf32, #tpu.memory_space<vmem>>, vector<1x1x16xf32>,
      %sub3A_184 = arith.subi %add3A_114, %mul3A_153 : i32
      %add3A_185 = arith.constant 1 : i32
      %add3A_186 = arith.addi %sub3A_184, %add3A_185 : i32
      %get3A_187 = arith.constant 1 : i32
      %get3A_188 = arith.index_cast %select_n3A_130 : i32 to index
      %get3A_189 = arith.index_cast %get3A_187 : i32 to index
      %get3A_190 = arith.index_cast %mul3A_153 : i32 to index
      %get3A_191 = tpu.vector_load %arg4[%get3A_188, %get3A_189, %get3A_190] {strides = array<i32>} : memref<3x8x4096xf32, #tpu.memory_space<vmem>>, vector<1x1x16xf32>,
      %get3A_192 = vector.shape_cast %get3A_191 : vector<1x1x16xf32> to vector<16xf32>
      %broadcast_in_dim3A_193 = vector.broadcast %add3A_186 : i32 to vector<16x1xi32>
      %gather3A_194 = vector.shape_cast %broadcast_in_dim3A_193 : vector<16x1xi32> to vector<16xi32>
      %gather3A_195 = tpu.dynamic_gather %get3A_192[%gather3A_194] in [0] : vector<16xf32>, vector<16xi32> -> vector<16xf32>
      %mul3A_196 = arith.constant 0.949999988 : f32
      %mul3A_197 = vector.broadcast %mul3A_196 : f32 to vector<16xf32>
      %mul3A_198 = arith.mulf %gather3A_195, %mul3A_197 : vector<16xf32>
      %parallel_loop3A_199 = arith.constant 0 : i32
      %parallel_loop3A_200 = arith.constant 16 : i32
      scf.for %parallel_loop3A_485 = %parallel_loop3A_199 to %mul3A_153 step %parallel_loop3A_200  : i32 {
        %parallel_loop3A_486 = arith.constant 1 : i32
        %parallel_loop3A_487 = arith.index_cast %select_n3A_130 : i32 to index
        %parallel_loop3A_488 = arith.index_cast %parallel_loop3A_486 : i32 to index
        %parallel_loop3A_489 = arith.index_cast %parallel_loop3A_485 : i32 to index
        %parallel_loop3A_490 = tpu.vector_load %arg4[%parallel_loop3A_487, %parallel_loop3A_488, %parallel_loop3A_489] {strides = array<i32>} : memref<3x8x4096xf32, #tpu.memory_space<vmem>>, vector<1x1x16xf32>,
        %parallel_loop3A_491 = vector.shape_cast %parallel_loop3A_490 : vector<1x1x16xf32> to vector<16xf32>
        %parallel_loop3A_492 = arith.cmpf ogt, %parallel_loop3A_491, %mul3A_198 : vector<16xf32>
        %parallel_loop3A_493 = arith.constant 5.000000e-01 : f32
        %parallel_loop3A_494 = vector.broadcast %parallel_loop3A_493 : f32 to vector<16xf32>
        %parallel_loop3A_495 = arith.mulf %parallel_loop3A_491, %parallel_loop3A_494 : vector<16xf32>
        %parallel_loop3A_496 = arith.select %parallel_loop3A_492, %parallel_loop3A_495, %parallel_loop3A_491 : vector<16xi1>, vector<16xf32>
        %parallel_loop3A_497 = arith.constant 1 : i32
        %parallel_loop3A_498 = arith.index_cast %select_n3A_130 : i32 to index
        %parallel_loop3A_499 = arith.index_cast %parallel_loop3A_497 : i32 to index
        %parallel_loop3A_500 = arith.index_cast %parallel_loop3A_485 : i32 to index
        %parallel_loop3A_501 = tpu.vector_load %arg4[%parallel_loop3A_498, %parallel_loop3A_499, %parallel_loop3A_500] {strides = array<i32>} : memref<3x8x4096xf32, #tpu.memory_space<vmem>>, vector<1x1x16xf32>,
        %parallel_loop3A_502 = vector.shape_cast %parallel_loop3A_501 : vector<1x1x16xf32> to vector<16xf32>
        %parallel_loop3A_503 = vector.shape_cast %parallel_loop3A_496 : vector<16xf32> to vector<1x1x16xf32>
        tpu.vector_store %arg4[%parallel_loop3A_498, %parallel_loop3A_499, %parallel_loop3A_500], %parallel_loop3A_503 {strides = array<i32>} : memref<3x8x4096xf32, #tpu.memory_space<vmem>>, vector<1x1x16xf32>,
      } {sc.loop_unroll_factor = 8 : i64, sc.parallel_access}
      %add3A_201 = arith.constant 16 : i32
      %add3A_202 = arith.addi %mul3A_153, %add3A_201 : i32
      %parallel_loop3A_203 = arith.constant 4096 : i32
      %parallel_loop3A_204 = arith.constant 16 : i32
      scf.for %parallel_loop3A_485 = %add3A_202 to %parallel_loop3A_203 step %parallel_loop3A_204  : i32 {
        %parallel_loop3A_486 = arith.constant 1 : i32
        %parallel_loop3A_487 = arith.index_cast %select_n3A_130 : i32 to index
        %parallel_loop3A_488 = arith.index_cast %parallel_loop3A_486 : i32 to index
        %parallel_loop3A_489 = arith.index_cast %parallel_loop3A_485 : i32 to index
        %parallel_loop3A_490 = tpu.vector_load %arg4[%parallel_loop3A_487, %parallel_loop3A_488, %parallel_loop3A_489] {strides = array<i32>} : memref<3x8x4096xf32, #tpu.memory_space<vmem>>, vector<1x1x16xf32>,
        %parallel_loop3A_491 = vector.shape_cast %parallel_loop3A_490 : vector<1x1x16xf32> to vector<16xf32>
        %parallel_loop3A_492 = arith.cmpf ogt, %parallel_loop3A_491, %mul3A_198 : vector<16xf32>
        %parallel_loop3A_493 = arith.constant 5.000000e-01 : f32
        %parallel_loop3A_494 = vector.broadcast %parallel_loop3A_493 : f32 to vector<16xf32>
        %parallel_loop3A_495 = arith.mulf %parallel_loop3A_491, %parallel_loop3A_494 : vector<16xf32>
        %parallel_loop3A_496 = arith.select %parallel_loop3A_492, %parallel_loop3A_495, %parallel_loop3A_491 : vector<16xi1>, vector<16xf32>
        %parallel_loop3A_497 = arith.constant 1 : i32
        %parallel_loop3A_498 = arith.index_cast %select_n3A_130 : i32 to index
        %parallel_loop3A_499 = arith.index_cast %parallel_loop3A_497 : i32 to index
        %parallel_loop3A_500 = arith.index_cast %parallel_loop3A_485 : i32 to index
        %parallel_loop3A_501 = tpu.vector_load %arg4[%parallel_loop3A_498, %parallel_loop3A_499, %parallel_loop3A_500] {strides = array<i32>} : memref<3x8x4096xf32, #tpu.memory_space<vmem>>, vector<1x1x16xf32>,
        %parallel_loop3A_502 = vector.shape_cast %parallel_loop3A_501 : vector<1x1x16xf32> to vector<16xf32>
        %parallel_loop3A_503 = vector.shape_cast %parallel_loop3A_496 : vector<16xf32> to vector<1x1x16xf32>
        tpu.vector_store %arg4[%parallel_loop3A_498, %parallel_loop3A_499, %parallel_loop3A_500], %parallel_loop3A_503 {strides = array<i32>} : memref<3x8x4096xf32, #tpu.memory_space<vmem>>, vector<1x1x16xf32>,
      } {sc.loop_unroll_factor = 8 : i64, sc.parallel_access}
      %gt3A_205 = arith.cmpf ogt, %get3A_192, %mul3A_198 : vector<16xf32>
      %ne3A_206 = vector.broadcast %add3A_186 : i32 to vector<16xi32>
      %ne3A_207 = arith.cmpi ne, %iota3A, %ne3A_206 : vector<16xi32>
      %and3A_208 = arith.andi %gt3A_205, %ne3A_207 : vector<16xi1>
      %mul3A_209 = arith.constant 5.000000e-01 : f32
      %mul3A_210 = vector.broadcast %mul3A_209 : f32 to vector<16xf32>
      %mul3A_211 = arith.mulf %get3A_192, %mul3A_210 : vector<16xf32>
      %select_n3A_212 = arith.select %and3A_208, %mul3A_211, %get3A_192 : vector<16xi1>, vector<16xf32>
      %swap3A_213 = arith.constant 1 : i32
      %swap3A_214 = arith.index_cast %select_n3A_130 : i32 to index
      %swap3A_215 = arith.index_cast %swap3A_213 : i32 to index
      %swap3A_216 = arith.index_cast %mul3A_153 : i32 to index
      %swap3A_217 = tpu.vector_load %arg4[%swap3A_214, %swap3A_215, %swap3A_216] {strides = array<i32>} : memref<3x8x4096xf32, #tpu.memory_space<vmem>>, vector<1x1x16xf32>,
      %swap3A_218 = vector.shape_cast %swap3A_217 : vector<1x1x16xf32> to vector<16xf32>
      %swap3A_219 = vector.shape_cast %select_n3A_212 : vector<16xf32> to vector<1x1x16xf32>
      tpu.vector_store %arg4[%swap3A_214, %swap3A_215, %swap3A_216], %swap3A_219 {strides = array<i32>} : memref<3x8x4096xf32, #tpu.memory_space<vmem>>, vector<1x1x16xf32>,
      %sub3A_220 = arith.subi %add3A_114, %mul3A_153 : i32
      %add3A_221 = arith.constant 2 : i32
      %add3A_222 = arith.addi %sub3A_220, %add3A_221 : i32
      %get3A_223 = arith.constant 2 : i32
      %get3A_224 = arith.index_cast %select_n3A_130 : i32 to index
      %get3A_225 = arith.index_cast %get3A_223 : i32 to index
      %get3A_226 = arith.index_cast %mul3A_153 : i32 to index
      %get3A_227 = tpu.vector_load %arg4[%get3A_224, %get3A_225, %get3A_226] {strides = array<i32>} : memref<3x8x4096xf32, #tpu.memory_space<vmem>>, vector<1x1x16xf32>,
      %get3A_228 = vector.shape_cast %get3A_227 : vector<1x1x16xf32> to vector<16xf32>
      %broadcast_in_dim3A_229 = vector.broadcast %add3A_222 : i32 to vector<16x1xi32>
      %gather3A_230 = vector.shape_cast %broadcast_in_dim3A_229 : vector<16x1xi32> to vector<16xi32>
      %gather3A_231 = tpu.dynamic_gather %get3A_228[%gather3A_230] in [0] : vector<16xf32>, vector<16xi32> -> vector<16xf32>
      %mul3A_232 = arith.constant 0.949999988 : f32
      %mul3A_233 = vector.broadcast %mul3A_232 : f32 to vector<16xf32>
      %mul3A_234 = arith.mulf %gather3A_231, %mul3A_233 : vector<16xf32>
      %parallel_loop3A_235 = arith.constant 0 : i32
      %parallel_loop3A_236 = arith.constant 16 : i32
      scf.for %parallel_loop3A_485 = %parallel_loop3A_235 to %mul3A_153 step %parallel_loop3A_236  : i32 {
        %parallel_loop3A_486 = arith.constant 2 : i32
        %parallel_loop3A_487 = arith.index_cast %select_n3A_130 : i32 to index
        %parallel_loop3A_488 = arith.index_cast %parallel_loop3A_486 : i32 to index
        %parallel_loop3A_489 = arith.index_cast %parallel_loop3A_485 : i32 to index
        %parallel_loop3A_490 = tpu.vector_load %arg4[%parallel_loop3A_487, %parallel_loop3A_488, %parallel_loop3A_489] {strides = array<i32>} : memref<3x8x4096xf32, #tpu.memory_space<vmem>>, vector<1x1x16xf32>,
        %parallel_loop3A_491 = vector.shape_cast %parallel_loop3A_490 : vector<1x1x16xf32> to vector<16xf32>
        %parallel_loop3A_492 = arith.cmpf ogt, %parallel_loop3A_491, %mul3A_234 : vector<16xf32>
        %parallel_loop3A_493 = arith.constant 5.000000e-01 : f32
        %parallel_loop3A_494 = vector.broadcast %parallel_loop3A_493 : f32 to vector<16xf32>
        %parallel_loop3A_495 = arith.mulf %parallel_loop3A_491, %parallel_loop3A_494 : vector<16xf32>
        %parallel_loop3A_496 = arith.select %parallel_loop3A_492, %parallel_loop3A_495, %parallel_loop3A_491 : vector<16xi1>, vector<16xf32>
        %parallel_loop3A_497 = arith.constant 2 : i32
        %parallel_loop3A_498 = arith.index_cast %select_n3A_130 : i32 to index
        %parallel_loop3A_499 = arith.index_cast %parallel_loop3A_497 : i32 to index
        %parallel_loop3A_500 = arith.index_cast %parallel_loop3A_485 : i32 to index
        %parallel_loop3A_501 = tpu.vector_load %arg4[%parallel_loop3A_498, %parallel_loop3A_499, %parallel_loop3A_500] {strides = array<i32>} : memref<3x8x4096xf32, #tpu.memory_space<vmem>>, vector<1x1x16xf32>,
        %parallel_loop3A_502 = vector.shape_cast %parallel_loop3A_501 : vector<1x1x16xf32> to vector<16xf32>
        %parallel_loop3A_503 = vector.shape_cast %parallel_loop3A_496 : vector<16xf32> to vector<1x1x16xf32>
        tpu.vector_store %arg4[%parallel_loop3A_498, %parallel_loop3A_499, %parallel_loop3A_500], %parallel_loop3A_503 {strides = array<i32>} : memref<3x8x4096xf32, #tpu.memory_space<vmem>>, vector<1x1x16xf32>,
      } {sc.loop_unroll_factor = 8 : i64, sc.parallel_access}
      %add3A_237 = arith.constant 16 : i32
      %add3A_238 = arith.addi %mul3A_153, %add3A_237 : i32
      %parallel_loop3A_239 = arith.constant 4096 : i32
      %parallel_loop3A_240 = arith.constant 16 : i32
      scf.for %parallel_loop3A_485 = %add3A_238 to %parallel_loop3A_239 step %parallel_loop3A_240  : i32 {
        %parallel_loop3A_486 = arith.constant 2 : i32
        %parallel_loop3A_487 = arith.index_cast %select_n3A_130 : i32 to index
        %parallel_loop3A_488 = arith.index_cast %parallel_loop3A_486 : i32 to index
        %parallel_loop3A_489 = arith.index_cast %parallel_loop3A_485 : i32 to index
        %parallel_loop3A_490 = tpu.vector_load %arg4[%parallel_loop3A_487, %parallel_loop3A_488, %parallel_loop3A_489] {strides = array<i32>} : memref<3x8x4096xf32, #tpu.memory_space<vmem>>, vector<1x1x16xf32>,
        %parallel_loop3A_491 = vector.shape_cast %parallel_loop3A_490 : vector<1x1x16xf32> to vector<16xf32>
        %parallel_loop3A_492 = arith.cmpf ogt, %parallel_loop3A_491, %mul3A_234 : vector<16xf32>
        %parallel_loop3A_493 = arith.constant 5.000000e-01 : f32
        %parallel_loop3A_494 = vector.broadcast %parallel_loop3A_493 : f32 to vector<16xf32>
        %parallel_loop3A_495 = arith.mulf %parallel_loop3A_491, %parallel_loop3A_494 : vector<16xf32>
        %parallel_loop3A_496 = arith.select %parallel_loop3A_492, %parallel_loop3A_495, %parallel_loop3A_491 : vector<16xi1>, vector<16xf32>
        %parallel_loop3A_497 = arith.constant 2 : i32
        %parallel_loop3A_498 = arith.index_cast %select_n3A_130 : i32 to index
        %parallel_loop3A_499 = arith.index_cast %parallel_loop3A_497 : i32 to index
        %parallel_loop3A_500 = arith.index_cast %parallel_loop3A_485 : i32 to index
        %parallel_loop3A_501 = tpu.vector_load %arg4[%parallel_loop3A_498, %parallel_loop3A_499, %parallel_loop3A_500] {strides = array<i32>} : memref<3x8x4096xf32, #tpu.memory_space<vmem>>, vector<1x1x16xf32>,
        %parallel_loop3A_502 = vector.shape_cast %parallel_loop3A_501 : vector<1x1x16xf32> to vector<16xf32>
        %parallel_loop3A_503 = vector.shape_cast %parallel_loop3A_496 : vector<16xf32> to vector<1x1x16xf32>
        tpu.vector_store %arg4[%parallel_loop3A_498, %parallel_loop3A_499, %parallel_loop3A_500], %parallel_loop3A_503 {strides = array<i32>} : memref<3x8x4096xf32, #tpu.memory_space<vmem>>, vector<1x1x16xf32>,
      } {sc.loop_unroll_factor = 8 : i64, sc.parallel_access}
      %gt3A_241 = arith.cmpf ogt, %get3A_228, %mul3A_234 : vector<16xf32>
      %ne3A_242 = vector.broadcast %add3A_222 : i32 to vector<16xi32>
      %ne3A_243 = arith.cmpi ne, %iota3A, %ne3A_242 : vector<16xi32>
      %and3A_244 = arith.andi %gt3A_241, %ne3A_243 : vector<16xi1>
      %mul3A_245 = arith.constant 5.000000e-01 : f32
      %mul3A_246 = vector.broadcast %mul3A_245 : f32 to vector<16xf32>
      %mul3A_247 = arith.mulf %get3A_228, %mul3A_246 : vector<16xf32>
      %select_n3A_248 = arith.select %and3A_244, %mul3A_247, %get3A_228 : vector<16xi1>, vector<16xf32>
      %swap3A_249 = arith.constant 2 : i32
      %swap3A_250 = arith.index_cast %select_n3A_130 : i32 to index
      %swap3A_251 = arith.index_cast %swap3A_249 : i32 to index
      %swap3A_252 = arith.index_cast %mul3A_153 : i32 to index
      %swap3A_253 = tpu.vector_load %arg4[%swap3A_250, %swap3A_251, %swap3A_252] {strides = array<i32>} : memref<3x8x4096xf32, #tpu.memory_space<vmem>>, vector<1x1x16xf32>,
      %swap3A_254 = vector.shape_cast %swap3A_253 : vector<1x1x16xf32> to vector<16xf32>
      %swap3A_255 = vector.shape_cast %select_n3A_248 : vector<16xf32> to vector<1x1x16xf32>
      tpu.vector_store %arg4[%swap3A_250, %swap3A_251, %swap3A_252], %swap3A_255 {strides = array<i32>} : memref<3x8x4096xf32, #tpu.memory_space<vmem>>, vector<1x1x16xf32>,
      %sub3A_256 = arith.subi %add3A_114, %mul3A_153 : i32
      %add3A_257 = arith.constant 3 : i32
      %add3A_258 = arith.addi %sub3A_256, %add3A_257 : i32
      %get3A_259 = arith.constant 3 : i32
      %get3A_260 = arith.index_cast %select_n3A_130 : i32 to index
      %get3A_261 = arith.index_cast %get3A_259 : i32 to index
      %get3A_262 = arith.index_cast %mul3A_153 : i32 to index
      %get3A_263 = tpu.vector_load %arg4[%get3A_260, %get3A_261, %get3A_262] {strides = array<i32>} : memref<3x8x4096xf32, #tpu.memory_space<vmem>>, vector<1x1x16xf32>,
      %get3A_264 = vector.shape_cast %get3A_263 : vector<1x1x16xf32> to vector<16xf32>
      %broadcast_in_dim3A_265 = vector.broadcast %add3A_258 : i32 to vector<16x1xi32>
      %gather3A_266 = vector.shape_cast %broadcast_in_dim3A_265 : vector<16x1xi32> to vector<16xi32>
      %gather3A_267 = tpu.dynamic_gather %get3A_264[%gather3A_266] in [0] : vector<16xf32>, vector<16xi32> -> vector<16xf32>
      %mul3A_268 = arith.constant 0.949999988 : f32
      %mul3A_269 = vector.broadcast %mul3A_268 : f32 to vector<16xf32>
      %mul3A_270 = arith.mulf %gather3A_267, %mul3A_269 : vector<16xf32>
      %parallel_loop3A_271 = arith.constant 0 : i32
      %parallel_loop3A_272 = arith.constant 16 : i32
      scf.for %parallel_loop3A_485 = %parallel_loop3A_271 to %mul3A_153 step %parallel_loop3A_272  : i32 {
        %parallel_loop3A_486 = arith.constant 3 : i32
        %parallel_loop3A_487 = arith.index_cast %select_n3A_130 : i32 to index
        %parallel_loop3A_488 = arith.index_cast %parallel_loop3A_486 : i32 to index
        %parallel_loop3A_489 = arith.index_cast %parallel_loop3A_485 : i32 to index
        %parallel_loop3A_490 = tpu.vector_load %arg4[%parallel_loop3A_487, %parallel_loop3A_488, %parallel_loop3A_489] {strides = array<i32>} : memref<3x8x4096xf32, #tpu.memory_space<vmem>>, vector<1x1x16xf32>,
        %parallel_loop3A_491 = vector.shape_cast %parallel_loop3A_490 : vector<1x1x16xf32> to vector<16xf32>
        %parallel_loop3A_492 = arith.cmpf ogt, %parallel_loop3A_491, %mul3A_270 : vector<16xf32>
        %parallel_loop3A_493 = arith.constant 5.000000e-01 : f32
        %parallel_loop3A_494 = vector.broadcast %parallel_loop3A_493 : f32 to vector<16xf32>
        %parallel_loop3A_495 = arith.mulf %parallel_loop3A_491, %parallel_loop3A_494 : vector<16xf32>
        %parallel_loop3A_496 = arith.select %parallel_loop3A_492, %parallel_loop3A_495, %parallel_loop3A_491 : vector<16xi1>, vector<16xf32>
        %parallel_loop3A_497 = arith.constant 3 : i32
        %parallel_loop3A_498 = arith.index_cast %select_n3A_130 : i32 to index
        %parallel_loop3A_499 = arith.index_cast %parallel_loop3A_497 : i32 to index
        %parallel_loop3A_500 = arith.index_cast %parallel_loop3A_485 : i32 to index
        %parallel_loop3A_501 = tpu.vector_load %arg4[%parallel_loop3A_498, %parallel_loop3A_499, %parallel_loop3A_500] {strides = array<i32>} : memref<3x8x4096xf32, #tpu.memory_space<vmem>>, vector<1x1x16xf32>,
        %parallel_loop3A_502 = vector.shape_cast %parallel_loop3A_501 : vector<1x1x16xf32> to vector<16xf32>
        %parallel_loop3A_503 = vector.shape_cast %parallel_loop3A_496 : vector<16xf32> to vector<1x1x16xf32>
        tpu.vector_store %arg4[%parallel_loop3A_498, %parallel_loop3A_499, %parallel_loop3A_500], %parallel_loop3A_503 {strides = array<i32>} : memref<3x8x4096xf32, #tpu.memory_space<vmem>>, vector<1x1x16xf32>,
      } {sc.loop_unroll_factor = 8 : i64, sc.parallel_access}
      %add3A_273 = arith.constant 16 : i32
      %add3A_274 = arith.addi %mul3A_153, %add3A_273 : i32
      %parallel_loop3A_275 = arith.constant 4096 : i32
      %parallel_loop3A_276 = arith.constant 16 : i32
      scf.for %parallel_loop3A_485 = %add3A_274 to %parallel_loop3A_275 step %parallel_loop3A_276  : i32 {
        %parallel_loop3A_486 = arith.constant 3 : i32
        %parallel_loop3A_487 = arith.index_cast %select_n3A_130 : i32 to index
        %parallel_loop3A_488 = arith.index_cast %parallel_loop3A_486 : i32 to index
        %parallel_loop3A_489 = arith.index_cast %parallel_loop3A_485 : i32 to index
        %parallel_loop3A_490 = tpu.vector_load %arg4[%parallel_loop3A_487, %parallel_loop3A_488, %parallel_loop3A_489] {strides = array<i32>} : memref<3x8x4096xf32, #tpu.memory_space<vmem>>, vector<1x1x16xf32>,
        %parallel_loop3A_491 = vector.shape_cast %parallel_loop3A_490 : vector<1x1x16xf32> to vector<16xf32>
        %parallel_loop3A_492 = arith.cmpf ogt, %parallel_loop3A_491, %mul3A_270 : vector<16xf32>
        %parallel_loop3A_493 = arith.constant 5.000000e-01 : f32
        %parallel_loop3A_494 = vector.broadcast %parallel_loop3A_493 : f32 to vector<16xf32>
        %parallel_loop3A_495 = arith.mulf %parallel_loop3A_491, %parallel_loop3A_494 : vector<16xf32>
        %parallel_loop3A_496 = arith.select %parallel_loop3A_492, %parallel_loop3A_495, %parallel_loop3A_491 : vector<16xi1>, vector<16xf32>
        %parallel_loop3A_497 = arith.constant 3 : i32
        %parallel_loop3A_498 = arith.index_cast %select_n3A_130 : i32 to index
        %parallel_loop3A_499 = arith.index_cast %parallel_loop3A_497 : i32 to index
        %parallel_loop3A_500 = arith.index_cast %parallel_loop3A_485 : i32 to index
        %parallel_loop3A_501 = tpu.vector_load %arg4[%parallel_loop3A_498, %parallel_loop3A_499, %parallel_loop3A_500] {strides = array<i32>} : memref<3x8x4096xf32, #tpu.memory_space<vmem>>, vector<1x1x16xf32>,
        %parallel_loop3A_502 = vector.shape_cast %parallel_loop3A_501 : vector<1x1x16xf32> to vector<16xf32>
        %parallel_loop3A_503 = vector.shape_cast %parallel_loop3A_496 : vector<16xf32> to vector<1x1x16xf32>
        tpu.vector_store %arg4[%parallel_loop3A_498, %parallel_loop3A_499, %parallel_loop3A_500], %parallel_loop3A_503 {strides = array<i32>} : memref<3x8x4096xf32, #tpu.memory_space<vmem>>, vector<1x1x16xf32>,
      } {sc.loop_unroll_factor = 8 : i64, sc.parallel_access}
      %gt3A_277 = arith.cmpf ogt, %get3A_264, %mul3A_270 : vector<16xf32>
      %ne3A_278 = vector.broadcast %add3A_258 : i32 to vector<16xi32>
      %ne3A_279 = arith.cmpi ne, %iota3A, %ne3A_278 : vector<16xi32>
      %and3A_280 = arith.andi %gt3A_277, %ne3A_279 : vector<16xi1>
      %mul3A_281 = arith.constant 5.000000e-01 : f32
      %mul3A_282 = vector.broadcast %mul3A_281 : f32 to vector<16xf32>
      %mul3A_283 = arith.mulf %get3A_264, %mul3A_282 : vector<16xf32>
      %select_n3A_284 = arith.select %and3A_280, %mul3A_283, %get3A_264 : vector<16xi1>, vector<16xf32>
      %swap3A_285 = arith.constant 3 : i32
      %swap3A_286 = arith.index_cast %select_n3A_130 : i32 to index
      %swap3A_287 = arith.index_cast %swap3A_285 : i32 to index
      %swap3A_288 = arith.index_cast %mul3A_153 : i32 to index
      %swap3A_289 = tpu.vector_load %arg4[%swap3A_286, %swap3A_287, %swap3A_288] {strides = array<i32>} : memref<3x8x4096xf32, #tpu.memory_space<vmem>>, vector<1x1x16xf32>,
      %swap3A_290 = vector.shape_cast %swap3A_289 : vector<1x1x16xf32> to vector<16xf32>
      %swap3A_291 = vector.shape_cast %select_n3A_284 : vector<16xf32> to vector<1x1x16xf32>
      tpu.vector_store %arg4[%swap3A_286, %swap3A_287, %swap3A_288], %swap3A_291 {strides = array<i32>} : memref<3x8x4096xf32, #tpu.memory_space<vmem>>, vector<1x1x16xf32>,
      %sub3A_292 = arith.subi %add3A_114, %mul3A_153 : i32
      %add3A_293 = arith.constant 4 : i32
      %add3A_294 = arith.addi %sub3A_292, %add3A_293 : i32
      %get3A_295 = arith.constant 4 : i32
      %get3A_296 = arith.index_cast %select_n3A_130 : i32 to index
      %get3A_297 = arith.index_cast %get3A_295 : i32 to index
      %get3A_298 = arith.index_cast %mul3A_153 : i32 to index
      %get3A_299 = tpu.vector_load %arg4[%get3A_296, %get3A_297, %get3A_298] {strides = array<i32>} : memref<3x8x4096xf32, #tpu.memory_space<vmem>>, vector<1x1x16xf32>,
      %get3A_300 = vector.shape_cast %get3A_299 : vector<1x1x16xf32> to vector<16xf32>
      %broadcast_in_dim3A_301 = vector.broadcast %add3A_294 : i32 to vector<16x1xi32>
      %gather3A_302 = vector.shape_cast %broadcast_in_dim3A_301 : vector<16x1xi32> to vector<16xi32>
      %gather3A_303 = tpu.dynamic_gather %get3A_300[%gather3A_302] in [0] : vector<16xf32>, vector<16xi32> -> vector<16xf32>
      %mul3A_304 = arith.constant 0.949999988 : f32
      %mul3A_305 = vector.broadcast %mul3A_304 : f32 to vector<16xf32>
      %mul3A_306 = arith.mulf %gather3A_303, %mul3A_305 : vector<16xf32>
      %parallel_loop3A_307 = arith.constant 0 : i32
      %parallel_loop3A_308 = arith.constant 16 : i32
      scf.for %parallel_loop3A_485 = %parallel_loop3A_307 to %mul3A_153 step %parallel_loop3A_308  : i32 {
        %parallel_loop3A_486 = arith.constant 4 : i32
        %parallel_loop3A_487 = arith.index_cast %select_n3A_130 : i32 to index
        %parallel_loop3A_488 = arith.index_cast %parallel_loop3A_486 : i32 to index
        %parallel_loop3A_489 = arith.index_cast %parallel_loop3A_485 : i32 to index
        %parallel_loop3A_490 = tpu.vector_load %arg4[%parallel_loop3A_487, %parallel_loop3A_488, %parallel_loop3A_489] {strides = array<i32>} : memref<3x8x4096xf32, #tpu.memory_space<vmem>>, vector<1x1x16xf32>,
        %parallel_loop3A_491 = vector.shape_cast %parallel_loop3A_490 : vector<1x1x16xf32> to vector<16xf32>
        %parallel_loop3A_492 = arith.cmpf ogt, %parallel_loop3A_491, %mul3A_306 : vector<16xf32>
        %parallel_loop3A_493 = arith.constant 5.000000e-01 : f32
        %parallel_loop3A_494 = vector.broadcast %parallel_loop3A_493 : f32 to vector<16xf32>
        %parallel_loop3A_495 = arith.mulf %parallel_loop3A_491, %parallel_loop3A_494 : vector<16xf32>
        %parallel_loop3A_496 = arith.select %parallel_loop3A_492, %parallel_loop3A_495, %parallel_loop3A_491 : vector<16xi1>, vector<16xf32>
        %parallel_loop3A_497 = arith.constant 4 : i32
        %parallel_loop3A_498 = arith.index_cast %select_n3A_130 : i32 to index
        %parallel_loop3A_499 = arith.index_cast %parallel_loop3A_497 : i32 to index
        %parallel_loop3A_500 = arith.index_cast %parallel_loop3A_485 : i32 to index
        %parallel_loop3A_501 = tpu.vector_load %arg4[%parallel_loop3A_498, %parallel_loop3A_499, %parallel_loop3A_500] {strides = array<i32>} : memref<3x8x4096xf32, #tpu.memory_space<vmem>>, vector<1x1x16xf32>,
        %parallel_loop3A_502 = vector.shape_cast %parallel_loop3A_501 : vector<1x1x16xf32> to vector<16xf32>
        %parallel_loop3A_503 = vector.shape_cast %parallel_loop3A_496 : vector<16xf32> to vector<1x1x16xf32>
        tpu.vector_store %arg4[%parallel_loop3A_498, %parallel_loop3A_499, %parallel_loop3A_500], %parallel_loop3A_503 {strides = array<i32>} : memref<3x8x4096xf32, #tpu.memory_space<vmem>>, vector<1x1x16xf32>,
      } {sc.loop_unroll_factor = 8 : i64, sc.parallel_access}
      %add3A_309 = arith.constant 16 : i32
      %add3A_310 = arith.addi %mul3A_153, %add3A_309 : i32
      %parallel_loop3A_311 = arith.constant 4096 : i32
      %parallel_loop3A_312 = arith.constant 16 : i32
      scf.for %parallel_loop3A_485 = %add3A_310 to %parallel_loop3A_311 step %parallel_loop3A_312  : i32 {
        %parallel_loop3A_486 = arith.constant 4 : i32
        %parallel_loop3A_487 = arith.index_cast %select_n3A_130 : i32 to index
        %parallel_loop3A_488 = arith.index_cast %parallel_loop3A_486 : i32 to index
        %parallel_loop3A_489 = arith.index_cast %parallel_loop3A_485 : i32 to index
        %parallel_loop3A_490 = tpu.vector_load %arg4[%parallel_loop3A_487, %parallel_loop3A_488, %parallel_loop3A_489] {strides = array<i32>} : memref<3x8x4096xf32, #tpu.memory_space<vmem>>, vector<1x1x16xf32>,
        %parallel_loop3A_491 = vector.shape_cast %parallel_loop3A_490 : vector<1x1x16xf32> to vector<16xf32>
        %parallel_loop3A_492 = arith.cmpf ogt, %parallel_loop3A_491, %mul3A_306 : vector<16xf32>
        %parallel_loop3A_493 = arith.constant 5.000000e-01 : f32
        %parallel_loop3A_494 = vector.broadcast %parallel_loop3A_493 : f32 to vector<16xf32>
        %parallel_loop3A_495 = arith.mulf %parallel_loop3A_491, %parallel_loop3A_494 : vector<16xf32>
        %parallel_loop3A_496 = arith.select %parallel_loop3A_492, %parallel_loop3A_495, %parallel_loop3A_491 : vector<16xi1>, vector<16xf32>
        %parallel_loop3A_497 = arith.constant 4 : i32
        %parallel_loop3A_498 = arith.index_cast %select_n3A_130 : i32 to index
        %parallel_loop3A_499 = arith.index_cast %parallel_loop3A_497 : i32 to index
        %parallel_loop3A_500 = arith.index_cast %parallel_loop3A_485 : i32 to index
        %parallel_loop3A_501 = tpu.vector_load %arg4[%parallel_loop3A_498, %parallel_loop3A_499, %parallel_loop3A_500] {strides = array<i32>} : memref<3x8x4096xf32, #tpu.memory_space<vmem>>, vector<1x1x16xf32>,
        %parallel_loop3A_502 = vector.shape_cast %parallel_loop3A_501 : vector<1x1x16xf32> to vector<16xf32>
        %parallel_loop3A_503 = vector.shape_cast %parallel_loop3A_496 : vector<16xf32> to vector<1x1x16xf32>
        tpu.vector_store %arg4[%parallel_loop3A_498, %parallel_loop3A_499, %parallel_loop3A_500], %parallel_loop3A_503 {strides = array<i32>} : memref<3x8x4096xf32, #tpu.memory_space<vmem>>, vector<1x1x16xf32>,
      } {sc.loop_unroll_factor = 8 : i64, sc.parallel_access}
      %gt3A_313 = arith.cmpf ogt, %get3A_300, %mul3A_306 : vector<16xf32>
      %ne3A_314 = vector.broadcast %add3A_294 : i32 to vector<16xi32>
      %ne3A_315 = arith.cmpi ne, %iota3A, %ne3A_314 : vector<16xi32>
      %and3A_316 = arith.andi %gt3A_313, %ne3A_315 : vector<16xi1>
      %mul3A_317 = arith.constant 5.000000e-01 : f32
      %mul3A_318 = vector.broadcast %mul3A_317 : f32 to vector<16xf32>
      %mul3A_319 = arith.mulf %get3A_300, %mul3A_318 : vector<16xf32>
      %select_n3A_320 = arith.select %and3A_316, %mul3A_319, %get3A_300 : vector<16xi1>, vector<16xf32>
      %swap3A_321 = arith.constant 4 : i32
      %swap3A_322 = arith.index_cast %select_n3A_130 : i32 to index
      %swap3A_323 = arith.index_cast %swap3A_321 : i32 to index
      %swap3A_324 = arith.index_cast %mul3A_153 : i32 to index
      %swap3A_325 = tpu.vector_load %arg4[%swap3A_322, %swap3A_323, %swap3A_324] {strides = array<i32>} : memref<3x8x4096xf32, #tpu.memory_space<vmem>>, vector<1x1x16xf32>,
      %swap3A_326 = vector.shape_cast %swap3A_325 : vector<1x1x16xf32> to vector<16xf32>
      %swap3A_327 = vector.shape_cast %select_n3A_320 : vector<16xf32> to vector<1x1x16xf32>
      tpu.vector_store %arg4[%swap3A_322, %swap3A_323, %swap3A_324], %swap3A_327 {strides = array<i32>} : memref<3x8x4096xf32, #tpu.memory_space<vmem>>, vector<1x1x16xf32>,
      %sub3A_328 = arith.subi %add3A_114, %mul3A_153 : i32
      %add3A_329 = arith.constant 5 : i32
      %add3A_330 = arith.addi %sub3A_328, %add3A_329 : i32
      %get3A_331 = arith.constant 5 : i32
      %get3A_332 = arith.index_cast %select_n3A_130 : i32 to index
      %get3A_333 = arith.index_cast %get3A_331 : i32 to index
      %get3A_334 = arith.index_cast %mul3A_153 : i32 to index
      %get3A_335 = tpu.vector_load %arg4[%get3A_332, %get3A_333, %get3A_334] {strides = array<i32>} : memref<3x8x4096xf32, #tpu.memory_space<vmem>>, vector<1x1x16xf32>,
      %get3A_336 = vector.shape_cast %get3A_335 : vector<1x1x16xf32> to vector<16xf32>
      %broadcast_in_dim3A_337 = vector.broadcast %add3A_330 : i32 to vector<16x1xi32>
      %gather3A_338 = vector.shape_cast %broadcast_in_dim3A_337 : vector<16x1xi32> to vector<16xi32>
      %gather3A_339 = tpu.dynamic_gather %get3A_336[%gather3A_338] in [0] : vector<16xf32>, vector<16xi32> -> vector<16xf32>
      %mul3A_340 = arith.constant 0.949999988 : f32
      %mul3A_341 = vector.broadcast %mul3A_340 : f32 to vector<16xf32>
      %mul3A_342 = arith.mulf %gather3A_339, %mul3A_341 : vector<16xf32>
      %parallel_loop3A_343 = arith.constant 0 : i32
      %parallel_loop3A_344 = arith.constant 16 : i32
      scf.for %parallel_loop3A_485 = %parallel_loop3A_343 to %mul3A_153 step %parallel_loop3A_344  : i32 {
        %parallel_loop3A_486 = arith.constant 5 : i32
        %parallel_loop3A_487 = arith.index_cast %select_n3A_130 : i32 to index
        %parallel_loop3A_488 = arith.index_cast %parallel_loop3A_486 : i32 to index
        %parallel_loop3A_489 = arith.index_cast %parallel_loop3A_485 : i32 to index
        %parallel_loop3A_490 = tpu.vector_load %arg4[%parallel_loop3A_487, %parallel_loop3A_488, %parallel_loop3A_489] {strides = array<i32>} : memref<3x8x4096xf32, #tpu.memory_space<vmem>>, vector<1x1x16xf32>,
        %parallel_loop3A_491 = vector.shape_cast %parallel_loop3A_490 : vector<1x1x16xf32> to vector<16xf32>
        %parallel_loop3A_492 = arith.cmpf ogt, %parallel_loop3A_491, %mul3A_342 : vector<16xf32>
        %parallel_loop3A_493 = arith.constant 5.000000e-01 : f32
        %parallel_loop3A_494 = vector.broadcast %parallel_loop3A_493 : f32 to vector<16xf32>
        %parallel_loop3A_495 = arith.mulf %parallel_loop3A_491, %parallel_loop3A_494 : vector<16xf32>
        %parallel_loop3A_496 = arith.select %parallel_loop3A_492, %parallel_loop3A_495, %parallel_loop3A_491 : vector<16xi1>, vector<16xf32>
        %parallel_loop3A_497 = arith.constant 5 : i32
        %parallel_loop3A_498 = arith.index_cast %select_n3A_130 : i32 to index
        %parallel_loop3A_499 = arith.index_cast %parallel_loop3A_497 : i32 to index
        %parallel_loop3A_500 = arith.index_cast %parallel_loop3A_485 : i32 to index
        %parallel_loop3A_501 = tpu.vector_load %arg4[%parallel_loop3A_498, %parallel_loop3A_499, %parallel_loop3A_500] {strides = array<i32>} : memref<3x8x4096xf32, #tpu.memory_space<vmem>>, vector<1x1x16xf32>,
        %parallel_loop3A_502 = vector.shape_cast %parallel_loop3A_501 : vector<1x1x16xf32> to vector<16xf32>
        %parallel_loop3A_503 = vector.shape_cast %parallel_loop3A_496 : vector<16xf32> to vector<1x1x16xf32>
        tpu.vector_store %arg4[%parallel_loop3A_498, %parallel_loop3A_499, %parallel_loop3A_500], %parallel_loop3A_503 {strides = array<i32>} : memref<3x8x4096xf32, #tpu.memory_space<vmem>>, vector<1x1x16xf32>,
      } {sc.loop_unroll_factor = 8 : i64, sc.parallel_access}
      %add3A_345 = arith.constant 16 : i32
      %add3A_346 = arith.addi %mul3A_153, %add3A_345 : i32
      %parallel_loop3A_347 = arith.constant 4096 : i32
      %parallel_loop3A_348 = arith.constant 16 : i32
      scf.for %parallel_loop3A_485 = %add3A_346 to %parallel_loop3A_347 step %parallel_loop3A_348  : i32 {
        %parallel_loop3A_486 = arith.constant 5 : i32
        %parallel_loop3A_487 = arith.index_cast %select_n3A_130 : i32 to index
        %parallel_loop3A_488 = arith.index_cast %parallel_loop3A_486 : i32 to index
        %parallel_loop3A_489 = arith.index_cast %parallel_loop3A_485 : i32 to index
        %parallel_loop3A_490 = tpu.vector_load %arg4[%parallel_loop3A_487, %parallel_loop3A_488, %parallel_loop3A_489] {strides = array<i32>} : memref<3x8x4096xf32, #tpu.memory_space<vmem>>, vector<1x1x16xf32>,
        %parallel_loop3A_491 = vector.shape_cast %parallel_loop3A_490 : vector<1x1x16xf32> to vector<16xf32>
        %parallel_loop3A_492 = arith.cmpf ogt, %parallel_loop3A_491, %mul3A_342 : vector<16xf32>
        %parallel_loop3A_493 = arith.constant 5.000000e-01 : f32
        %parallel_loop3A_494 = vector.broadcast %parallel_loop3A_493 : f32 to vector<16xf32>
        %parallel_loop3A_495 = arith.mulf %parallel_loop3A_491, %parallel_loop3A_494 : vector<16xf32>
        %parallel_loop3A_496 = arith.select %parallel_loop3A_492, %parallel_loop3A_495, %parallel_loop3A_491 : vector<16xi1>, vector<16xf32>
        %parallel_loop3A_497 = arith.constant 5 : i32
        %parallel_loop3A_498 = arith.index_cast %select_n3A_130 : i32 to index
        %parallel_loop3A_499 = arith.index_cast %parallel_loop3A_497 : i32 to index
        %parallel_loop3A_500 = arith.index_cast %parallel_loop3A_485 : i32 to index
        %parallel_loop3A_501 = tpu.vector_load %arg4[%parallel_loop3A_498, %parallel_loop3A_499, %parallel_loop3A_500] {strides = array<i32>} : memref<3x8x4096xf32, #tpu.memory_space<vmem>>, vector<1x1x16xf32>,
        %parallel_loop3A_502 = vector.shape_cast %parallel_loop3A_501 : vector<1x1x16xf32> to vector<16xf32>
        %parallel_loop3A_503 = vector.shape_cast %parallel_loop3A_496 : vector<16xf32> to vector<1x1x16xf32>
        tpu.vector_store %arg4[%parallel_loop3A_498, %parallel_loop3A_499, %parallel_loop3A_500], %parallel_loop3A_503 {strides = array<i32>} : memref<3x8x4096xf32, #tpu.memory_space<vmem>>, vector<1x1x16xf32>,
      } {sc.loop_unroll_factor = 8 : i64, sc.parallel_access}
      %gt3A_349 = arith.cmpf ogt, %get3A_336, %mul3A_342 : vector<16xf32>
      %ne3A_350 = vector.broadcast %add3A_330 : i32 to vector<16xi32>
      %ne3A_351 = arith.cmpi ne, %iota3A, %ne3A_350 : vector<16xi32>
      %and3A_352 = arith.andi %gt3A_349, %ne3A_351 : vector<16xi1>
      %mul3A_353 = arith.constant 5.000000e-01 : f32
      %mul3A_354 = vector.broadcast %mul3A_353 : f32 to vector<16xf32>
      %mul3A_355 = arith.mulf %get3A_336, %mul3A_354 : vector<16xf32>
      %select_n3A_356 = arith.select %and3A_352, %mul3A_355, %get3A_336 : vector<16xi1>, vector<16xf32>
      %swap3A_357 = arith.constant 5 : i32
      %swap3A_358 = arith.index_cast %select_n3A_130 : i32 to index
      %swap3A_359 = arith.index_cast %swap3A_357 : i32 to index
      %swap3A_360 = arith.index_cast %mul3A_153 : i32 to index
      %swap3A_361 = tpu.vector_load %arg4[%swap3A_358, %swap3A_359, %swap3A_360] {strides = array<i32>} : memref<3x8x4096xf32, #tpu.memory_space<vmem>>, vector<1x1x16xf32>,
      %swap3A_362 = vector.shape_cast %swap3A_361 : vector<1x1x16xf32> to vector<16xf32>
      %swap3A_363 = vector.shape_cast %select_n3A_356 : vector<16xf32> to vector<1x1x16xf32>
      tpu.vector_store %arg4[%swap3A_358, %swap3A_359, %swap3A_360], %swap3A_363 {strides = array<i32>} : memref<3x8x4096xf32, #tpu.memory_space<vmem>>, vector<1x1x16xf32>,
      %sub3A_364 = arith.subi %add3A_114, %mul3A_153 : i32
      %add3A_365 = arith.constant 6 : i32
      %add3A_366 = arith.addi %sub3A_364, %add3A_365 : i32
      %get3A_367 = arith.constant 6 : i32
      %get3A_368 = arith.index_cast %select_n3A_130 : i32 to index
      %get3A_369 = arith.index_cast %get3A_367 : i32 to index
      %get3A_370 = arith.index_cast %mul3A_153 : i32 to index
      %get3A_371 = tpu.vector_load %arg4[%get3A_368, %get3A_369, %get3A_370] {strides = array<i32>} : memref<3x8x4096xf32, #tpu.memory_space<vmem>>, vector<1x1x16xf32>,
      %get3A_372 = vector.shape_cast %get3A_371 : vector<1x1x16xf32> to vector<16xf32>
      %broadcast_in_dim3A_373 = vector.broadcast %add3A_366 : i32 to vector<16x1xi32>
      %gather3A_374 = vector.shape_cast %broadcast_in_dim3A_373 : vector<16x1xi32> to vector<16xi32>
      %gather3A_375 = tpu.dynamic_gather %get3A_372[%gather3A_374] in [0] : vector<16xf32>, vector<16xi32> -> vector<16xf32>
      %mul3A_376 = arith.constant 0.949999988 : f32
      %mul3A_377 = vector.broadcast %mul3A_376 : f32 to vector<16xf32>
      %mul3A_378 = arith.mulf %gather3A_375, %mul3A_377 : vector<16xf32>
      %parallel_loop3A_379 = arith.constant 0 : i32
      %parallel_loop3A_380 = arith.constant 16 : i32
      scf.for %parallel_loop3A_485 = %parallel_loop3A_379 to %mul3A_153 step %parallel_loop3A_380  : i32 {
        %parallel_loop3A_486 = arith.constant 6 : i32
        %parallel_loop3A_487 = arith.index_cast %select_n3A_130 : i32 to index
        %parallel_loop3A_488 = arith.index_cast %parallel_loop3A_486 : i32 to index
        %parallel_loop3A_489 = arith.index_cast %parallel_loop3A_485 : i32 to index
        %parallel_loop3A_490 = tpu.vector_load %arg4[%parallel_loop3A_487, %parallel_loop3A_488, %parallel_loop3A_489] {strides = array<i32>} : memref<3x8x4096xf32, #tpu.memory_space<vmem>>, vector<1x1x16xf32>,
        %parallel_loop3A_491 = vector.shape_cast %parallel_loop3A_490 : vector<1x1x16xf32> to vector<16xf32>
        %parallel_loop3A_492 = arith.cmpf ogt, %parallel_loop3A_491, %mul3A_378 : vector<16xf32>
        %parallel_loop3A_493 = arith.constant 5.000000e-01 : f32
        %parallel_loop3A_494 = vector.broadcast %parallel_loop3A_493 : f32 to vector<16xf32>
        %parallel_loop3A_495 = arith.mulf %parallel_loop3A_491, %parallel_loop3A_494 : vector<16xf32>
        %parallel_loop3A_496 = arith.select %parallel_loop3A_492, %parallel_loop3A_495, %parallel_loop3A_491 : vector<16xi1>, vector<16xf32>
        %parallel_loop3A_497 = arith.constant 6 : i32
        %parallel_loop3A_498 = arith.index_cast %select_n3A_130 : i32 to index
        %parallel_loop3A_499 = arith.index_cast %parallel_loop3A_497 : i32 to index
        %parallel_loop3A_500 = arith.index_cast %parallel_loop3A_485 : i32 to index
        %parallel_loop3A_501 = tpu.vector_load %arg4[%parallel_loop3A_498, %parallel_loop3A_499, %parallel_loop3A_500] {strides = array<i32>} : memref<3x8x4096xf32, #tpu.memory_space<vmem>>, vector<1x1x16xf32>,
        %parallel_loop3A_502 = vector.shape_cast %parallel_loop3A_501 : vector<1x1x16xf32> to vector<16xf32>
        %parallel_loop3A_503 = vector.shape_cast %parallel_loop3A_496 : vector<16xf32> to vector<1x1x16xf32>
        tpu.vector_store %arg4[%parallel_loop3A_498, %parallel_loop3A_499, %parallel_loop3A_500], %parallel_loop3A_503 {strides = array<i32>} : memref<3x8x4096xf32, #tpu.memory_space<vmem>>, vector<1x1x16xf32>,
      } {sc.loop_unroll_factor = 8 : i64, sc.parallel_access}
      %add3A_381 = arith.constant 16 : i32
      %add3A_382 = arith.addi %mul3A_153, %add3A_381 : i32
      %parallel_loop3A_383 = arith.constant 4096 : i32
      %parallel_loop3A_384 = arith.constant 16 : i32
      scf.for %parallel_loop3A_485 = %add3A_382 to %parallel_loop3A_383 step %parallel_loop3A_384  : i32 {
        %parallel_loop3A_486 = arith.constant 6 : i32
        %parallel_loop3A_487 = arith.index_cast %select_n3A_130 : i32 to index
        %parallel_loop3A_488 = arith.index_cast %parallel_loop3A_486 : i32 to index
        %parallel_loop3A_489 = arith.index_cast %parallel_loop3A_485 : i32 to index
        %parallel_loop3A_490 = tpu.vector_load %arg4[%parallel_loop3A_487, %parallel_loop3A_488, %parallel_loop3A_489] {strides = array<i32>} : memref<3x8x4096xf32, #tpu.memory_space<vmem>>, vector<1x1x16xf32>,
        %parallel_loop3A_491 = vector.shape_cast %parallel_loop3A_490 : vector<1x1x16xf32> to vector<16xf32>
        %parallel_loop3A_492 = arith.cmpf ogt, %parallel_loop3A_491, %mul3A_378 : vector<16xf32>
        %parallel_loop3A_493 = arith.constant 5.000000e-01 : f32
        %parallel_loop3A_494 = vector.broadcast %parallel_loop3A_493 : f32 to vector<16xf32>
        %parallel_loop3A_495 = arith.mulf %parallel_loop3A_491, %parallel_loop3A_494 : vector<16xf32>
        %parallel_loop3A_496 = arith.select %parallel_loop3A_492, %parallel_loop3A_495, %parallel_loop3A_491 : vector<16xi1>, vector<16xf32>
        %parallel_loop3A_497 = arith.constant 6 : i32
        %parallel_loop3A_498 = arith.index_cast %select_n3A_130 : i32 to index
        %parallel_loop3A_499 = arith.index_cast %parallel_loop3A_497 : i32 to index
        %parallel_loop3A_500 = arith.index_cast %parallel_loop3A_485 : i32 to index
        %parallel_loop3A_501 = tpu.vector_load %arg4[%parallel_loop3A_498, %parallel_loop3A_499, %parallel_loop3A_500] {strides = array<i32>} : memref<3x8x4096xf32, #tpu.memory_space<vmem>>, vector<1x1x16xf32>,
        %parallel_loop3A_502 = vector.shape_cast %parallel_loop3A_501 : vector<1x1x16xf32> to vector<16xf32>
        %parallel_loop3A_503 = vector.shape_cast %parallel_loop3A_496 : vector<16xf32> to vector<1x1x16xf32>
        tpu.vector_store %arg4[%parallel_loop3A_498, %parallel_loop3A_499, %parallel_loop3A_500], %parallel_loop3A_503 {strides = array<i32>} : memref<3x8x4096xf32, #tpu.memory_space<vmem>>, vector<1x1x16xf32>,
      } {sc.loop_unroll_factor = 8 : i64, sc.parallel_access}
      %gt3A_385 = arith.cmpf ogt, %get3A_372, %mul3A_378 : vector<16xf32>
      %ne3A_386 = vector.broadcast %add3A_366 : i32 to vector<16xi32>
      %ne3A_387 = arith.cmpi ne, %iota3A, %ne3A_386 : vector<16xi32>
      %and3A_388 = arith.andi %gt3A_385, %ne3A_387 : vector<16xi1>
      %mul3A_389 = arith.constant 5.000000e-01 : f32
      %mul3A_390 = vector.broadcast %mul3A_389 : f32 to vector<16xf32>
      %mul3A_391 = arith.mulf %get3A_372, %mul3A_390 : vector<16xf32>
      %select_n3A_392 = arith.select %and3A_388, %mul3A_391, %get3A_372 : vector<16xi1>, vector<16xf32>
      %swap3A_393 = arith.constant 6 : i32
      %swap3A_394 = arith.index_cast %select_n3A_130 : i32 to index
      %swap3A_395 = arith.index_cast %swap3A_393 : i32 to index
      %swap3A_396 = arith.index_cast %mul3A_153 : i32 to index
      %swap3A_397 = tpu.vector_load %arg4[%swap3A_394, %swap3A_395, %swap3A_396] {strides = array<i32>} : memref<3x8x4096xf32, #tpu.memory_space<vmem>>, vector<1x1x16xf32>,
      %swap3A_398 = vector.shape_cast %swap3A_397 : vector<1x1x16xf32> to vector<16xf32>
      %swap3A_399 = vector.shape_cast %select_n3A_392 : vector<16xf32> to vector<1x1x16xf32>
      tpu.vector_store %arg4[%swap3A_394, %swap3A_395, %swap3A_396], %swap3A_399 {strides = array<i32>} : memref<3x8x4096xf32, #tpu.memory_space<vmem>>, vector<1x1x16xf32>,
      %sub3A_400 = arith.subi %add3A_114, %mul3A_153 : i32
      %add3A_401 = arith.constant 7 : i32
      %add3A_402 = arith.addi %sub3A_400, %add3A_401 : i32
      %get3A_403 = arith.constant 7 : i32
      %get3A_404 = arith.index_cast %select_n3A_130 : i32 to index
      %get3A_405 = arith.index_cast %get3A_403 : i32 to index
      %get3A_406 = arith.index_cast %mul3A_153 : i32 to index
      %get3A_407 = tpu.vector_load %arg4[%get3A_404, %get3A_405, %get3A_406] {strides = array<i32>} : memref<3x8x4096xf32, #tpu.memory_space<vmem>>, vector<1x1x16xf32>,
      %get3A_408 = vector.shape_cast %get3A_407 : vector<1x1x16xf32> to vector<16xf32>
      %broadcast_in_dim3A_409 = vector.broadcast %add3A_402 : i32 to vector<16x1xi32>
      %gather3A_410 = vector.shape_cast %broadcast_in_dim3A_409 : vector<16x1xi32> to vector<16xi32>
      %gather3A_411 = tpu.dynamic_gather %get3A_408[%gather3A_410] in [0] : vector<16xf32>, vector<16xi32> -> vector<16xf32>
      %mul3A_412 = arith.constant 0.949999988 : f32
      %mul3A_413 = vector.broadcast %mul3A_412 : f32 to vector<16xf32>
      %mul3A_414 = arith.mulf %gather3A_411, %mul3A_413 : vector<16xf32>
      %parallel_loop3A_415 = arith.constant 0 : i32
      %parallel_loop3A_416 = arith.constant 16 : i32
      scf.for %parallel_loop3A_485 = %parallel_loop3A_415 to %mul3A_153 step %parallel_loop3A_416  : i32 {
        %parallel_loop3A_486 = arith.constant 7 : i32
        %parallel_loop3A_487 = arith.index_cast %select_n3A_130 : i32 to index
        %parallel_loop3A_488 = arith.index_cast %parallel_loop3A_486 : i32 to index
        %parallel_loop3A_489 = arith.index_cast %parallel_loop3A_485 : i32 to index
        %parallel_loop3A_490 = tpu.vector_load %arg4[%parallel_loop3A_487, %parallel_loop3A_488, %parallel_loop3A_489] {strides = array<i32>} : memref<3x8x4096xf32, #tpu.memory_space<vmem>>, vector<1x1x16xf32>,
        %parallel_loop3A_491 = vector.shape_cast %parallel_loop3A_490 : vector<1x1x16xf32> to vector<16xf32>
        %parallel_loop3A_492 = arith.cmpf ogt, %parallel_loop3A_491, %mul3A_414 : vector<16xf32>
        %parallel_loop3A_493 = arith.constant 5.000000e-01 : f32
        %parallel_loop3A_494 = vector.broadcast %parallel_loop3A_493 : f32 to vector<16xf32>
        %parallel_loop3A_495 = arith.mulf %parallel_loop3A_491, %parallel_loop3A_494 : vector<16xf32>
        %parallel_loop3A_496 = arith.select %parallel_loop3A_492, %parallel_loop3A_495, %parallel_loop3A_491 : vector<16xi1>, vector<16xf32>
        %parallel_loop3A_497 = arith.constant 7 : i32
        %parallel_loop3A_498 = arith.index_cast %select_n3A_130 : i32 to index
        %parallel_loop3A_499 = arith.index_cast %parallel_loop3A_497 : i32 to index
        %parallel_loop3A_500 = arith.index_cast %parallel_loop3A_485 : i32 to index
        %parallel_loop3A_501 = tpu.vector_load %arg4[%parallel_loop3A_498, %parallel_loop3A_499, %parallel_loop3A_500] {strides = array<i32>} : memref<3x8x4096xf32, #tpu.memory_space<vmem>>, vector<1x1x16xf32>,
        %parallel_loop3A_502 = vector.shape_cast %parallel_loop3A_501 : vector<1x1x16xf32> to vector<16xf32>
        %parallel_loop3A_503 = vector.shape_cast %parallel_loop3A_496 : vector<16xf32> to vector<1x1x16xf32>
        tpu.vector_store %arg4[%parallel_loop3A_498, %parallel_loop3A_499, %parallel_loop3A_500], %parallel_loop3A_503 {strides = array<i32>} : memref<3x8x4096xf32, #tpu.memory_space<vmem>>, vector<1x1x16xf32>,
      } {sc.loop_unroll_factor = 8 : i64, sc.parallel_access}
      %add3A_417 = arith.constant 16 : i32
      %add3A_418 = arith.addi %mul3A_153, %add3A_417 : i32
      %parallel_loop3A_419 = arith.constant 4096 : i32
      %parallel_loop3A_420 = arith.constant 16 : i32
      scf.for %parallel_loop3A_485 = %add3A_418 to %parallel_loop3A_419 step %parallel_loop3A_420  : i32 {
        %parallel_loop3A_486 = arith.constant 7 : i32
        %parallel_loop3A_487 = arith.index_cast %select_n3A_130 : i32 to index
        %parallel_loop3A_488 = arith.index_cast %parallel_loop3A_486 : i32 to index
        %parallel_loop3A_489 = arith.index_cast %parallel_loop3A_485 : i32 to index
        %parallel_loop3A_490 = tpu.vector_load %arg4[%parallel_loop3A_487, %parallel_loop3A_488, %parallel_loop3A_489] {strides = array<i32>} : memref<3x8x4096xf32, #tpu.memory_space<vmem>>, vector<1x1x16xf32>,
        %parallel_loop3A_491 = vector.shape_cast %parallel_loop3A_490 : vector<1x1x16xf32> to vector<16xf32>
        %parallel_loop3A_492 = arith.cmpf ogt, %parallel_loop3A_491, %mul3A_414 : vector<16xf32>
        %parallel_loop3A_493 = arith.constant 5.000000e-01 : f32
        %parallel_loop3A_494 = vector.broadcast %parallel_loop3A_493 : f32 to vector<16xf32>
        %parallel_loop3A_495 = arith.mulf %parallel_loop3A_491, %parallel_loop3A_494 : vector<16xf32>
        %parallel_loop3A_496 = arith.select %parallel_loop3A_492, %parallel_loop3A_495, %parallel_loop3A_491 : vector<16xi1>, vector<16xf32>
        %parallel_loop3A_497 = arith.constant 7 : i32
        %parallel_loop3A_498 = arith.index_cast %select_n3A_130 : i32 to index
        %parallel_loop3A_499 = arith.index_cast %parallel_loop3A_497 : i32 to index
        %parallel_loop3A_500 = arith.index_cast %parallel_loop3A_485 : i32 to index
        %parallel_loop3A_501 = tpu.vector_load %arg4[%parallel_loop3A_498, %parallel_loop3A_499, %parallel_loop3A_500] {strides = array<i32>} : memref<3x8x4096xf32, #tpu.memory_space<vmem>>, vector<1x1x16xf32>,
        %parallel_loop3A_502 = vector.shape_cast %parallel_loop3A_501 : vector<1x1x16xf32> to vector<16xf32>
        %parallel_loop3A_503 = vector.shape_cast %parallel_loop3A_496 : vector<16xf32> to vector<1x1x16xf32>
        tpu.vector_store %arg4[%parallel_loop3A_498, %parallel_loop3A_499, %parallel_loop3A_500], %parallel_loop3A_503 {strides = array<i32>} : memref<3x8x4096xf32, #tpu.memory_space<vmem>>, vector<1x1x16xf32>,
      } {sc.loop_unroll_factor = 8 : i64, sc.parallel_access}
      %gt3A_421 = arith.cmpf ogt, %get3A_408, %mul3A_414 : vector<16xf32>
      %ne3A_422 = vector.broadcast %add3A_402 : i32 to vector<16xi32>
      %ne3A_423 = arith.cmpi ne, %iota3A, %ne3A_422 : vector<16xi32>
      %and3A_424 = arith.andi %gt3A_421, %ne3A_423 : vector<16xi1>
      %mul3A_425 = arith.constant 5.000000e-01 : f32
      %mul3A_426 = vector.broadcast %mul3A_425 : f32 to vector<16xf32>
      %mul3A_427 = arith.mulf %get3A_408, %mul3A_426 : vector<16xf32>
      %select_n3A_428 = arith.select %and3A_424, %mul3A_427, %get3A_408 : vector<16xi1>, vector<16xf32>
      %swap3A_429 = arith.constant 7 : i32
      %swap3A_430 = arith.index_cast %select_n3A_130 : i32 to index
      %swap3A_431 = arith.index_cast %swap3A_429 : i32 to index
      %swap3A_432 = arith.index_cast %mul3A_153 : i32 to index
      %swap3A_433 = tpu.vector_load %arg4[%swap3A_430, %swap3A_431, %swap3A_432] {strides = array<i32>} : memref<3x8x4096xf32, #tpu.memory_space<vmem>>, vector<1x1x16xf32>,
      %swap3A_434 = vector.shape_cast %swap3A_433 : vector<1x1x16xf32> to vector<16xf32>
      %swap3A_435 = vector.shape_cast %select_n3A_428 : vector<16xf32> to vector<1x1x16xf32>
      tpu.vector_store %arg4[%swap3A_430, %swap3A_431, %swap3A_432], %swap3A_435 {strides = array<i32>} : memref<3x8x4096xf32, #tpu.memory_space<vmem>>, vector<1x1x16xf32>,
      %mul3A_436 = arith.constant 8 : i32
      %mul3A_437 = arith.muli %scan3A_60, %mul3A_436 : i32
      %add3A_438 = arith.addi %mul3A_2, %mul3A_437 : i32
      %jit3A_439 = arith.constant 3 : i32
      %eq3A_440 = arith.constant 0 : i32
      %eq3A_441 = arith.cmpi eq, %jit3A_439, %eq3A_440 : i32
      %jit3A_442 = arith.constant 1 : i32
      %select_n3A_443 = arith.select %eq3A_441, %jit3A_442, %jit3A_439 : i32
      %rem3A_444 = arith.remsi %scan3A_60, %select_n3A_443 : i32
      %ne3A_445 = arith.constant 0 : i32
      %ne3A_446 = arith.cmpi ne, %rem3A_444, %ne3A_445 : i32
      %lt3A_447 = arith.constant 0 : i32
      %lt3A_448 = arith.cmpi slt, %rem3A_444, %lt3A_447 : i32
      %lt3A_449 = arith.constant 0 : i32
      %lt3A_450 = arith.cmpi slt, %select_n3A_443, %lt3A_449 : i32
      %ne3A_451 = arith.xori %lt3A_448, %lt3A_450 : i1
      %and3A_452 = arith.andi %ne3A_451, %ne3A_446 : i1
      %add3A_453 = arith.addi %rem3A_444, %select_n3A_443 : i32
      %select_n3A_454 = arith.select %and3A_452, %add3A_453, %rem3A_444 : i32
      %jit3A_455 = arith.constant 3 : i32
      %eq3A_456 = arith.constant 0 : i32
      %eq3A_457 = arith.cmpi eq, %jit3A_455, %eq3A_456 : i32
      %jit3A_458 = arith.constant 1 : i32
      %select_n3A_459 = arith.select %eq3A_457, %jit3A_458, %jit3A_455 : i32
      %rem3A_460 = arith.remsi %scan3A_60, %select_n3A_459 : i32
      %ne3A_461 = arith.constant 0 : i32
      %ne3A_462 = arith.cmpi ne, %rem3A_460, %ne3A_461 : i32
      %lt3A_463 = arith.constant 0 : i32
      %lt3A_464 = arith.cmpi slt, %rem3A_460, %lt3A_463 : i32
      %lt3A_465 = arith.constant 0 : i32
      %lt3A_466 = arith.cmpi slt, %select_n3A_459, %lt3A_465 : i32
      %ne3A_467 = arith.xori %lt3A_464, %lt3A_466 : i1
      %and3A_468 = arith.andi %ne3A_467, %ne3A_462 : i1
      %add3A_469 = arith.addi %rem3A_460, %select_n3A_459 : i32
      %select_n3A_470 = arith.select %and3A_468, %add3A_469, %rem3A_460 : i32
      %dma_start3A_471 = arith.constant 0 : i32
      %dma_start3A_472 = arith.constant 0 : i32
      %dma_start3A_473 = tpu.memref_slice %arg4[%select_n3A_454, %dma_start3A_471, %dma_start3A_472] : memref<3x8x4096xf32, #tpu.memory_space<vmem>> -> memref<1x8x4096xf32, #tpu.memory_space<vmem>>
      %dma_start3A_474 = tpu.memref_squeeze %dma_start3A_473 : memref<1x8x4096xf32, #tpu.memory_space<vmem>> -> memref<8x4096xf32, #tpu.memory_space<vmem>>
      %dma_start3A_475 = arith.constant 0 : i32
      %dma_start3A_476 = tpu.memref_slice %arg3[%add3A_438, %dma_start3A_475] : memref<4096x4096xf32, #tpu.memory_space<hbm>> -> memref<8x4096xf32, #tpu.memory_space<hbm>>
      %dma_start3A_477 = tpu.memref_slice %arg6[%select_n3A_470] : memref<3x!tpu.dma_semaphore, #tpu.memory_space<semaphore_mem>> -> memref<1x!tpu.dma_semaphore, #tpu.memory_space<semaphore_mem>>
      %dma_start3A_478 = tpu.memref_squeeze %dma_start3A_477 : memref<1x!tpu.dma_semaphore, #tpu.memory_space<semaphore_mem>> -> memref<!tpu.dma_semaphore, #tpu.memory_space<semaphore_mem>>
      %dma_start3A_479 = arith.constant 0 : i32
      %dma_start3A_480 = tpu.memref_slice %arg3[%add3A_438, %dma_start3A_479] : memref<4096x4096xf32, #tpu.memory_space<hbm>> -> memref<8x4096xf32, #tpu.memory_space<hbm>>
      %dma_start3A_481 = arith.constant 0 : i32
      %dma_start3A_482 = arith.constant 0 : i32
      %dma_start3A_483 = tpu.memref_slice %arg4[%select_n3A_454, %dma_start3A_481, %dma_start3A_482] : memref<3x8x4096xf32, #tpu.memory_space<vmem>> -> memref<1x8x4096xf32, #tpu.memory_space<vmem>>
      %dma_start3A_484 = tpu.memref_squeeze %dma_start3A_483 : memref<1x8x4096xf32, #tpu.memory_space<vmem>> -> memref<8x4096xf32, #tpu.memory_space<vmem>>
      tpu.enqueue_dma source(%dma_start3A_484 : memref<8x4096xf32, #tpu.memory_space<vmem>>) target(%dma_start3A_480 : memref<8x4096xf32, #tpu.memory_space<hbm>>) target_semaphore(%dma_start3A_478 : memref<!tpu.dma_semaphore, #tpu.memory_space<semaphore_mem>>)
    }
    %scan3A_24 = arith.constant 16 : i32
    %add3A_25 = arith.constant 112 : i32
    %add3A_26 = arith.addi %mul3A_2, %add3A_25 : i32
    %dma_wait3A = arith.constant 2 : i32
    %dma_wait3A_27 = arith.constant 2 : i32
    %dma_wait3A_28 = arith.constant 0 : i32
    %dma_wait3A_29 = arith.constant 0 : i32
    %dma_wait3A_30 = tpu.memref_slice %arg4[%dma_wait3A, %dma_wait3A_28, %dma_wait3A_29] : memref<3x8x4096xf32, #tpu.memory_space<vmem>> -> memref<1x8x4096xf32, #tpu.memory_space<vmem>>
    %dma_wait3A_31 = tpu.memref_squeeze %dma_wait3A_30 : memref<1x8x4096xf32, #tpu.memory_space<vmem>> -> memref<8x4096xf32, #tpu.memory_space<vmem>>
    %dma_wait3A_32 = arith.constant 0 : i32
    %dma_wait3A_33 = tpu.memref_slice %arg3[%add3A_26, %dma_wait3A_32] : memref<4096x4096xf32, #tpu.memory_space<hbm>> -> memref<8x4096xf32, #tpu.memory_space<hbm>>
    %dma_wait3A_34 = tpu.memref_slice %arg6[%dma_wait3A_27] : memref<3x!tpu.dma_semaphore, #tpu.memory_space<semaphore_mem>> -> memref<1x!tpu.dma_semaphore, #tpu.memory_space<semaphore_mem>>
    %dma_wait3A_35 = tpu.memref_squeeze %dma_wait3A_34 : memref<1x!tpu.dma_semaphore, #tpu.memory_space<semaphore_mem>> -> memref<!tpu.dma_semaphore, #tpu.memory_space<semaphore_mem>>
    %dma_wait3A_36 = arith.constant 0 : i32
    %dma_wait3A_37 = tpu.memref_slice %arg3[%add3A_26, %dma_wait3A_36] : memref<4096x4096xf32, #tpu.memory_space<hbm>> -> memref<8x4096xf32, #tpu.memory_space<hbm>>
    %dma_wait3A_38 = arith.constant 0 : i32
    %dma_wait3A_39 = arith.constant 0 : i32
    %dma_wait3A_40 = tpu.memref_slice %arg4[%dma_wait3A, %dma_wait3A_38, %dma_wait3A_39] : memref<3x8x4096xf32, #tpu.memory_space<vmem>> -> memref<1x8x4096xf32, #tpu.memory_space<vmem>>
    %dma_wait3A_41 = tpu.memref_squeeze %dma_wait3A_40 : memref<1x8x4096xf32, #tpu.memory_space<vmem>> -> memref<8x4096xf32, #tpu.memory_space<vmem>>
    tpu.wait_dma2 semaphore(%dma_wait3A_35 : memref<!tpu.dma_semaphore, #tpu.memory_space<semaphore_mem>>) src(%dma_wait3A_41 : memref<8x4096xf32, #tpu.memory_space<vmem>>) dst(%dma_wait3A_37 : memref<8x4096xf32, #tpu.memory_space<hbm>>)
    %add3A_42 = arith.constant 120 : i32
    %add3A_43 = arith.addi %mul3A_2, %add3A_42 : i32
    %dma_wait3A_44 = arith.constant 0 : i32
    %dma_wait3A_45 = arith.constant 0 : i32
    %dma_wait3A_46 = arith.constant 0 : i32
    %dma_wait3A_47 = arith.constant 0 : i32
    %dma_wait3A_48 = tpu.memref_slice %arg4[%dma_wait3A_44, %dma_wait3A_46, %dma_wait3A_47] : memref<3x8x4096xf32, #tpu.memory_space<vmem>> -> memref<1x8x4096xf32, #tpu.memory_space<vmem>>
    %dma_wait3A_49 = tpu.memref_squeeze %dma_wait3A_48 : memref<1x8x4096xf32, #tpu.memory_space<vmem>> -> memref<8x4096xf32, #tpu.memory_space<vmem>>
    %dma_wait3A_50 = arith.constant 0 : i32
    %dma_wait3A_51 = tpu.memref_slice %arg3[%add3A_43, %dma_wait3A_50] : memref<4096x4096xf32, #tpu.memory_space<hbm>> -> memref<8x4096xf32, #tpu.memory_space<hbm>>
    %dma_wait3A_52 = tpu.memref_slice %arg6[%dma_wait3A_45] : memref<3x!tpu.dma_semaphore, #tpu.memory_space<semaphore_mem>> -> memref<1x!tpu.dma_semaphore, #tpu.memory_space<semaphore_mem>>
    %dma_wait3A_53 = tpu.memref_squeeze %dma_wait3A_52 : memref<1x!tpu.dma_semaphore, #tpu.memory_space<semaphore_mem>> -> memref<!tpu.dma_semaphore, #tpu.memory_space<semaphore_mem>>
    %dma_wait3A_54 = arith.constant 0 : i32
    %dma_wait3A_55 = tpu.memref_slice %arg3[%add3A_43, %dma_wait3A_54] : memref<4096x4096xf32, #tpu.memory_space<hbm>> -> memref<8x4096xf32, #tpu.memory_space<hbm>>
    %dma_wait3A_56 = arith.constant 0 : i32
    %dma_wait3A_57 = arith.constant 0 : i32
    %dma_wait3A_58 = tpu.memref_slice %arg4[%dma_wait3A_44, %dma_wait3A_56, %dma_wait3A_57] : memref<3x8x4096xf32, #tpu.memory_space<vmem>> -> memref<1x8x4096xf32, #tpu.memory_space<vmem>>
    %dma_wait3A_59 = tpu.memref_squeeze %dma_wait3A_58 : memref<1x8x4096xf32, #tpu.memory_space<vmem>> -> memref<8x4096xf32, #tpu.memory_space<vmem>>
    tpu.wait_dma2 semaphore(%dma_wait3A_53 : memref<!tpu.dma_semaphore, #tpu.memory_space<semaphore_mem>>) src(%dma_wait3A_59 : memref<8x4096xf32, #tpu.memory_space<vmem>>) dst(%dma_wait3A_55 : memref<8x4096xf32, #tpu.memory_space<hbm>>)
    return
  }
}

</mosaic_0001>

<sc_bundles>
// kernel: kernel.3.cloned.1.call-start
scs
__scs_entry_jumppad:
0x0: {  	(pc) =	sbr.rel $0x88, $3  }
0x1: {  	(tag) =	ssettag $0x0;
	lr =	simm.s32 $0x1  }
0x2: {  	[smem:$0x3FA0] =	sst lr;
	_ =	strace $0xD0000000  }
0x3: {  	_ = 	snop  }
0x4: {  	_ = 	snop  }
0x5: {  	_ = 	snop  }
0x6: {  	_ = 	snop  }
0x7: {  	_ = 	snop  }
__scs_overlays_trampoline_lowered:
0x8: {  	[smem:$0x3FAF] =	sst s0  }
0x9: {  	[smem:$0x3FB0] =	sst s1  }
0xa: {  	[smem:$0x3FB1] =	sst s2  }
0xb: {  	[smem:$0x3FB2] =	sst s3  }
0xc: {  	[smem:$0x3FB3] =	sst s4  }
0xd: {  	[smem:$0x3FB4] =	sst s5  }
0xe: {  	[smem:$0x3FB5] =	sst s6  }
0xf: {  	[smem:$0x3FB6] =	sst s7  }
0x10: {  	[smem:$0x3FB7] =	sst s8  }
0x11: {  	[smem:$0x3FB8] =	sst s9;
	s0 =	simm.s32 @!p0 $0x0  }
0x12: {  	s1 =	sld [smem:$0x3F9E];
	s0 =	simm.s32 @p0 $0x1  }
0x13: {  	[smem:$0x3FB9] =	sst s0;
	s0 =	simm.s32 @!p1 $0x0  }
0x14: {  	s2 =	sld [smem:$0x3F9D];
	s0 =	simm.s32 @p1 $0x1  }
0x15: {  	[smem:$0x3FBA] =	sst s0;
	s0 =	simm.s32 @!p2 $0x0  }
0x16: {  	s3 =	sld [smem:$0x3FDB];
	s0 =	simm.s32 @p2 $0x1  }
0x17: {  	s4 =	simm.s32 $0x1BF5;
	[smem:$0x3FBC] =	sst s0  }
0x18: {  	s0 =	sld [smem:$0x3F9F];
	_ =	swait.ge [sflag:s4], $0x0  }
0x19: {  	s7 =	sld [smem:$0x3FA0]  }
0x1a: {  	s8 =	sadd.s32 $0xFFFFE003, lr  }
0x1b: {  	s9 =	sadd.s32 $0xFFFFFEF7, lr;
	s5 =	simm.s32 $0xFFFFFFFF;
	p2 =	slt.u32 s8, $0xFFFFF086  }
0x1c: {  	p1 =	slt.u32 s9, $0xF7A;
	s5 =	simm.s32 @!p2 $0x0  }
0x1d: {  	s5 =	simm.s32 @p1 $0x1;
	p0 =	seq.s32 s7, s2  }
0x1e: {  	s7 =	smul.u32 @!p0 $0xF7A, s2;
	p2 =	seq.s32 @!p0 s5, $0x0  }
0x1f: {  	s9 =	smul.u32 $0xF7A, s1;
	s8 =	simm.s32 @!p0 $0x1BF5;
	p2 =	por !p2, p0  }
0x20: {  	[sflag:s8] =	ssyncset.s32 @!p0 $0xFFFFF086;
	s6 =	sadd.s32 @!p0 s3, s7;
	s7 =	simm.s32 @!p0 $0x108  }
0x21: {  	s3 =	sadd.s32 s3, s9;
	s6 =	sadd.s32 @!p0 $0x88, s6;
	s7 =	simm.s32 @p2 $0x1082  }
0x22: {  	[simem:s7], [sflag:s8] =	dma.local @!p0 [hbm:s6], $0xF7A  }
0x23: {  	s9 =	sor.u32 $0xD0000000, s2;
	s6 =	simm.s32 $0x108;
	_ =	swait.ge @!p0 [sflag:s8], $0x0  }
0x24: {  	s3 =	sadd.s32 $0x88, s3;
	s6 =	simm.s32 @!p1 $0x1082;
	[sflag:s4] =	ssyncset.s32 $0xFFFFF086  }
0x25: {  	[simem:s6], [sflag:s4] =	dma.local [hbm:s3], $0xF7A  }
0x26: {  	[smem:$0x3FA0] =	sst s1;
	(tag) =	ssettag s2;
	_ =	strace s9  }
0x27: {  	s1 =	sld [smem:$0x3FB0]  }
0x28: {  	s2 =	sld [smem:$0x3FB1]  }
0x29: {  	s4 =	sld [smem:$0x3FB3]  }
0x2a: {  	p0 =	seq.s32 s5, $0x0;
	s5 =	sld [smem:$0x3FB4]  }
0x2b: {  	s6 =	sld [smem:$0x3FB5]  }
0x2c: {  	s7 =	sld [smem:$0x3FB6]  }
0x2d: {  	s3 =	simm.s32 $0x108;
	s8 =	sld [smem:$0x3FB7]  }
0x2e: {  	s3 =	simm.s32 @!p0 $0x1082;
	s9 =	sld [smem:$0x3FB8]  }
0x2f: {  	lr =	sadd.s32 s0, s3;
	s0 =	sld [smem:$0x3FAF]  }
0x30: {  	s3 =	sld [smem:$0x3FB2]  }
0x31: {  	[smem:$0x3FBB] =	sst s10  }
0x32: {  	s10 =	sld [smem:$0x3FB9];
	_ =	sdelay $0x3  }
0x33: {  	p0 =	seq.s32 s10, $0x1;
	s10 =	sld [smem:$0x3FBB];
	_ =	sdelay $0x3  }
0x34: {  	[smem:$0x3FBB] =	sst s10  }
0x35: {  	s10 =	sld [smem:$0x3FBA];
	_ =	sdelay $0x3  }
0x36: {  	p1 =	seq.s32 s10, $0x1;
	s10 =	sld [smem:$0x3FBB];
	_ =	sdelay $0x3  }
0x37: {  	[smem:$0x3FBB] =	sst s10  }
0x38: {  	s10 =	sld [smem:$0x3FBC]  }
0x39: {  	_ = 	snop;
	(pc) =	sbr.ind lr, $3  }
0x3a: {  	_ = 	snop  }
0x3b: {  	_ = 	snop  }
0x3c: {  	p2 =	seq.s32 s10, $0x1;
	s10 =	sld [smem:$0x3FBB]  }
0x3d: {  	_ =	shalt  }
0x3e: {  	_ =	shalt  }
0x3f: {  	_ =	shalt  }
0x40: {  	_ =	shalt  }
0x41: {  	_ =	shalt  }
0x42: {  	_ =	shalt  }
0x43: {  	_ =	shalt  }
0x44: {  	_ =	shalt  }
0x45: {  	_ =	shalt  }
0x46: {  	_ =	shalt  }
0x47: {  	_ =	shalt  }
0x48: {  	_ =	shalt  }
0x49: {  	_ =	shalt  }
0x4a: {  	_ =	shalt  }
0x4b: {  	_ =	shalt  }
0x4c: {  	_ =	shalt  }
0x4d: {  	_ =	shalt  }
0x4e: {  	_ =	shalt  }
0x4f: {  	_ =	shalt  }
0x50: {  	_ =	shalt  }
0x51: {  	_ =	shalt  }
0x52: {  	_ =	shalt  }
0x53: {  	_ =	shalt  }
0x54: {  	_ =	shalt  }
0x55: {  	_ =	shalt  }
0x56: {  	_ =	shalt  }
0x57: {  	_ =	shalt  }
0x58: {  	_ =	shalt  }
0x59: {  	_ =	shalt  }
0x5a: {  	_ =	shalt  }
0x5b: {  	_ =	shalt  }
0x5c: {  	_ =	shalt  }
0x5d: {  	_ =	shalt  }
0x5e: {  	_ =	shalt  }
0x5f: {  	_ =	shalt  }
0x60: {  	_ =	shalt  }
0x61: {  	_ =	shalt  }
0x62: {  	_ =	shalt  }
0x63: {  	_ =	shalt  }
0x64: {  	_ =	shalt  }
0x65: {  	_ =	shalt  }
0x66: {  	_ =	shalt  }
0x67: {  	_ =	shalt  }
0x68: {  	_ =	shalt  }
0x69: {  	_ =	shalt  }
0x6a: {  	_ =	shalt  }
0x6b: {  	_ =	shalt  }
0x6c: {  	_ =	shalt  }
0x6d: {  	_ =	shalt  }
0x6e: {  	_ =	shalt  }
0x6f: {  	_ =	shalt  }
0x70: {  	_ =	shalt  }
0x71: {  	_ =	shalt  }
0x72: {  	_ =	shalt  }
0x73: {  	_ =	shalt  }
0x74: {  	_ =	shalt  }
0x75: {  	_ =	shalt  }
0x76: {  	_ =	shalt  }
0x77: {  	_ =	shalt  }
0x78: {  	_ =	shalt  }
0x79: {  	_ =	shalt  }
0x7a: {  	_ =	shalt  }
0x7b: {  	_ =	shalt  }
0x7c: {  	_ =	shalt  }
0x7d: {  	_ =	shalt  }
0x7e: {  	_ =	shalt  }
0x7f: {  	_ =	shalt  }
0x80: {  	_ =	shalt  }
0x81: {  	_ =	shalt  }
0x82: {  	_ =	shalt  }
0x83: {  	_ =	shalt  }
0x84: {  	_ =	shalt  }
0x85: {  	_ =	shalt  }
0x86: {  	_ =	shalt  }
0x87: {  	_ =	shalt  }
.Lfunc_end0:
.L_simem_size_0:
called_computation_lowered:
.L_overlay_start_0:
0x88: {  	s2 =	sld [smem:$0x3FD9]  }
0x89: {  	s3 =	sld [smem:$0x3FFE];
	_ =	sdelay $0x1  }
0x8a: {  	s1 =	srdreg.scid  }
0x8b: {  	s0 =	sand.u32 $0x1, s1  }
0x8c: {  	s18 =	sshll.u32 s0, $0xA;
	s2 =	sadd.s32 s3, s2  }
0x8d: {  	s2 =	sadd.s32 s2, s18  }
0x8e: {  	[smem:$0x3FC7] =	sst s2  }
0x8f: {  	_ = 	snop  }
0x90: {  	s2 =	sld [smem:$0x3FC9]  }
0x91: {  	s19 =	sld [smem:$0x3FD0];
	(tm) =	ssettm $0x1  }
0x92: {  	s4 =	sld [smem:$0x3FFB];
	_ =	sdelay $0x3  }
0x93: {  	_ =	strace s4  }
0x94: {  	s4 =	sld [smem:$0x3FFC];
	_ =	sdelay $0x3  }
0x95: {  	_ =	strace s4  }
0x96: {  	s4 =	sld [smem:$0x3FFD];
	_ =	sdelay $0x3  }
0x97: {  	_ =	strace s4  }
0x98: {  	_ =	strace $0x8FFFFFFF  }
0x99: {  	s20 =	sld [smem:$0x3FDB];
	_ =	sdelay $0x1  }
0x9a: {  	s5 =	simm.s32 $_scs_section_size  }
0x9b: {  	s6 =	simm.s32 $_size__tile_overlayer_lowered;
	s7 =	simm.s32 $_tile_overlayer_lowered  }
0x9c: {  	s23 =	simm.s32 $0x1BFF;
	s22 =	sshll.u32 s7, $0x1;
	s4 =	sadd.s32 s5, s20  }
0x9d: {  	s8 =	simm.s32 $0x0;
	s21 =	sshll.u32 s6, $0x1;
	s6 =	sadd.s32 s22, s4  }
0x9e: {  	[timem:s8], [sflag:s23] =	dma.local [hbm:s6], s21  }
0x9f: {  	_ =	swait.ge [sflag:s23], s21  }
0xa0: {  	s5 =	ssub.s32 $0x0, s21;
	[sflag:s23] =	ssyncset.done $0x0  }
0xa1: {  	[sflag:s23] =	ssyncadd.s32 s5;
	_ =	sdelay $0x1  }
0xa2: {  	s24 =	simm.s32 $0x1B8B  }
0xa3: {  	_ =	swait.ge [sflag:s24], $0x1  }
0xa4: {  	[sflag:s24] =	ssyncset.done $0x0  }
0xa5: {  	s25 =	simm.s32 $0x1B8E;
	[sflag:s24] =	ssyncadd.s32 $0xFFFFFFFF  }
0xa6: {  	s26 =	simm.s32 $execute0_lowered;
	[smem:$0x3FD2] =	sst s25  }
0xa7: {  	s5 =	sshll.u32 s26, $0x1;
	_ =	strace $0x80000046;
	[dreg:$0x1] =	wrdreg $0xFFFFFFFF  }
0xa8: {  	s28 =	simm.s32 $_size_execute0_lowered;
	s4 =	sadd.s32 s4, s5;
	[dreg:$0x0] =	wrdreg $0x0  }
0xa9: {  	s5 =	sshll.u32 s28, $0x1;
	[dreg:$0x2] =	wrdreg s4  }
0xaa: {  	[dreg:$0x3] =	wrdreg s5  }
0xab: {  	[dreg:$0x4] =	wrdreg $0xC0  }
0xac: {  	_ =	task [dreg:s8], $0x5FFFF  }
0xad: {  	[dreg:$0x1] =	wrdreg $0xFFFFFFFF  }
0xae: {  	[dreg:$0x0] =	wrdreg $0x60  }
0xaf: {  	[dreg:$0x2] =	wrdreg s2  }
0xb0: {  	[dreg:$0x3] =	wrdreg s19  }
0xb1: {  	[dreg:$0x4] =	wrdreg $0x9  }
0xb2: {  	_ =	task.clear_ibuf [dreg:s8], $0x5FFFF;
	_ =	strace $0x90000046  }
0xb3: {  	s29 =	simm.s32 $0x9;
	_ =	strace $0x80000048  }
0xb4: {  	_ =	swait.ge [sflag:s29], $0x1  }
0xb5: {  	[sflag:s29] =	ssyncadd.s32 $0xFFFFFFFF  }
0xb6: {  	_ =	strace $0x90000048  }
0xb7: {  	_ =	sfence  }
0xb8: {  	s30 =	sld [smem:$0x0];
	_ =	sdelay $0x2  }
0xb9: {  	s31 =	sshll.u32 s1, $0xD;
	s1 =	sshrl.u32 s1, $0x2  }
0xba: {  	s3 =	sand.u32 $0x4000, s31;
	s1 =	sadd.s32 s1, s30  }
0xbb: {  	s0 =	sor.u32 s3, s0;
	s1 =	sshll.u32 s1, $0x11  }
0xbc: {  	s0 =	sor.u32 s1, s0  }
0xbd: {  	s0 =	sadd.s32 $0x8F2B, s0  }
0xbe: {  	[sflag:s0] =	ssyncadd.remote.s32 $0x1  }
0xbf: {  	_ =	sfence.sel $0xFFFF  }
0xc0: {  	[dreg:$0x0] =	wrdreg $0xFFFFFFFF;
	(pc) =	sbr.abs _section_cstart, $3  }
0xc1: {  	[dreg:$0x1] =	wrdreg $0xFFFFFFFF  }
0xc2: {  	_ =	task.clear_ibuf [dreg:s8], $0x2FFFF;
	_ =	strace $0x9FFFFFFF  }
0xc3: {  	(tm) =	ssettm $0x7FFFFFFF  }
tec
execute0_lowered:
.L_overlay_start_1:
0x0: {  	(tag) =	ssettag $0x1  }
0x1: {  	s4 =	rddreg [dreg:$0x0]  }
0x2: {  	s0 =	srdreg.scid;
	s3 =	simm.s32 $0x0;
	s2 =	stileid.u32  }
0x3: {  	s0 =	sand.u32 $0x1, s0;
	s2 =	sshll.u32 s2, $0x8;
	[smem:$0x7FF] =	sst s3  }
0x4: {  	s1 =	ssub.s32 $0x2, s0;
	s0 =	sshll.u32 s0, $0x7;
	_ =	strace $0x80000047  }
.Ltmp0:
0x5: {  	s28 =	sshrl.u32 s1, $0x1;
	s2 =	sor.u32 s0, s2;
	(pc) =	sbr.rel .LBB2_1-.Ltmp0, $4  }
0x6: {  	s30 =	sshll.u32 s2, $0x9;
	[dreg:$0x3] =	wrdreg s2;
	s31 =	sshrl.u32 s2, $0x3  }
0x7: {  	s29 =	ssub.s32 s1, s28;
	s1 =	sadd.s32 s4, s30;
	[dreg:$0x5] =	wrdreg s31  }
0x8: {  	s0 =	smax.u32 s29, $0x1;
	[dreg:$0x4] =	wrdreg s1  }
0x9: {  	v0 =	vlaneseq.u32;
	s2 =	simm.s32 $0x0;
	[dreg:$0x6] =	wrdreg s0  }
.LBB2_176:
0xa: {  	s0 =	simm.s32 $0x6  }
0xb: {  	_ =	swait.ge [sflag:s0], $0x8000  }
0xc: {  	[sflag:s0] =	ssyncset.done $0x0  }
0xd: {  	s1 =	simm.s32 $0x4;
	[sflag:s0] =	ssyncadd.s32 $0xFFFF8000  }
0xe: {  	_ =	swait.ge [sflag:s1], $0x8000  }
0xf: {  	s2 =	rddreg [dreg:$0x7]  }
0x10: {  	s31 =	rddreg [dreg:$0x6];
	s2 =	sadd.s32 $0x1, s2  }
0x11: {  	p0 =	sne.s32 s2, s31  }
.Ltmp1:
0x12: {  	_ = 	snop;
	(pc) =	sbr.rel @!p0 .LBB2_177-.Ltmp1, $3  }
0x13: {  	_ =	sdelay $0x1  }
0x14: {  	[sflag:s1] =	ssyncset.done $0x0  }
0x15: {  	[sflag:s1] =	ssyncadd.s32 $0xFFFF8000  }
.LBB2_1:
.Ltmp2:
0x16: {  	(pc) =	sbr.rel .LBB2_2-.Ltmp2, $4  }
0x17: {  	_ = 	snop  }
0x18: {  	s0 =	simm.s32 $0x0;
	s1 =	rddreg [dreg:$0x4]  }
0x19: {  	[tilespmem:s0], [sflag:$0x1] =	stream.linear.gather [hbm4b:s1+s0], $0x8000, $0x38;
	[tilespmem:$0x18000] =	vst v63  }
0x1a: {  	[dreg:$0x7] =	wrdreg s2;
	s0 =	simm.s32 $0x0  }
.LBB2_175:
0x1b: {  	vm0 =	vgt.f32 v2, v1;
	vm1 =	vne.s32 v3, v0;
	v1 =	vmul.f32 $5.000000000e-01, v2  }
0x1c: {  	s0 =	rddreg [dreg:$0xa];
	vm0 =	vmand vm1, vm0  }
0x1d: {  	s30 =	rddreg [dreg:$0x1];
	s0 =	sshll.u32 s0, $0x9;
	v1 =	vsel vm0, v1, v2  }
0x1e: {  	s1 =	sadd.s32 $0x4, s2;
	s31 =	simm.s32 $0x0;
	s0 =	sadd.s32 s30, s0;
	[tilespmem:s16+$0x380] =	vst v1  }
0x1f: {  	[hbm4b:s0+s31] =	stream.linear.scatter [tilespmem:s15], [sflag:s1], $0x8000, $0x38;
	[tilespmem:$0x18000] =	vst v63  }
0x20: {  	s0 =	rddreg [dreg:$0x8]  }
0x21: {  	p0 =	slt.u32 s0, $0x10  }
.Ltmp3:
0x22: {  	_ = 	snop;
	(pc) =	sbr.rel @!p0 .LBB2_176-.Ltmp3, $1  }
0x23: {  	_ =	sdelay $0x3  }
.LBB2_2:
0x24: {  	p0 =	slt.u32 s0, $0x2  }
0x25: {  	s1 =	sadd.s32 @!p0 $0xFFFFFFFE, s0  }
0x26: {  	s2 =	sand.u32 @!p0 $0xFF, s1  }
0x27: {  	s2 =	smul.u32 @!p0 $0xAB, s2;
	_ =	sdelay $0x1  }
0x28: {  	s2 =	sshrl.u32 @!p0 s2, $0x9  }
0x29: {  	s2 =	smul.u32 @!p0 $0x3, s2  }
0x2a: {  	p1 =	seq.s32 @!p0 s0, $0xF  }
0x2b: {  	p1 =	por p0, !p1;
	s1 =	ssub.s32 @!p0 s1, s2  }
.Ltmp4:
0x2c: {  	s1 =	sor.u32 @!p0 $0x4, s1;
	(pc) =	sbr.rel @p1 .LBB2_4-.Ltmp4, $4  }
0x2d: {  	s1 =	sand.u32 @!p0 $0xFF, s1  }
0x2e: {  	_ =	swait.ge @!p0 [sflag:s1], $0x8000  }
0x2f: {  	[sflag:s1] =	ssyncset.done @!p0 $0x0  }
0x30: {  	[sflag:s1] =	ssyncadd.s32 @!p0 $0xFFFF8000  }
.Ltmp5:
0x31: {  	(pc) =	sbr.rel .LBB2_5-.Ltmp5, $3  }
0x32: {  	_ =	sdelay $0x1  }
0x33: {  	s1 =	simm.s32 @!p0 $0x10  }
0x34: {  	s4 =	simm.s32 @!p0 $0x0;
	[dreg:$0x8] =	wrdreg s1  }
.LBB2_4:
0x35: {  	s1 =	smul.u32 $0xAB, s0;
	_ =	sdelay $0x1  }
0x36: {  	s2 =	sadd.s32 $0xAB, s1  }
0x37: {  	s4 =	sadd.s32 $0x1, s0;
	s3 =	rddreg [dreg:$0x5];
	s2 =	sshrl.u32 s2, $0x9  }
0x38: {  	s5 =	rddreg [dreg:$0x0];
	s1 =	sshrl.u32 s1, $0x9;
	s2 =	sand.u32 $0x7F, s2  }
0x39: {  	s3 =	sadd.s32 s3, s4;
	s1 =	sand.u32 $0x7F, s1;
	s2 =	smul.u32 $0x3, s2  }
0x3a: {  	s31 =	simm.s32 $0x0;
	s3 =	sshll.u32 s3, $0xC;
	s1 =	smul.u32 $0x3, s1  }
0x3b: {  	[dreg:$0x8] =	wrdreg s4;
	s3 =	sand.u32 $0x1FFFF000, s3;
	s2 =	ssub.s32 s4, s2  }
0x3c: {  	s3 =	sadd.s32 s5, s3;
	s1 =	ssub.s32 s0, s1;
	s2 =	sand.u32 $0xFF, s2  }
0x3d: {  	s4 =	sand.u32 $0xFF, s1;
	s30 =	sshll.u32 s2, $0xF;
	s2 =	sadd.s32 $0x1, s2  }
0x3e: {  	[tilespmem:s30], [sflag:s2] =	stream.linear.gather [hbm4b:s3+s31], $0x8000, $0x38;
	[tilespmem:$0x18000] =	vst v63  }
.LBB2_5:
0x3f: {  	s1 =	sshll.u32 s0, $0x3;
	s2 =	rddreg [dreg:$0x3]  }
0x40: {  	s29 =	sand.u32 $0x1, s0;
	s5 =	sor.u32 s2, s1  }
0x41: {  	p1 =	seq.s32 s29, $0x1;
	p0 =	seq.s32 s5, $0x0  }
0x42: {  	p0 =	por !p0, !p1  }
0x43: {  	s0 =	simm.s32 $0x1;
	p0 =	por !p0, !p0  }
0x44: {  	s1 =	sshrl.u32 s5, $0x4;
	s0 =	simm.s32 @!p0 $0x0  }
0x45: {  	s31 =	sshll.u32 s4, $0x11;
	s1 =	ssub.s32 s1, s0  }
0x46: {  	s3 =	sadd.s32 $0x1, s4;
	s15 =	sshrl.u32 s31, $0x2;
	s17 =	sshll.u32 s1, $0x7  }
0x47: {  	_ =	swait.ge [sflag:s3], $0x8000;
	s19 =	sshll.u32 s1, $0x4;
	s0 =	sand.u32 $0xFFFFFC00, s17  }
0x48: {  	[sflag:s3] =	ssyncset.done $0x0;
	s18 =	sand.u32 $0x70, s19;
	s2 =	sadd.s32 s0, s15  }
0x49: {  	[sflag:s3] =	ssyncadd.s32 $0xFFFF8000;
	s16 =	sor.u32 s18, s2  }
0x4a: {  	v1 =	vld [tilespmem:s16+$0x0];
	_ =	sdelay $0x1  }
0x4b: {  	s30 =	ssub.s32 s5, s19  }
0x4c: {  	p0 =	slt.s32 s1, $0x8;
	v2 =	vmov s30  }
.Ltmp6:
0x4d: {  	v3 =	vand.u32 $0x8, v2;
	(pc) =	sbr.rel @p0 .LBB2_8-.Ltmp6, $3  }
0x4e: {  	v3 =	vperm.xlane v1, v3;
	_ =	sdelay $0x1  }
0x4f: {  	v4 =	vmul.f32 $9.499999880e-01, v3  }
0x50: {  	[dreg:$0xa] =	wrdreg s5;
	s20 =	sand.u32 $0xFFFFFF80, s19  }
0x51: {  	s6 =	sadd.s32 $0x40, s15  }
0x52: {  	v6 =	vld [tilespmem:s6+$0x30]  }
0x53: {  	v19 =	vld [tilespmem:s6+$0xFFFFFFD0]  }
0x54: {  	p2 =	sgt.s32 s20, $0x80;
	v8 =	vld [tilespmem:s6+$0xFFFFFFE0]  }
.Ltmp7:
0x55: {  	v5 =	vld [tilespmem:s6+$0xFFFFFFC0];
	(pc) =	sbr.rel @!p2 .LBB2_7-.Ltmp7, $4  }
0x56: {  	v16 =	vld [tilespmem:s6+$0xFFFFFFF0]  }
0x57: {  	v15 =	vld [tilespmem:s6+$0x0];
	v7 =	vmul.f32 $5.000000000e-01, v6  }
0x58: {  	v14 =	vld [tilespmem:s6+$0x10];
	vm0 =	vgt.f32 v19, v4;
	v11 =	vmul.f32 $5.000000000e-01, v19;
	vm2 =	vgt.f32 v6, v4  }
0x59: {  	p1 =	por $0x0, $0x0;
	v3 =	vld [tilespmem:s6+$0x20];
	s2 =	sadd.s32 $0x400, s6;
	vm1 =	vgt.f32 v8, v4;
	v12 =	vmul.f32 $5.000000000e-01, v8;
	v18 =	vsel vm2, v7, v6  }
0x5a: {  	v20 =	vld [tilespmem:s2+$0x30]  }
0x5b: {  	v6 =	vld [tilespmem:s2+$0xFFFFFFD0];
	v10 =	vsel vm0, v11, v19;
	v13 =	vmul.f32 $5.000000000e-01, v5  }
0x5c: {  	vm2 =	vgt.f32 v16, v4;
	v9 =	vmul.f32 $5.000000000e-01, v16;
	[tilespmem:s6+$0xFFFFFFD0] =	vst v10;
	v10 =	vsel vm1, v12, v8  }
0x5d: {  	[tilespmem:s6+$0x30] =	vst v18;
	v7 =	vld [tilespmem:s2+$0xFFFFFFE0];
	p2 =	sgt.s32 s20, $0x100;
	vm0 =	vgt.f32 v15, v4;
	v11 =	vmul.f32 $5.000000000e-01, v15;
	vm1 =	vgt.f32 v14, v4  }
.Ltmp8:
0x5e: {  	v8 =	vld [tilespmem:s2+$0xFFFFFFF0];
	[tilespmem:s6+$0xFFFFFFE0] =	vst v10;
	v12 =	vmul.f32 $5.000000000e-01, v14;
	v10 =	vsel vm2, v9, v16;
	vm2 =	vgt.f32 v5, v4;
	(pc) =	sbr.rel @!p2 .LBB2_15-.Ltmp8, $4  }
0x5f: {  	v9 =	vld [tilespmem:s2+$0x0];
	vm3 =	vgt.f32 v3, v4;
	v16 =	vmul.f32 $5.000000000e-01, v3;
	[tilespmem:s6+$0xFFFFFFF0] =	vst v10;
	v11 =	vsel vm0, v11, v15  }
0x60: {  	v10 =	vld [tilespmem:s2+$0x10];
	v15 =	vmul.f32 $5.000000000e-01, v20;
	[tilespmem:s6+$0x0] =	vst v11;
	v12 =	vsel vm1, v12, v14;
	vm0 =	vgt.f32 v6, v4  }
0x61: {  	v11 =	vmul.f32 $5.000000000e-01, v6;
	v14 =	vsel vm3, v16, v3;
	v3 =	vld [tilespmem:s2+$0x20];
	vm3 =	vgt.f32 v20, v4;
	[tilespmem:s6+$0x10] =	vst v12  }
0x62: {  	s1 =	simm.s32 $0x100;
	v17 =	vld [tilespmem:s2+$0xFFFFFFC0];
	s3 =	sadd.s32 $0x400, s2;
	p1 =	por $0x1, $0x1;
	vm1 =	vgt.f32 v7, v4;
	v12 =	vmul.f32 $5.000000000e-01, v7;
	v18 =	vsel vm3, v15, v20;
	[tilespmem:s6+$0x20] =	vst v14  }
.LBB2_16:
0x63: {  	v14 =	vld [tilespmem:s3+$0x30];
	s1 =	sadd.s32 $0x80, s1;
	vm3 =	vgt.f32 v8, v4;
	v15 =	vmul.f32 $5.000000000e-01, v8;
	[tilespmem:s2+$0x30] =	vst v18;
	v5 =	vsel vm2, v13, v5  }
0x64: {  	v11 =	vsel vm0, v11, v6;
	p2 =	slt.s32 s1, s20;
	v6 =	vld [tilespmem:s3+$0xFFFFFFD0];
	vm0 =	vgt.f32 v9, v4;
	v16 =	vmul.f32 $5.000000000e-01, v9;
	[tilespmem:s6+$0xFFFFFFC0] =	vst v5;
	s6 =	smov.u32 s2;
	s2 =	smov.u32 s3  }
0x65: {  	v19 =	vsel vm1, v12, v7;
	[tilespmem:s6+$0xFFFFFFD0] =	vst v11;
	v7 =	vld [tilespmem:s3+$0xFFFFFFE0];
	vm1 =	vgt.f32 v10, v4;
	v11 =	vmul.f32 $5.000000000e-01, v10  }
.Ltmp9:
0x66: {  	v18 =	vsel vm3, v15, v8;
	[tilespmem:s6+$0xFFFFFFE0] =	vst v19;
	v8 =	vld [tilespmem:s3+$0xFFFFFFF0];
	vm3 =	vgt.f32 v3, v4;
	v12 =	vmul.f32 $5.000000000e-01, v3;
	(pc) =	sbr.rel @p2 .LBB2_16-.Ltmp9, $4  }
0x67: {  	v15 =	vsel vm0, v16, v9;
	vm2 =	vgt.f32 v17, v4;
	v13 =	vmul.f32 $5.000000000e-01, v17;
	[tilespmem:s6+$0xFFFFFFF0] =	vst v18;
	v9 =	vld [tilespmem:s3+$0x0];
	v5 =	vmovc v17  }
0x68: {  	v16 =	vmul.f32 $5.000000000e-01, v14;
	[tilespmem:s6+$0x0] =	vst v15;
	v15 =	vsel vm1, v11, v10;
	v10 =	vld [tilespmem:s3+$0x10];
	v19 =	vsel vm3, v12, v3  }
0x69: {  	vm3 =	vgt.f32 v14, v4;
	vm0 =	vgt.f32 v6, v4;
	v11 =	vmul.f32 $5.000000000e-01, v6;
	v3 =	vld [tilespmem:s3+$0x20];
	[tilespmem:s6+$0x10] =	vst v15  }
0x6a: {  	s3 =	sadd.s32 $0x400, s3;
	v17 =	vld [tilespmem:s2+$0xFFFFFFC0];
	vm1 =	vgt.f32 v7, v4;
	v12 =	vmul.f32 $5.000000000e-01, v7;
	v18 =	vsel vm3, v16, v14;
	[tilespmem:s6+$0x20] =	vst v19  }
0x6b: {  	_ =	sdelay $0x2  }
0x6c: {  	v20 =	vmov v5;
	v16 =	vmov v8  }
0x6d: {  	v19 =	vmovc v6;
	v8 =	vmovc v7;
	v15 =	vmov v9;
	v14 =	vmov v10;
	v5 =	vmov v17  }
.LBB2_18:
0x6e: {  	[tilespmem:s2+$0x30] =	vst v18;
	v6 =	vsel @p1 vm2, v13, v20  }
0x6f: {  	v7 =	vmul.f32 $5.000000000e-01, v16;
	v9 =	vsel vm0, v11, v19;
	[tilespmem:s6+$0xFFFFFFC0] =	vst @p1 v6  }
0x70: {  	vm11 =	vgt.f32 v16, v4;
	v8 =	vsel vm1, v12, v8;
	v63 =	vmul.f32 $5.000000000e-01, v3;
	[tilespmem:s2+$0xFFFFFFD0] =	vst v9  }
0x71: {  	vm14 =	vgt.f32 v3, v4;
	v6 =	vmul.f32 $5.000000000e-01, v15;
	[tilespmem:s2+$0xFFFFFFE0] =	vst v8;
	v7 =	vsel vm11, v7, v16  }
0x72: {  	vm12 =	vgt.f32 v15, v4;
	v62 =	vmul.f32 $5.000000000e-01, v14;
	v3 =	vsel vm14, v63, v3;
	[tilespmem:s2+$0xFFFFFFF0] =	vst v7  }
0x73: {  	vm13 =	vgt.f32 v14, v4;
	v6 =	vsel vm12, v6, v15;
	v7 =	vmul.f32 $5.000000000e-01, v5;
	[tilespmem:s2+$0x20] =	vst v3  }
0x74: {  	vm15 =	vgt.f32 v5, v4;
	[tilespmem:s2+$0x0] =	vst v6;
	v6 =	vsel vm13, v62, v14  }
0x75: {  	[tilespmem:s2+$0x10] =	vst v6;
	v3 =	vsel vm15, v7, v5  }
0x76: {  	[tilespmem:s2+$0xFFFFFFC0] =	vst v3  }
.LBB2_8:
0x77: {  	p1 =	seq.s32 s20, s19  }
.Ltmp10:
0x78: {  	_ = 	snop;
	(pc) =	sbr.rel @p1 .LBB2_11-.Ltmp10, $2  }
0x79: {  	_ =	sdelay $0x2  }
0x7a: {  	[dreg:$0x9] =	wrdreg s4  }
0x7b: {  	s1 =	smov.u32 s20  }
.LBB2_10:
0x7c: {  	s2 =	sand.u32 $0xFFFFFC00, s0  }
0x7d: {  	s3 =	sand.u32 $0x70, s1;
	s2 =	sadd.s32 s2, s15  }
0x7e: {  	s2 =	sadd.s32 s3, s2  }
0x7f: {  	v3 =	vld [tilespmem:s2+$0x0];
	_ =	sdelay $0x1  }
0x80: {  	s1 =	sadd.s32 $0x10, s1  }
0x81: {  	p2 =	slt.s32 s1, s19  }
.Ltmp11:
0x82: {  	_ = 	snop;
	(pc) =	sbr.rel @p2 .LBB2_10-.Ltmp11, $4  }
0x83: {  	v5 =	vmul.f32 $5.000000000e-01, v3  }
0x84: {  	vm0 =	vgt.f32 v3, v4  }
0x85: {  	v3 =	vsel vm0, v5, v3  }
0x86: {  	s0 =	sadd.s32 $0x80, s0;
	[tilespmem:s2+$0x0] =	vst v3  }
.LBB2_11:
0x87: {  	s0 =	ssub.s32 $0xFF0, s19  }
0x88: {  	s22 =	sadd.s32 $0x10, s19;
	s0 =	sand.u32 $0xFFFFFF80, s0  }
0x89: {  	s21 =	sadd.s32 s22, s0  }
0x8a: {  	s29 =	sxor.u32 $0x40, s18;
	p2 =	sge.s32 s22, s21  }
.Ltmp12:
0x8b: {  	s31 =	sadd.s32 $0x50, s19;
	[dreg:$0xe] =	wrdreg s29;
	(pc) =	sbr.rel @p2 .LBB2_19-.Ltmp12, $4  }
0x8c: {  	s1 =	sadd.s32 $0x20, s19;
	s2 =	sand.u32 $0x70, s22;
	[dreg:$0xf] =	wrdreg s31  }
0x8d: {  	s26 =	sadd.s32 $0x30, s19;
	s1 =	sand.u32 $0x70, s1;
	[dreg:$0xb] =	wrdreg s2  }
0x8e: {  	s28 =	sand.u32 $0x70, s26;
	[dreg:$0xc] =	wrdreg s1  }
0x8f: {  	[dreg:$0xd] =	wrdreg s28  }
0x90: {  	s2 =	rddreg [dreg:$0xf]  }
0x91: {  	s4 =	rddreg [dreg:$0xb]  }
0x92: {  	s5 =	rddreg [dreg:$0xc]  }
0x93: {  	s6 =	rddreg [dreg:$0xd]  }
0x94: {  	s1 =	sadd.s32 $0x60, s19;
	s3 =	sadd.s32 $0x70, s19;
	s7 =	rddreg [dreg:$0xe]  }
0x95: {  	s26 =	sadd.s32 s18, s15;
	s28 =	sadd.s32 $0x400, s17;
	s3 =	sand.u32 $0x70, s3  }
0x96: {  	p3 =	por $0x0, $0x0;
	s2 =	sand.u32 $0x70, s2;
	s3 =	sadd.s32 s3, s15  }
0x97: {  	s1 =	sand.u32 $0x70, s1;
	s4 =	sadd.s32 s4, s15;
	v11 =	vmov s26;
	v10 =	vmov s3;
	s3 =	sadd.s32 $0x80, s22  }
0x98: {  	s5 =	sadd.s32 s5, s15;
	s6 =	sadd.s32 s6, s15;
	v9 =	vmov s4;
	p4 =	slt.u32 s3, s21  }
.Ltmp13:
0x99: {  	s7 =	sadd.s32 s7, s15;
	s1 =	sadd.s32 s1, s15;
	(pc) =	sbr.rel @!p4 .LBB2_13-.Ltmp13, $4  }
0x9a: {  	s11 =	sadd.s32 $0x400, s28;
	s29 =	sadd.s32 $0xFFFFFC80, s28;
	s2 =	sadd.s32 s2, s15;
	v6 =	vmov s1  }
0x9b: {  	s31 =	sadd.s32 $0xFFFFFF80, s28;
	s12 =	sand.u32 $0xFFFFFC00, s28;
	s24 =	sadd.s32 $0xFFFFFE80, s28;
	v8 =	vmov s2  }
0x9c: {  	s25 =	sadd.s32 $0xFFFFFF00, s28;
	s26 =	sadd.s32 $0xFFFFFD00, s28;
	v3 =	vmov s5;
	v7 =	vmov s7;
	s5 =	sand.u32 $0xFFFFFC00, s29;
	v12 =	vld.idx.msk [tilespmem:v11+s12+$0x0 ss:$0x1], $0xffff  }
0x9d: {  	s14 =	sadd.s32 $0xFFFFFD80, s28;
	v5 =	vmov s6;
	s10 =	sand.u32 $0xFFFFFC00, s31;
	s1 =	sadd.s32 $0xFFFFFE00, s28;
	v13 =	vld.idx.msk [tilespmem:v9+s5+$0x0 ss:$0x1], $0xffff  }
0x9e: {  	_ =	sdelay $0x3  }
0x9f: {  	s2 =	sand.u32 $0xFFFFFC00, s25;
	v21 =	vld.idx.msk [tilespmem:v10+s10+$0x0 ss:$0x1], $0xffff  }
0xa0: {  	s8 =	sand.u32 $0xFFFFFC00, s24;
	v17 =	vld.idx.msk [tilespmem:v6+s2+$0x0 ss:$0x1], $0xffff  }
0xa1: {  	s23 =	sand.u32 $0xFFFFFC00, s26;
	v16 =	vld.idx.msk [tilespmem:v8+s8+$0x0 ss:$0x1], $0xffff  }
0xa2: {  	s3 =	sadd.s32 $0x80, s3;
	v18 =	vld.idx.msk [tilespmem:v3+s23+$0x0 ss:$0x1], $0xffff  }
0xa3: {  	s9 =	sand.u32 $0xFFFFFC00, s1;
	p4 =	slt.u32 s3, s21;
	v19 =	vmul.f32 $5.000000000e-01, v12  }
.Ltmp14:
0xa4: {  	s6 =	sand.u32 $0xFFFFFC00, s14;
	v14 =	vld.idx.msk [tilespmem:v7+s9+$0x0 ss:$0x1], $0xffff;
	vm0 =	vgt.f32 v12, v4;
	v20 =	vmul.f32 $5.000000000e-01, v13;
	(pc) =	sbr.rel @!p4 .LBB2_26-.Ltmp14, $4  }
0xa5: {  	s1 =	sadd.s32 $0xFFFFFE00, s11;
	s7 =	sadd.s32 $0x400, s11;
	s13 =	sadd.s32 $0xFFFFFC80, s11;
	v15 =	vld.idx.msk [tilespmem:v5+s6+$0x0 ss:$0x1], $0xffff;
	vm1 =	vgt.f32 v13, v4;
	v12 =	vsel vm0, v19, v12  }
0xa6: {  	s28 =	sadd.s32 $0xFFFFFF80, s11;
	s4 =	sand.u32 $0xFFFFFC00, s11;
	s24 =	sadd.s32 $0xFFFFFE80, s11;
	v22 =	vmul.f32 $5.000000000e-01, v21;
	vm2 =	vgt.f32 v21, v4;
	v13 =	vsel vm1, v20, v13  }
0xa7: {  	s25 =	sadd.s32 $0xFFFFFF00, s11;
	s26 =	sadd.s32 $0xFFFFFD00, s11;
	s13 =	sand.u32 $0xFFFFFC00, s13;
	vm0 =	vgt.f32 v17, v4;
	[tilespmem:v11+s12+$0x0 ss:$0x1] =	vst.idx.msk $0xffff, v12;
	v12 =	vld.idx.msk [tilespmem:v11+s4+$0x0 ss:$0x1], $0xffff;
	v20 =	vmul.f32 $5.000000000e-01, v16;
	v19 =	vmul.f32 $5.000000000e-01, v18  }
0xa8: {  	s14 =	sadd.s32 $0xFFFFFD80, s11;
	p3 =	por $0x1, $0x1;
	s11 =	sand.u32 $0xFFFFFC00, s28;
	vm1 =	vgt.f32 v16, v4;
	[tilespmem:v9+s5+$0x0 ss:$0x1] =	vst.idx.msk $0xffff, v13;
	v13 =	vld.idx.msk [tilespmem:v9+s13+$0x0 ss:$0x1], $0xffff;
	v21 =	vsel vm2, v22, v21  }
.LBB2_27:
0xa9: {  	s5 =	sand.u32 $0xFFFFFC00, s26;
	s12 =	sand.u32 $0xFFFFFC00, s24;
	s24 =	sand.u32 $0xFFFFFC00, s25;
	v22 =	vld.idx.msk [tilespmem:v10+s11+$0x0 ss:$0x1], $0xffff;
	v23 =	vmul.f32 $5.000000000e-01, v14;
	v20 =	vsel vm1, v20, v16;
	v24 =	vmul.f32 $5.000000000e-01, v17;
	[tilespmem:v10+s10+$0x0 ss:$0x1] =	vst.idx.msk $0xffff, v21  }
0xaa: {  	s14 =	sand.u32 $0xFFFFFC00, s14;
	s10 =	sand.u32 $0xFFFFFC00, s1;
	s1 =	sadd.s32 $0xFFFFFE00, s7;
	vm1 =	vgt.f32 v18, v4;
	v25 =	vmul.f32 $5.000000000e-01, v15;
	vm2 =	vgt.f32 v14, v4;
	v21 =	vld.idx.msk [tilespmem:v6+s24+$0x0 ss:$0x1], $0xffff  }
0xab: {  	s3 =	sadd.s32 $0x80, s3;
	vm3 =	vgt.f32 v15, v4;
	v16 =	vld.idx.msk [tilespmem:v8+s12+$0x0 ss:$0x1], $0xffff;
	v14 =	vsel vm2, v23, v14;
	[tilespmem:v8+s8+$0x0 ss:$0x1] =	vst.idx.msk $0xffff, v20;
	s8 =	smov.u32 s12;
	s12 =	smov.u32 s7  }
0xac: {  	p4 =	slt.u32 s3, s21;
	v20 =	vsel vm3, v25, v15;
	v15 =	vsel vm0, v24, v17;
	v23 =	vld.idx.msk [tilespmem:v3+s5+$0x0 ss:$0x1], $0xffff;
	[tilespmem:v7+s9+$0x0 ss:$0x1] =	vst.idx.msk $0xffff, v14;
	s9 =	smov.u32 s10;
	s10 =	smov.u32 s11  }
0xad: {  	v18 =	vsel vm1, v19, v18;
	v17 =	vmul.f32 $5.000000000e-01, v12;
	v14 =	vld.idx.msk [tilespmem:v7+s9+$0x0 ss:$0x1], $0xffff;
	[tilespmem:v6+s2+$0x0 ss:$0x1] =	vst.idx.msk $0xffff, v15;
	s2 =	smov.u32 s24  }
.Ltmp15:
0xae: {  	vm0 =	vgt.f32 v12, v4;
	v19 =	vmul.f32 $5.000000000e-01, v13;
	v15 =	vld.idx.msk [tilespmem:v5+s14+$0x0 ss:$0x1], $0xffff;
	[tilespmem:v5+s6+$0x0 ss:$0x1] =	vst.idx.msk $0xffff, v20;
	s6 =	smov.u32 s14;
	(pc) =	sbr.rel @p4 .LBB2_27-.Ltmp15, $4  }
0xaf: {  	s7 =	sadd.s32 $0x400, s7;
	vm1 =	vgt.f32 v13, v4;
	v12 =	vsel vm0, v17, v12;
	[tilespmem:v3+s23+$0x0 ss:$0x1] =	vst.idx.msk $0xffff, v18;
	s23 =	smov.u32 s5  }
0xb0: {  	s11 =	sadd.s32 $0xFFFFFF80, s12;
	v24 =	vmul.f32 $5.000000000e-01, v22;
	s5 =	sadd.s32 $0xFFFFFC80, s12;
	v13 =	vsel vm1, v19, v13;
	vm0 =	vgt.f32 v21, v4;
	[tilespmem:v11+s4+$0x0 ss:$0x1] =	vst.idx.msk $0xffff, v12;
	s4 =	sand.u32 $0xFFFFFC00, s12  }
0xb1: {  	s25 =	sadd.s32 $0xFFFFFF00, s12;
	s24 =	sadd.s32 $0xFFFFFE80, s12;
	vm2 =	vgt.f32 v22, v4;
	v20 =	vmul.f32 $5.000000000e-01, v16;
	v17 =	vmov v21;
	v12 =	vld.idx.msk [tilespmem:v11+s4+$0x0 ss:$0x1], $0xffff;
	[tilespmem:v9+s13+$0x0 ss:$0x1] =	vst.idx.msk $0xffff, v13;
	s13 =	sand.u32 $0xFFFFFC00, s5  }
0xb2: {  	s26 =	sadd.s32 $0xFFFFFD00, s12;
	s11 =	sand.u32 $0xFFFFFC00, s11;
	s14 =	sadd.s32 $0xFFFFFD80, s12;
	vm1 =	vgt.f32 v16, v4;
	v21 =	vsel vm2, v24, v22;
	v19 =	vmul.f32 $5.000000000e-01, v23;
	v18 =	vmovc v23;
	v13 =	vld.idx.msk [tilespmem:v9+s13+$0x0 ss:$0x1], $0xffff  }
0xb3: {  	s12 =	smov.u32 s4;
	s5 =	smov.u32 s13  }
.LBB2_29:
0xb4: {  	_ =	sdelay $0x3  }
0xb5: {  	s3 =	sand.u32 $0xFFFFFC00, s25;
	v22 =	vld.idx.msk [tilespmem:v10+s11+$0x0 ss:$0x1], $0xffff  }
0xb6: {  	s4 =	sand.u32 $0xFFFFFC00, s24;
	v24 =	vld.idx.msk [tilespmem:v6+s3+$0x0 ss:$0x1], $0xffff  }
0xb7: {  	v16 =	vsel @p3 vm1, v20, v16;
	s7 =	sand.u32 $0xFFFFFC00, s26;
	v50 =	vld.idx.msk [tilespmem:v8+s4+$0x0 ss:$0x1], $0xffff  }
0xb8: {  	v23 =	vmul.f32 @p3 $5.000000000e-01, v14;
	v20 =	vmul.f32 @p3 $5.000000000e-01, v17;
	[tilespmem:v10+s10+$0x0 ss:$0x1] =	vst.idx.msk @p3 $0xffff, v21;
	vm1 =	vgt.f32 @p3 v18, v4;
	s1 =	sand.u32 $0xFFFFFC00, s1;
	v51 =	vld.idx.msk [tilespmem:v3+s7+$0x0 ss:$0x1], $0xffff  }
0xb9: {  	vm2 =	vgt.f32 @p3 v14, v4;
	s31 =	sand.u32 $0xFFFFFC00, s14;
	[tilespmem:v8+s8+$0x0 ss:$0x1] =	vst.idx.msk @p3 $0xffff, v16;
	v52 =	vld.idx.msk [tilespmem:v7+s1+$0x0 ss:$0x1], $0xffff;
	v18 =	vsel @p3 vm1, v19, v18  }
0xba: {  	v25 =	vmul.f32 @p3 $5.000000000e-01, v15;
	v55 =	vld.idx.msk [tilespmem:v5+s31+$0x0 ss:$0x1], $0xffff;
	v14 =	vsel @p3 vm2, v23, v14;
	[tilespmem:v3+s23+$0x0 ss:$0x1] =	vst.idx.msk @p3 $0xffff, v18  }
0xbb: {  	vm2 =	vgt.f32 @p3 v15, v4;
	v53 =	vmul.f32 $5.000000000e-01, v12;
	[tilespmem:v7+s9+$0x0 ss:$0x1] =	vst.idx.msk @p3 $0xffff, v14;
	v14 =	vsel @p3 vm0, v20, v17  }
0xbc: {  	vm8 =	vgt.f32 v12, v4;
	v15 =	vsel @p3 vm2, v25, v15;
	v54 =	vmul.f32 $5.000000000e-01, v13;
	[tilespmem:v6+s2+$0x0 ss:$0x1] =	vst.idx.msk @p3 $0xffff, v14  }
0xbd: {  	vm9 =	vgt.f32 v13, v4;
	[tilespmem:v5+s6+$0x0 ss:$0x1] =	vst.idx.msk @p3 $0xffff, v15;
	v12 =	vsel vm8, v53, v12;
	v56 =	vmul.f32 $5.000000000e-01, v22  }
0xbe: {  	v13 =	vsel vm9, v54, v13;
	[tilespmem:v11+s12+$0x0 ss:$0x1] =	vst.idx.msk $0xffff, v12;
	vm10 =	vgt.f32 v22, v4;
	v57 =	vmul.f32 $5.000000000e-01, v50  }
0xbf: {  	[tilespmem:v9+s5+$0x0 ss:$0x1] =	vst.idx.msk $0xffff, v13;
	vm11 =	vgt.f32 v50, v4;
	v59 =	vmul.f32 $5.000000000e-01, v52;
	v58 =	vsel vm10, v56, v22  }
0xc0: {  	vm12 =	vgt.f32 v52, v4;
	v61 =	vmul.f32 $5.000000000e-01, v55;
	v11 =	vsel vm11, v57, v50;
	[tilespmem:v10+s11+$0x0 ss:$0x1] =	vst.idx.msk $0xffff, v58  }
0xc1: {  	v60 =	vmul.f32 $5.000000000e-01, v24;
	vm14 =	vgt.f32 v55, v4;
	v62 =	vsel vm12, v59, v52;
	[tilespmem:v8+s4+$0x0 ss:$0x1] =	vst.idx.msk $0xffff, v11  }
0xc2: {  	vm13 =	vgt.f32 v24, v4;
	v63 =	vmul.f32 $5.000000000e-01, v51;
	v9 =	vsel vm14, v61, v55;
	[tilespmem:v7+s1+$0x0 ss:$0x1] =	vst.idx.msk $0xffff, v62  }
0xc3: {  	vm15 =	vgt.f32 v51, v4;
	v7 =	vsel vm13, v60, v24;
	[tilespmem:v5+s31+$0x0 ss:$0x1] =	vst.idx.msk $0xffff, v9  }
0xc4: {  	[tilespmem:v6+s3+$0x0 ss:$0x1] =	vst.idx.msk $0xffff, v7;
	v6 =	vsel vm15, v63, v51  }
0xc5: {  	[tilespmem:v3+s7+$0x0 ss:$0x1] =	vst.idx.msk $0xffff, v6  }
.LBB2_19:
0xc6: {  	p3 =	sgt.s32 s21, $0xFFF  }
.Ltmp16:
0xc7: {  	_ = 	snop;
	(pc) =	sbr.rel @p3 .LBB2_22-.Ltmp16, $2  }
0xc8: {  	_ =	sdelay $0x2  }
0xc9: {  	s23 =	sadd.s32 s19, s0;
	s24 =	sshll.u32 s21, $0x3  }
0xca: {  	s1 =	sadd.s32 s19, s0;
	s2 =	sshll.u32 s21, $0x3  }
.LBB2_21:
0xcb: {  	s1 =	sadd.s32 $0x10, s1;
	s3 =	sand.u32 $0xFFFFFC00, s2  }
0xcc: {  	s4 =	sand.u32 $0x70, s1;
	s3 =	sadd.s32 s3, s15  }
0xcd: {  	s3 =	sadd.s32 s4, s3  }
0xce: {  	v3 =	vld [tilespmem:s3+$0x0];
	_ =	sdelay $0x2  }
0xcf: {  	p4 =	slt.u32 s1, $0xFF0  }
.Ltmp17:
0xd0: {  	_ = 	snop;
	(pc) =	sbr.rel @p4 .LBB2_21-.Ltmp17, $4  }
0xd1: {  	v5 =	vmul.f32 $5.000000000e-01, v3  }
0xd2: {  	vm0 =	vgt.f32 v3, v4  }
0xd3: {  	v3 =	vsel vm0, v5, v3  }
0xd4: {  	s2 =	sadd.s32 $0x80, s2;
	[tilespmem:s3+$0x0] =	vst v3  }
.LBB2_22:
0xd5: {  	v3 =	vld [tilespmem:s16+$0x80];
	_ =	sdelay $0x2  }
0xd6: {  	s1 =	sor.u32 $0x1, s30  }
.Ltmp18:
0xd7: {  	vm1 =	vne.s32 v2, v0;
	v2 =	vmov s1;
	(pc) =	sbr.rel @p0 .LBB2_30-.Ltmp18, $4  }
0xd8: {  	vm0 =	vgt.f32 v1, v4;
	v4 =	vmul.f32 $5.000000000e-01, v1;
	v5 =	vperm.xlane v3, v2  }
0xd9: {  	vm0 =	vmand vm1, vm0  }
0xda: {  	v1 =	vsel vm0, v4, v1;
	v4 =	vmul.f32 $9.499999880e-01, v5  }
0xdb: {  	[tilespmem:s16+$0x0] =	vst v1  }
0xdc: {  	s6 =	sadd.s32 $0xF0, s15  }
0xdd: {  	v6 =	vld [tilespmem:s6+$0x0]  }
0xde: {  	v19 =	vld [tilespmem:s6+$0xFFFFFFA0]  }
0xdf: {  	p5 =	sgt.s32 s20, $0x80;
	v8 =	vld [tilespmem:s6+$0xFFFFFFB0]  }
.Ltmp19:
0xe0: {  	v5 =	vld [tilespmem:s6+$0xFFFFFF90];
	(pc) =	sbr.rel @!p5 .LBB2_24-.Ltmp19, $4  }
0xe1: {  	v16 =	vld [tilespmem:s6+$0xFFFFFFC0]  }
0xe2: {  	v15 =	vld [tilespmem:s6+$0xFFFFFFD0];
	v7 =	vmul.f32 $5.000000000e-01, v6  }
0xe3: {  	v14 =	vld [tilespmem:s6+$0xFFFFFFE0];
	vm0 =	vgt.f32 v19, v4;
	v11 =	vmul.f32 $5.000000000e-01, v19;
	vm2 =	vgt.f32 v6, v4  }
0xe4: {  	p4 =	por $0x0, $0x0;
	v1 =	vld [tilespmem:s6+$0xFFFFFFF0];
	s2 =	sadd.s32 $0x400, s6;
	vm1 =	vgt.f32 v8, v4;
	v12 =	vmul.f32 $5.000000000e-01, v8;
	v18 =	vsel vm2, v7, v6  }
0xe5: {  	v20 =	vld [tilespmem:s2+$0x0]  }
0xe6: {  	v6 =	vld [tilespmem:s2+$0xFFFFFFA0];
	v10 =	vsel vm0, v11, v19;
	v13 =	vmul.f32 $5.000000000e-01, v5  }
0xe7: {  	vm2 =	vgt.f32 v16, v4;
	v9 =	vmul.f32 $5.000000000e-01, v16;
	[tilespmem:s6+$0xFFFFFFA0] =	vst v10;
	v10 =	vsel vm1, v12, v8  }
0xe8: {  	[tilespmem:s6+$0x0] =	vst v18;
	v7 =	vld [tilespmem:s2+$0xFFFFFFB0];
	p5 =	sgt.s32 s20, $0x100;
	vm0 =	vgt.f32 v15, v4;
	v11 =	vmul.f32 $5.000000000e-01, v15;
	vm1 =	vgt.f32 v14, v4  }
.Ltmp20:
0xe9: {  	v8 =	vld [tilespmem:s2+$0xFFFFFFC0];
	[tilespmem:s6+$0xFFFFFFB0] =	vst v10;
	v12 =	vmul.f32 $5.000000000e-01, v14;
	v10 =	vsel vm2, v9, v16;
	vm2 =	vgt.f32 v5, v4;
	(pc) =	sbr.rel @!p5 .LBB2_37-.Ltmp20, $4  }
0xea: {  	v9 =	vld [tilespmem:s2+$0xFFFFFFD0];
	vm3 =	vgt.f32 v1, v4;
	v16 =	vmul.f32 $5.000000000e-01, v1;
	[tilespmem:s6+$0xFFFFFFC0] =	vst v10;
	v11 =	vsel vm0, v11, v15  }
0xeb: {  	v10 =	vld [tilespmem:s2+$0xFFFFFFE0];
	v15 =	vmul.f32 $5.000000000e-01, v20;
	[tilespmem:s6+$0xFFFFFFD0] =	vst v11;
	v12 =	vsel vm1, v12, v14;
	vm0 =	vgt.f32 v6, v4  }
0xec: {  	v11 =	vmul.f32 $5.000000000e-01, v6;
	v14 =	vsel vm3, v16, v1;
	v1 =	vld [tilespmem:s2+$0xFFFFFFF0];
	vm3 =	vgt.f32 v20, v4;
	[tilespmem:s6+$0xFFFFFFE0] =	vst v12  }
0xed: {  	s1 =	simm.s32 $0x100;
	v17 =	vld [tilespmem:s2+$0xFFFFFF90];
	s3 =	sadd.s32 $0x400, s2;
	p4 =	por $0x1, $0x1;
	vm1 =	vgt.f32 v7, v4;
	v12 =	vmul.f32 $5.000000000e-01, v7;
	v18 =	vsel vm3, v15, v20;
	[tilespmem:s6+$0xFFFFFFF0] =	vst v14  }
.LBB2_38:
0xee: {  	v14 =	vld [tilespmem:s3+$0x0];
	s1 =	sadd.s32 $0x80, s1;
	vm3 =	vgt.f32 v8, v4;
	v15 =	vmul.f32 $5.000000000e-01, v8;
	[tilespmem:s2+$0x0] =	vst v18;
	v5 =	vsel vm2, v13, v5  }
0xef: {  	v11 =	vsel vm0, v11, v6;
	p5 =	slt.s32 s1, s20;
	v6 =	vld [tilespmem:s3+$0xFFFFFFA0];
	vm0 =	vgt.f32 v9, v4;
	v16 =	vmul.f32 $5.000000000e-01, v9;
	[tilespmem:s6+$0xFFFFFF90] =	vst v5;
	s6 =	smov.u32 s2;
	s2 =	smov.u32 s3  }
0xf0: {  	v19 =	vsel vm1, v12, v7;
	[tilespmem:s6+$0xFFFFFFA0] =	vst v11;
	v7 =	vld [tilespmem:s3+$0xFFFFFFB0];
	vm1 =	vgt.f32 v10, v4;
	v11 =	vmul.f32 $5.000000000e-01, v10  }
.Ltmp21:
0xf1: {  	v18 =	vsel vm3, v15, v8;
	[tilespmem:s6+$0xFFFFFFB0] =	vst v19;
	v8 =	vld [tilespmem:s3+$0xFFFFFFC0];
	vm3 =	vgt.f32 v1, v4;
	v12 =	vmul.f32 $5.000000000e-01, v1;
	(pc) =	sbr.rel @p5 .LBB2_38-.Ltmp21, $4  }
0xf2: {  	v15 =	vsel vm0, v16, v9;
	vm2 =	vgt.f32 v17, v4;
	v13 =	vmul.f32 $5.000000000e-01, v17;
	[tilespmem:s6+$0xFFFFFFC0] =	vst v18;
	v9 =	vld [tilespmem:s3+$0xFFFFFFD0];
	v5 =	vmovc v17  }
0xf3: {  	v16 =	vmul.f32 $5.000000000e-01, v14;
	[tilespmem:s6+$0xFFFFFFD0] =	vst v15;
	v15 =	vsel vm1, v11, v10;
	v10 =	vld [tilespmem:s3+$0xFFFFFFE0];
	v19 =	vsel vm3, v12, v1  }
0xf4: {  	vm3 =	vgt.f32 v14, v4;
	vm0 =	vgt.f32 v6, v4;
	v11 =	vmul.f32 $5.000000000e-01, v6;
	v1 =	vld [tilespmem:s3+$0xFFFFFFF0];
	[tilespmem:s6+$0xFFFFFFE0] =	vst v15  }
0xf5: {  	s3 =	sadd.s32 $0x400, s3;
	v17 =	vld [tilespmem:s2+$0xFFFFFF90];
	vm1 =	vgt.f32 v7, v4;
	v12 =	vmul.f32 $5.000000000e-01, v7;
	v18 =	vsel vm3, v16, v14;
	[tilespmem:s6+$0xFFFFFFF0] =	vst v19  }
0xf6: {  	_ =	sdelay $0x2  }
0xf7: {  	v20 =	vmov v5;
	v16 =	vmov v8  }
0xf8: {  	v19 =	vmovc v6;
	v8 =	vmovc v7;
	v15 =	vmov v9;
	v14 =	vmov v10;
	v5 =	vmov v17  }
.LBB2_40:
0xf9: {  	[tilespmem:s2+$0x0] =	vst v18;
	v6 =	vsel @p4 vm2, v13, v20  }
0xfa: {  	v7 =	vmul.f32 $5.000000000e-01, v16;
	v9 =	vsel vm0, v11, v19;
	[tilespmem:s6+$0xFFFFFF90] =	vst @p4 v6  }
0xfb: {  	vm11 =	vgt.f32 v16, v4;
	v8 =	vsel vm1, v12, v8;
	v63 =	vmul.f32 $5.000000000e-01, v1;
	[tilespmem:s2+$0xFFFFFFA0] =	vst v9  }
0xfc: {  	vm14 =	vgt.f32 v1, v4;
	v6 =	vmul.f32 $5.000000000e-01, v15;
	[tilespmem:s2+$0xFFFFFFB0] =	vst v8;
	v7 =	vsel vm11, v7, v16  }
0xfd: {  	vm12 =	vgt.f32 v15, v4;
	v62 =	vmul.f32 $5.000000000e-01, v14;
	v1 =	vsel vm14, v63, v1;
	[tilespmem:s2+$0xFFFFFFC0] =	vst v7  }
0xfe: {  	vm13 =	vgt.f32 v14, v4;
	v6 =	vsel vm12, v6, v15;
	v7 =	vmul.f32 $5.000000000e-01, v5;
	[tilespmem:s2+$0xFFFFFFF0] =	vst v1  }
0xff: {  	vm15 =	vgt.f32 v5, v4;
	[tilespmem:s2+$0xFFFFFFD0] =	vst v6;
	v6 =	vsel vm13, v62, v14  }
0x100: {  	[tilespmem:s2+$0xFFFFFFE0] =	vst v6;
	v1 =	vsel vm15, v7, v5  }
0x101: {  	[tilespmem:s2+$0xFFFFFF90] =	vst v1  }
.LBB2_30:
.Ltmp22:
0x102: {  	(pc) =	sbr.rel @p1 .LBB2_33-.Ltmp22, $1  }
0x103: {  	_ =	sdelay $0x3  }
0x104: {  	s1 =	sand.u32 $0xFFFFFC00, s17;
	s2 =	smov.u32 s20  }
.LBB2_32:
0x105: {  	s3 =	sand.u32 $0xFFFFFC00, s1  }
0x106: {  	s4 =	sand.u32 $0x70, s2;
	s3 =	sadd.s32 s3, s15  }
0x107: {  	s3 =	sadd.s32 s4, s3  }
0x108: {  	v1 =	vld [tilespmem:s3+$0x80];
	_ =	sdelay $0x1  }
0x109: {  	s2 =	sadd.s32 $0x10, s2  }
0x10a: {  	p4 =	slt.s32 s2, s19  }
.Ltmp23:
0x10b: {  	_ = 	snop;
	(pc) =	sbr.rel @p4 .LBB2_32-.Ltmp23, $4  }
0x10c: {  	v5 =	vmul.f32 $5.000000000e-01, v1  }
0x10d: {  	vm0 =	vgt.f32 v1, v4  }
0x10e: {  	v1 =	vsel vm0, v5, v1  }
0x10f: {  	s1 =	sadd.s32 $0x80, s1;
	[tilespmem:s3+$0x80] =	vst v1  }
.LBB2_33:
.Ltmp24:
0x110: {  	(pc) =	sbr.rel @p2 .LBB2_41-.Ltmp24, $1  }
0x111: {  	_ =	sdelay $0x3  }
0x112: {  	s2 =	rddreg [dreg:$0xf]  }
0x113: {  	s4 =	rddreg [dreg:$0xb]  }
0x114: {  	s5 =	rddreg [dreg:$0xc]  }
0x115: {  	s6 =	rddreg [dreg:$0xd]  }
0x116: {  	s1 =	sadd.s32 $0x60, s19;
	s3 =	sadd.s32 $0x70, s19;
	s7 =	rddreg [dreg:$0xe]  }
0x117: {  	s14 =	sadd.s32 s18, s15;
	s25 =	sadd.s32 $0x400, s17;
	p4 =	por $0x0, $0x0  }
0x118: {  	s2 =	sand.u32 $0x70, s2;
	s1 =	sand.u32 $0x70, s1;
	s4 =	sadd.s32 s4, s15  }
0x119: {  	s3 =	sand.u32 $0x70, s3;
	s5 =	sadd.s32 s5, s15;
	v11 =	vmov s14;
	v9 =	vmov s4;
	s4 =	sadd.s32 $0x80, s22  }
0x11a: {  	s6 =	sadd.s32 s6, s15;
	s3 =	sadd.s32 s3, s15;
	p5 =	slt.u32 s4, s21  }
.Ltmp25:
0x11b: {  	s7 =	sadd.s32 s7, s15;
	s13 =	sadd.s32 s1, s15;
	v10 =	vmov s3;
	(pc) =	sbr.rel @!p5 .LBB2_35-.Ltmp25, $4  }
0x11c: {  	s11 =	sadd.s32 $0x400, s25;
	s26 =	sadd.s32 $0xFFFFFC80, s25;
	s2 =	sadd.s32 s2, s15;
	v6 =	vmov s13  }
0x11d: {  	s31 =	sadd.s32 $0xFFFFFF80, s25;
	s14 =	sand.u32 $0xFFFFFC00, s25;
	s28 =	sadd.s32 $0xFFFFFF00, s25;
	v8 =	vmov s2  }
0x11e: {  	s29 =	sadd.s32 $0xFFFFFD00, s25;
	v1 =	vmov s5;
	v7 =	vmov s7;
	s12 =	sand.u32 $0xFFFFFC00, s26;
	s26 =	sadd.s32 $0xFFFFFE80, s25;
	v12 =	vld.idx.msk [tilespmem:v11+s14+$0x80 ss:$0x1], $0xffff  }
0x11f: {  	v5 =	vmov s6;
	s1 =	sand.u32 $0xFFFFFC00, s31;
	s3 =	sadd.s32 $0xFFFFFE00, s25;
	s25 =	sadd.s32 $0xFFFFFD80, s25;
	v13 =	vld.idx.msk [tilespmem:v9+s12+$0x80 ss:$0x1], $0xffff  }
0x120: {  	_ =	sdelay $0x3  }
0x121: {  	s6 =	sand.u32 $0xFFFFFC00, s28;
	v21 =	vld.idx.msk [tilespmem:v10+s1+$0x80 ss:$0x1], $0xffff  }
0x122: {  	s9 =	sand.u32 $0xFFFFFC00, s26;
	v17 =	vld.idx.msk [tilespmem:v6+s6+$0x80 ss:$0x1], $0xffff  }
0x123: {  	s2 =	sand.u32 $0xFFFFFC00, s29;
	v16 =	vld.idx.msk [tilespmem:v8+s9+$0x80 ss:$0x1], $0xffff  }
0x124: {  	s7 =	sadd.s32 $0x80, s4;
	v18 =	vld.idx.msk [tilespmem:v1+s2+$0x80 ss:$0x1], $0xffff  }
0x125: {  	s10 =	sand.u32 $0xFFFFFC00, s3;
	p5 =	slt.u32 s7, s21;
	v19 =	vmul.f32 $5.000000000e-01, v12  }
.Ltmp26:
0x126: {  	s8 =	sand.u32 $0xFFFFFC00, s25;
	v14 =	vld.idx.msk [tilespmem:v7+s10+$0x80 ss:$0x1], $0xffff;
	vm0 =	vgt.f32 v12, v4;
	v20 =	vmul.f32 $5.000000000e-01, v13;
	(pc) =	sbr.rel @!p5 .LBB2_48-.Ltmp26, $4  }
0x127: {  	s3 =	sadd.s32 $0xFFFFFE00, s11;
	s4 =	sadd.s32 $0x400, s11;
	s13 =	sadd.s32 $0xFFFFFC80, s11;
	v15 =	vld.idx.msk [tilespmem:v5+s8+$0x80 ss:$0x1], $0xffff;
	vm1 =	vgt.f32 v13, v4;
	v12 =	vsel vm0, v19, v12  }
0x128: {  	s31 =	sadd.s32 $0xFFFFFF80, s11;
	s5 =	sand.u32 $0xFFFFFC00, s11;
	s26 =	sadd.s32 $0xFFFFFE80, s11;
	v22 =	vmul.f32 $5.000000000e-01, v21;
	vm2 =	vgt.f32 v21, v4;
	v13 =	vsel vm1, v20, v13  }
0x129: {  	s28 =	sadd.s32 $0xFFFFFF00, s11;
	s29 =	sadd.s32 $0xFFFFFD00, s11;
	s13 =	sand.u32 $0xFFFFFC00, s13;
	vm0 =	vgt.f32 v17, v4;
	[tilespmem:v11+s14+$0x80 ss:$0x1] =	vst.idx.msk $0xffff, v12;
	v12 =	vld.idx.msk [tilespmem:v11+s5+$0x80 ss:$0x1], $0xffff;
	v20 =	vmul.f32 $5.000000000e-01, v16;
	v19 =	vmul.f32 $5.000000000e-01, v18  }
0x12a: {  	s25 =	sadd.s32 $0xFFFFFD80, s11;
	p4 =	por $0x1, $0x1;
	s11 =	sand.u32 $0xFFFFFC00, s31;
	vm1 =	vgt.f32 v16, v4;
	[tilespmem:v9+s12+$0x80 ss:$0x1] =	vst.idx.msk $0xffff, v13;
	v13 =	vld.idx.msk [tilespmem:v9+s13+$0x80 ss:$0x1], $0xffff;
	v21 =	vsel vm2, v22, v21  }
.LBB2_49:
0x12b: {  	s12 =	sand.u32 $0xFFFFFC00, s29;
	s14 =	sand.u32 $0xFFFFFC00, s26;
	s26 =	sand.u32 $0xFFFFFC00, s28;
	v22 =	vld.idx.msk [tilespmem:v10+s11+$0x80 ss:$0x1], $0xffff;
	v23 =	vmul.f32 $5.000000000e-01, v14;
	v20 =	vsel vm1, v20, v16;
	v24 =	vmul.f32 $5.000000000e-01, v17;
	[tilespmem:v10+s1+$0x80 ss:$0x1] =	vst.idx.msk $0xffff, v21  }
0x12c: {  	s25 =	sand.u32 $0xFFFFFC00, s25;
	s1 =	sand.u32 $0xFFFFFC00, s3;
	s3 =	sadd.s32 $0xFFFFFE00, s4;
	vm1 =	vgt.f32 v18, v4;
	v25 =	vmul.f32 $5.000000000e-01, v15;
	vm2 =	vgt.f32 v14, v4;
	v21 =	vld.idx.msk [tilespmem:v6+s26+$0x80 ss:$0x1], $0xffff  }
0x12d: {  	s7 =	sadd.s32 $0x80, s7;
	vm3 =	vgt.f32 v15, v4;
	v16 =	vld.idx.msk [tilespmem:v8+s14+$0x80 ss:$0x1], $0xffff;
	v14 =	vsel vm2, v23, v14;
	[tilespmem:v8+s9+$0x80 ss:$0x1] =	vst.idx.msk $0xffff, v20;
	s9 =	smov.u32 s14;
	s14 =	smov.u32 s4  }
0x12e: {  	p5 =	slt.u32 s7, s21;
	v20 =	vsel vm3, v25, v15;
	v15 =	vsel vm0, v24, v17;
	v23 =	vld.idx.msk [tilespmem:v1+s12+$0x80 ss:$0x1], $0xffff;
	[tilespmem:v7+s10+$0x80 ss:$0x1] =	vst.idx.msk $0xffff, v14;
	s10 =	smov.u32 s1;
	s1 =	smov.u32 s11  }
0x12f: {  	v18 =	vsel vm1, v19, v18;
	v17 =	vmul.f32 $5.000000000e-01, v12;
	v14 =	vld.idx.msk [tilespmem:v7+s10+$0x80 ss:$0x1], $0xffff;
	[tilespmem:v6+s6+$0x80 ss:$0x1] =	vst.idx.msk $0xffff, v15;
	s6 =	smov.u32 s26  }
.Ltmp27:
0x130: {  	vm0 =	vgt.f32 v12, v4;
	v19 =	vmul.f32 $5.000000000e-01, v13;
	v15 =	vld.idx.msk [tilespmem:v5+s25+$0x80 ss:$0x1], $0xffff;
	[tilespmem:v5+s8+$0x80 ss:$0x1] =	vst.idx.msk $0xffff, v20;
	s8 =	smov.u32 s25;
	(pc) =	sbr.rel @p5 .LBB2_49-.Ltmp27, $4  }
0x131: {  	s4 =	sadd.s32 $0x400, s4;
	vm1 =	vgt.f32 v13, v4;
	v12 =	vsel vm0, v17, v12;
	[tilespmem:v1+s2+$0x80 ss:$0x1] =	vst.idx.msk $0xffff, v18;
	s2 =	smov.u32 s12  }
0x132: {  	s11 =	sadd.s32 $0xFFFFFC80, s14;
	v24 =	vmul.f32 $5.000000000e-01, v22;
	s12 =	sadd.s32 $0xFFFFFF80, s14;
	v13 =	vsel vm1, v19, v13;
	vm0 =	vgt.f32 v21, v4;
	[tilespmem:v11+s5+$0x80 ss:$0x1] =	vst.idx.msk $0xffff, v12;
	s5 =	sand.u32 $0xFFFFFC00, s14  }
0x133: {  	s28 =	sadd.s32 $0xFFFFFF00, s14;
	s26 =	sadd.s32 $0xFFFFFE80, s14;
	vm2 =	vgt.f32 v22, v4;
	v20 =	vmul.f32 $5.000000000e-01, v16;
	v17 =	vmov v21;
	v12 =	vld.idx.msk [tilespmem:v11+s5+$0x80 ss:$0x1], $0xffff;
	[tilespmem:v9+s13+$0x80 ss:$0x1] =	vst.idx.msk $0xffff, v13;
	s13 =	sand.u32 $0xFFFFFC00, s11  }
0x134: {  	s29 =	sadd.s32 $0xFFFFFD00, s14;
	s25 =	sadd.s32 $0xFFFFFD80, s14;
	vm1 =	vgt.f32 v16, v4;
	v21 =	vsel vm2, v24, v22;
	s11 =	sand.u32 $0xFFFFFC00, s12;
	v19 =	vmul.f32 $5.000000000e-01, v23;
	v18 =	vmovc v23;
	v13 =	vld.idx.msk [tilespmem:v9+s13+$0x80 ss:$0x1], $0xffff  }
0x135: {  	s14 =	smov.u32 s5;
	s12 =	smov.u32 s13  }
.LBB2_51:
0x136: {  	_ =	sdelay $0x3  }
0x137: {  	s4 =	sand.u32 $0xFFFFFC00, s28;
	v22 =	vld.idx.msk [tilespmem:v10+s11+$0x80 ss:$0x1], $0xffff  }
0x138: {  	s5 =	sand.u32 $0xFFFFFC00, s26;
	v24 =	vld.idx.msk [tilespmem:v6+s4+$0x80 ss:$0x1], $0xffff  }
0x139: {  	v16 =	vsel @p4 vm1, v20, v16;
	s7 =	sand.u32 $0xFFFFFC00, s29;
	v50 =	vld.idx.msk [tilespmem:v8+s5+$0x80 ss:$0x1], $0xffff  }
0x13a: {  	v23 =	vmul.f32 @p4 $5.000000000e-01, v14;
	v20 =	vmul.f32 @p4 $5.000000000e-01, v17;
	[tilespmem:v10+s1+$0x80 ss:$0x1] =	vst.idx.msk @p4 $0xffff, v21;
	vm1 =	vgt.f32 @p4 v18, v4;
	s29 =	sand.u32 $0xFFFFFC00, s3;
	v51 =	vld.idx.msk [tilespmem:v1+s7+$0x80 ss:$0x1], $0xffff  }
0x13b: {  	vm2 =	vgt.f32 @p4 v14, v4;
	s31 =	sand.u32 $0xFFFFFC00, s25;
	[tilespmem:v8+s9+$0x80 ss:$0x1] =	vst.idx.msk @p4 $0xffff, v16;
	v52 =	vld.idx.msk [tilespmem:v7+s29+$0x80 ss:$0x1], $0xffff;
	v18 =	vsel @p4 vm1, v19, v18  }
0x13c: {  	v25 =	vmul.f32 @p4 $5.000000000e-01, v15;
	v55 =	vld.idx.msk [tilespmem:v5+s31+$0x80 ss:$0x1], $0xffff;
	v14 =	vsel @p4 vm2, v23, v14;
	[tilespmem:v1+s2+$0x80 ss:$0x1] =	vst.idx.msk @p4 $0xffff, v18  }
0x13d: {  	vm2 =	vgt.f32 @p4 v15, v4;
	v53 =	vmul.f32 $5.000000000e-01, v12;
	[tilespmem:v7+s10+$0x80 ss:$0x1] =	vst.idx.msk @p4 $0xffff, v14;
	v14 =	vsel @p4 vm0, v20, v17  }
0x13e: {  	vm8 =	vgt.f32 v12, v4;
	v15 =	vsel @p4 vm2, v25, v15;
	v54 =	vmul.f32 $5.000000000e-01, v13;
	[tilespmem:v6+s6+$0x80 ss:$0x1] =	vst.idx.msk @p4 $0xffff, v14  }
0x13f: {  	vm9 =	vgt.f32 v13, v4;
	[tilespmem:v5+s8+$0x80 ss:$0x1] =	vst.idx.msk @p4 $0xffff, v15;
	v12 =	vsel vm8, v53, v12;
	v56 =	vmul.f32 $5.000000000e-01, v22  }
0x140: {  	v13 =	vsel vm9, v54, v13;
	[tilespmem:v11+s14+$0x80 ss:$0x1] =	vst.idx.msk $0xffff, v12;
	vm10 =	vgt.f32 v22, v4;
	v57 =	vmul.f32 $5.000000000e-01, v50  }
0x141: {  	[tilespmem:v9+s12+$0x80 ss:$0x1] =	vst.idx.msk $0xffff, v13;
	vm11 =	vgt.f32 v50, v4;
	v59 =	vmul.f32 $5.000000000e-01, v52;
	v58 =	vsel vm10, v56, v22  }
0x142: {  	vm12 =	vgt.f32 v52, v4;
	v61 =	vmul.f32 $5.000000000e-01, v55;
	v11 =	vsel vm11, v57, v50;
	[tilespmem:v10+s11+$0x80 ss:$0x1] =	vst.idx.msk $0xffff, v58  }
0x143: {  	v60 =	vmul.f32 $5.000000000e-01, v24;
	vm14 =	vgt.f32 v55, v4;
	v62 =	vsel vm12, v59, v52;
	[tilespmem:v8+s5+$0x80 ss:$0x1] =	vst.idx.msk $0xffff, v11  }
0x144: {  	vm13 =	vgt.f32 v24, v4;
	v63 =	vmul.f32 $5.000000000e-01, v51;
	v9 =	vsel vm14, v61, v55;
	[tilespmem:v7+s29+$0x80 ss:$0x1] =	vst.idx.msk $0xffff, v62  }
0x145: {  	vm15 =	vgt.f32 v51, v4;
	v7 =	vsel vm13, v60, v24;
	[tilespmem:v5+s31+$0x80 ss:$0x1] =	vst.idx.msk $0xffff, v9  }
0x146: {  	[tilespmem:v6+s4+$0x80 ss:$0x1] =	vst.idx.msk $0xffff, v7;
	v6 =	vsel vm15, v63, v51  }
0x147: {  	[tilespmem:v1+s7+$0x80 ss:$0x1] =	vst.idx.msk $0xffff, v6  }
.LBB2_41:
.Ltmp28:
0x148: {  	(pc) =	sbr.rel @p3 .LBB2_44-.Ltmp28, $1  }
0x149: {  	_ =	sdelay $0x3  }
0x14a: {  	s1 =	sadd.s32 s19, s0;
	s2 =	sshll.u32 s21, $0x3  }
.LBB2_43:
0x14b: {  	s1 =	sadd.s32 $0x10, s1;
	s3 =	sand.u32 $0xFFFFFC00, s2  }
0x14c: {  	s4 =	sand.u32 $0x70, s1;
	s3 =	sadd.s32 s3, s15  }
0x14d: {  	s3 =	sadd.s32 s4, s3  }
0x14e: {  	v1 =	vld [tilespmem:s3+$0x80];
	_ =	sdelay $0x2  }
0x14f: {  	p4 =	slt.u32 s1, $0xFF0  }
.Ltmp29:
0x150: {  	_ = 	snop;
	(pc) =	sbr.rel @p4 .LBB2_43-.Ltmp29, $4  }
0x151: {  	v5 =	vmul.f32 $5.000000000e-01, v1  }
0x152: {  	vm0 =	vgt.f32 v1, v4  }
0x153: {  	v1 =	vsel vm0, v5, v1  }
0x154: {  	s2 =	sadd.s32 $0x80, s2;
	[tilespmem:s3+$0x80] =	vst v1  }
.LBB2_44:
0x155: {  	v1 =	vld [tilespmem:s16+$0x100];
	_ =	sdelay $0x2  }
0x156: {  	s1 =	sor.u32 $0x2, s30  }
.Ltmp30:
0x157: {  	vm0 =	vgt.f32 v3, v4;
	v4 =	vmov s1;
	(pc) =	sbr.rel @p0 .LBB2_52-.Ltmp30, $4  }
0x158: {  	vm1 =	vne.s32 v2, v0;
	v2 =	vmul.f32 $5.000000000e-01, v3;
	v5 =	vperm.xlane v1, v4  }
0x159: {  	vm0 =	vmand vm1, vm0  }
0x15a: {  	v2 =	vsel vm0, v2, v3;
	v3 =	vmul.f32 $9.499999880e-01, v5  }
0x15b: {  	[tilespmem:s16+$0x80] =	vst v2  }
0x15c: {  	s6 =	sadd.s32 $0x170, s15  }
0x15d: {  	v6 =	vld [tilespmem:s6+$0x0]  }
0x15e: {  	v19 =	vld [tilespmem:s6+$0xFFFFFFA0]  }
0x15f: {  	p5 =	sgt.s32 s20, $0x80;
	v8 =	vld [tilespmem:s6+$0xFFFFFFB0]  }
.Ltmp31:
0x160: {  	v5 =	vld [tilespmem:s6+$0xFFFFFF90];
	(pc) =	sbr.rel @!p5 .LBB2_46-.Ltmp31, $4  }
0x161: {  	v16 =	vld [tilespmem:s6+$0xFFFFFFC0]  }
0x162: {  	v15 =	vld [tilespmem:s6+$0xFFFFFFD0];
	v7 =	vmul.f32 $5.000000000e-01, v6  }
0x163: {  	v14 =	vld [tilespmem:s6+$0xFFFFFFE0];
	vm0 =	vgt.f32 v19, v3;
	v11 =	vmul.f32 $5.000000000e-01, v19;
	vm2 =	vgt.f32 v6, v3  }
0x164: {  	p4 =	por $0x0, $0x0;
	v2 =	vld [tilespmem:s6+$0xFFFFFFF0];
	s2 =	sadd.s32 $0x400, s6;
	vm1 =	vgt.f32 v8, v3;
	v12 =	vmul.f32 $5.000000000e-01, v8;
	v18 =	vsel vm2, v7, v6  }
0x165: {  	v20 =	vld [tilespmem:s2+$0x0]  }
0x166: {  	v6 =	vld [tilespmem:s2+$0xFFFFFFA0];
	v10 =	vsel vm0, v11, v19;
	v13 =	vmul.f32 $5.000000000e-01, v5  }
0x167: {  	vm2 =	vgt.f32 v16, v3;
	v9 =	vmul.f32 $5.000000000e-01, v16;
	[tilespmem:s6+$0xFFFFFFA0] =	vst v10;
	v10 =	vsel vm1, v12, v8  }
0x168: {  	[tilespmem:s6+$0x0] =	vst v18;
	v7 =	vld [tilespmem:s2+$0xFFFFFFB0];
	p5 =	sgt.s32 s20, $0x100;
	vm0 =	vgt.f32 v15, v3;
	v11 =	vmul.f32 $5.000000000e-01, v15;
	vm1 =	vgt.f32 v14, v3  }
.Ltmp32:
0x169: {  	v8 =	vld [tilespmem:s2+$0xFFFFFFC0];
	[tilespmem:s6+$0xFFFFFFB0] =	vst v10;
	v12 =	vmul.f32 $5.000000000e-01, v14;
	v10 =	vsel vm2, v9, v16;
	vm2 =	vgt.f32 v5, v3;
	(pc) =	sbr.rel @!p5 .LBB2_59-.Ltmp32, $4  }
0x16a: {  	v9 =	vld [tilespmem:s2+$0xFFFFFFD0];
	vm3 =	vgt.f32 v2, v3;
	v16 =	vmul.f32 $5.000000000e-01, v2;
	[tilespmem:s6+$0xFFFFFFC0] =	vst v10;
	v11 =	vsel vm0, v11, v15  }
0x16b: {  	v10 =	vld [tilespmem:s2+$0xFFFFFFE0];
	v15 =	vmul.f32 $5.000000000e-01, v20;
	[tilespmem:s6+$0xFFFFFFD0] =	vst v11;
	v12 =	vsel vm1, v12, v14;
	vm0 =	vgt.f32 v6, v3  }
0x16c: {  	v11 =	vmul.f32 $5.000000000e-01, v6;
	v14 =	vsel vm3, v16, v2;
	v2 =	vld [tilespmem:s2+$0xFFFFFFF0];
	vm3 =	vgt.f32 v20, v3;
	[tilespmem:s6+$0xFFFFFFE0] =	vst v12  }
0x16d: {  	s1 =	simm.s32 $0x100;
	v17 =	vld [tilespmem:s2+$0xFFFFFF90];
	s3 =	sadd.s32 $0x400, s2;
	p4 =	por $0x1, $0x1;
	vm1 =	vgt.f32 v7, v3;
	v12 =	vmul.f32 $5.000000000e-01, v7;
	v18 =	vsel vm3, v15, v20;
	[tilespmem:s6+$0xFFFFFFF0] =	vst v14  }
.LBB2_60:
0x16e: {  	v14 =	vld [tilespmem:s3+$0x0];
	s1 =	sadd.s32 $0x80, s1;
	vm3 =	vgt.f32 v8, v3;
	v15 =	vmul.f32 $5.000000000e-01, v8;
	[tilespmem:s2+$0x0] =	vst v18;
	v5 =	vsel vm2, v13, v5  }
0x16f: {  	v11 =	vsel vm0, v11, v6;
	p5 =	slt.s32 s1, s20;
	v6 =	vld [tilespmem:s3+$0xFFFFFFA0];
	vm0 =	vgt.f32 v9, v3;
	v16 =	vmul.f32 $5.000000000e-01, v9;
	[tilespmem:s6+$0xFFFFFF90] =	vst v5;
	s6 =	smov.u32 s2;
	s2 =	smov.u32 s3  }
0x170: {  	v19 =	vsel vm1, v12, v7;
	[tilespmem:s6+$0xFFFFFFA0] =	vst v11;
	v7 =	vld [tilespmem:s3+$0xFFFFFFB0];
	vm1 =	vgt.f32 v10, v3;
	v11 =	vmul.f32 $5.000000000e-01, v10  }
.Ltmp33:
0x171: {  	v18 =	vsel vm3, v15, v8;
	[tilespmem:s6+$0xFFFFFFB0] =	vst v19;
	v8 =	vld [tilespmem:s3+$0xFFFFFFC0];
	vm3 =	vgt.f32 v2, v3;
	v12 =	vmul.f32 $5.000000000e-01, v2;
	(pc) =	sbr.rel @p5 .LBB2_60-.Ltmp33, $4  }
0x172: {  	v15 =	vsel vm0, v16, v9;
	vm2 =	vgt.f32 v17, v3;
	v13 =	vmul.f32 $5.000000000e-01, v17;
	[tilespmem:s6+$0xFFFFFFC0] =	vst v18;
	v9 =	vld [tilespmem:s3+$0xFFFFFFD0];
	v5 =	vmovc v17  }
0x173: {  	v16 =	vmul.f32 $5.000000000e-01, v14;
	[tilespmem:s6+$0xFFFFFFD0] =	vst v15;
	v15 =	vsel vm1, v11, v10;
	v10 =	vld [tilespmem:s3+$0xFFFFFFE0];
	v19 =	vsel vm3, v12, v2  }
0x174: {  	vm3 =	vgt.f32 v14, v3;
	vm0 =	vgt.f32 v6, v3;
	v11 =	vmul.f32 $5.000000000e-01, v6;
	v2 =	vld [tilespmem:s3+$0xFFFFFFF0];
	[tilespmem:s6+$0xFFFFFFE0] =	vst v15  }
0x175: {  	s3 =	sadd.s32 $0x400, s3;
	v17 =	vld [tilespmem:s2+$0xFFFFFF90];
	vm1 =	vgt.f32 v7, v3;
	v12 =	vmul.f32 $5.000000000e-01, v7;
	v18 =	vsel vm3, v16, v14;
	[tilespmem:s6+$0xFFFFFFF0] =	vst v19  }
0x176: {  	_ =	sdelay $0x2  }
0x177: {  	v20 =	vmov v5;
	v16 =	vmov v8  }
0x178: {  	v19 =	vmovc v6;
	v8 =	vmovc v7;
	v15 =	vmov v9;
	v14 =	vmov v10;
	v5 =	vmov v17  }
.LBB2_62:
0x179: {  	[tilespmem:s2+$0x0] =	vst v18;
	v6 =	vsel @p4 vm2, v13, v20  }
0x17a: {  	v7 =	vmul.f32 $5.000000000e-01, v16;
	v9 =	vsel vm0, v11, v19;
	[tilespmem:s6+$0xFFFFFF90] =	vst @p4 v6  }
0x17b: {  	vm11 =	vgt.f32 v16, v3;
	v8 =	vsel vm1, v12, v8;
	v63 =	vmul.f32 $5.000000000e-01, v2;
	[tilespmem:s2+$0xFFFFFFA0] =	vst v9  }
0x17c: {  	vm14 =	vgt.f32 v2, v3;
	v6 =	vmul.f32 $5.000000000e-01, v15;
	[tilespmem:s2+$0xFFFFFFB0] =	vst v8;
	v7 =	vsel vm11, v7, v16  }
0x17d: {  	vm12 =	vgt.f32 v15, v3;
	v62 =	vmul.f32 $5.000000000e-01, v14;
	v2 =	vsel vm14, v63, v2;
	[tilespmem:s2+$0xFFFFFFC0] =	vst v7  }
0x17e: {  	vm13 =	vgt.f32 v14, v3;
	v6 =	vsel vm12, v6, v15;
	v7 =	vmul.f32 $5.000000000e-01, v5;
	[tilespmem:s2+$0xFFFFFFF0] =	vst v2  }
0x17f: {  	vm15 =	vgt.f32 v5, v3;
	[tilespmem:s2+$0xFFFFFFD0] =	vst v6;
	v6 =	vsel vm13, v62, v14  }
0x180: {  	[tilespmem:s2+$0xFFFFFFE0] =	vst v6;
	v2 =	vsel vm15, v7, v5  }
0x181: {  	[tilespmem:s2+$0xFFFFFF90] =	vst v2  }
.LBB2_52:
.Ltmp34:
0x182: {  	(pc) =	sbr.rel @p1 .LBB2_55-.Ltmp34, $1  }
0x183: {  	_ =	sdelay $0x3  }
0x184: {  	s1 =	sand.u32 $0xFFFFFC00, s17;
	s2 =	smov.u32 s20  }
.LBB2_54:
0x185: {  	s3 =	sand.u32 $0xFFFFFC00, s1  }
0x186: {  	s4 =	sand.u32 $0x70, s2;
	s3 =	sadd.s32 s3, s15  }
0x187: {  	s3 =	sadd.s32 s4, s3  }
0x188: {  	v2 =	vld [tilespmem:s3+$0x100];
	_ =	sdelay $0x1  }
0x189: {  	s2 =	sadd.s32 $0x10, s2  }
0x18a: {  	p4 =	slt.s32 s2, s19  }
.Ltmp35:
0x18b: {  	_ = 	snop;
	(pc) =	sbr.rel @p4 .LBB2_54-.Ltmp35, $4  }
0x18c: {  	v5 =	vmul.f32 $5.000000000e-01, v2  }
0x18d: {  	vm0 =	vgt.f32 v2, v3  }
0x18e: {  	v2 =	vsel vm0, v5, v2  }
0x18f: {  	s1 =	sadd.s32 $0x80, s1;
	[tilespmem:s3+$0x100] =	vst v2  }
.LBB2_55:
.Ltmp36:
0x190: {  	(pc) =	sbr.rel @p2 .LBB2_63-.Ltmp36, $1  }
0x191: {  	_ =	sdelay $0x3  }
0x192: {  	s2 =	rddreg [dreg:$0xf]  }
0x193: {  	s4 =	rddreg [dreg:$0xb]  }
0x194: {  	s5 =	rddreg [dreg:$0xc]  }
0x195: {  	s6 =	rddreg [dreg:$0xd]  }
0x196: {  	s1 =	sadd.s32 $0x60, s19;
	s3 =	sadd.s32 $0x70, s19;
	s7 =	rddreg [dreg:$0xe]  }
0x197: {  	s14 =	sadd.s32 s18, s15;
	s25 =	sadd.s32 $0x400, s17;
	p4 =	por $0x0, $0x0  }
0x198: {  	s2 =	sand.u32 $0x70, s2;
	s1 =	sand.u32 $0x70, s1;
	s4 =	sadd.s32 s4, s15  }
0x199: {  	s3 =	sand.u32 $0x70, s3;
	s5 =	sadd.s32 s5, s15;
	v11 =	vmov s14;
	v9 =	vmov s4;
	s4 =	sadd.s32 $0x80, s22  }
0x19a: {  	s6 =	sadd.s32 s6, s15;
	s3 =	sadd.s32 s3, s15;
	p5 =	slt.u32 s4, s21  }
.Ltmp37:
0x19b: {  	s7 =	sadd.s32 s7, s15;
	s1 =	sadd.s32 s1, s15;
	v10 =	vmov s3;
	(pc) =	sbr.rel @!p5 .LBB2_57-.Ltmp37, $4  }
0x19c: {  	s26 =	sadd.s32 $0xFFFFFC80, s25;
	s31 =	sadd.s32 $0xFFFFFF80, s25;
	s2 =	sadd.s32 s2, s15;
	v6 =	vmov s1  }
0x19d: {  	s14 =	sand.u32 $0xFFFFFC00, s25;
	s28 =	sadd.s32 $0xFFFFFF00, s25;
	s29 =	sadd.s32 $0xFFFFFD00, s25;
	v8 =	vmov s2  }
0x19e: {  	v2 =	vmov s5;
	v7 =	vmov s7;
	s13 =	sand.u32 $0xFFFFFC00, s26;
	s26 =	sadd.s32 $0xFFFFFE80, s25;
	s11 =	sand.u32 $0xFFFFFC00, s31;
	v12 =	vld.idx.msk [tilespmem:v11+s14+$0x100 ss:$0x1], $0xffff  }
0x19f: {  	v5 =	vmov s6;
	s3 =	sadd.s32 $0xFFFFFE00, s25;
	s1 =	sadd.s32 $0x400, s25;
	s25 =	sadd.s32 $0xFFFFFD80, s25;
	v13 =	vld.idx.msk [tilespmem:v9+s13+$0x100 ss:$0x1], $0xffff  }
0x1a0: {  	_ =	sdelay $0x3  }
0x1a1: {  	s6 =	sand.u32 $0xFFFFFC00, s28;
	v21 =	vld.idx.msk [tilespmem:v10+s11+$0x100 ss:$0x1], $0xffff  }
0x1a2: {  	s9 =	sand.u32 $0xFFFFFC00, s26;
	v17 =	vld.idx.msk [tilespmem:v6+s6+$0x100 ss:$0x1], $0xffff  }
0x1a3: {  	s2 =	sand.u32 $0xFFFFFC00, s29;
	v16 =	vld.idx.msk [tilespmem:v8+s9+$0x100 ss:$0x1], $0xffff  }
0x1a4: {  	s7 =	sadd.s32 $0x80, s4;
	v18 =	vld.idx.msk [tilespmem:v2+s2+$0x100 ss:$0x1], $0xffff  }
0x1a5: {  	s10 =	sand.u32 $0xFFFFFC00, s3;
	p5 =	slt.u32 s7, s21;
	v19 =	vmul.f32 $5.000000000e-01, v12  }
.Ltmp38:
0x1a6: {  	s8 =	sand.u32 $0xFFFFFC00, s25;
	v14 =	vld.idx.msk [tilespmem:v7+s10+$0x100 ss:$0x1], $0xffff;
	vm0 =	vgt.f32 v12, v3;
	v20 =	vmul.f32 $5.000000000e-01, v13;
	(pc) =	sbr.rel @!p5 .LBB2_70-.Ltmp38, $4  }
0x1a7: {  	s3 =	sadd.s32 $0xFFFFFE00, s1;
	s4 =	sadd.s32 $0x400, s1;
	s12 =	sadd.s32 $0xFFFFFC80, s1;
	v15 =	vld.idx.msk [tilespmem:v5+s8+$0x100 ss:$0x1], $0xffff;
	vm1 =	vgt.f32 v13, v3;
	v12 =	vsel vm0, v19, v12  }
0x1a8: {  	s31 =	sadd.s32 $0xFFFFFF80, s1;
	s5 =	sand.u32 $0xFFFFFC00, s1;
	s26 =	sadd.s32 $0xFFFFFE80, s1;
	v22 =	vmul.f32 $5.000000000e-01, v21;
	vm2 =	vgt.f32 v21, v3;
	v13 =	vsel vm1, v20, v13  }
0x1a9: {  	s28 =	sadd.s32 $0xFFFFFF00, s1;
	s29 =	sadd.s32 $0xFFFFFD00, s1;
	s12 =	sand.u32 $0xFFFFFC00, s12;
	vm0 =	vgt.f32 v17, v3;
	[tilespmem:v11+s14+$0x100 ss:$0x1] =	vst.idx.msk $0xffff, v12;
	v12 =	vld.idx.msk [tilespmem:v11+s5+$0x100 ss:$0x1], $0xffff;
	v20 =	vmul.f32 $5.000000000e-01, v16;
	v19 =	vmul.f32 $5.000000000e-01, v18  }
0x1aa: {  	s25 =	sadd.s32 $0xFFFFFD80, s1;
	p4 =	por $0x1, $0x1;
	s1 =	sand.u32 $0xFFFFFC00, s31;
	vm1 =	vgt.f32 v16, v3;
	[tilespmem:v9+s13+$0x100 ss:$0x1] =	vst.idx.msk $0xffff, v13;
	v13 =	vld.idx.msk [tilespmem:v9+s12+$0x100 ss:$0x1], $0xffff;
	v21 =	vsel vm2, v22, v21  }
.LBB2_71:
0x1ab: {  	s13 =	sand.u32 $0xFFFFFC00, s29;
	s14 =	sand.u32 $0xFFFFFC00, s26;
	s26 =	sand.u32 $0xFFFFFC00, s28;
	v22 =	vld.idx.msk [tilespmem:v10+s1+$0x100 ss:$0x1], $0xffff;
	v23 =	vmul.f32 $5.000000000e-01, v14;
	v20 =	vsel vm1, v20, v16;
	v24 =	vmul.f32 $5.000000000e-01, v17;
	[tilespmem:v10+s11+$0x100 ss:$0x1] =	vst.idx.msk $0xffff, v21  }
0x1ac: {  	s25 =	sand.u32 $0xFFFFFC00, s25;
	s11 =	sand.u32 $0xFFFFFC00, s3;
	s3 =	sadd.s32 $0xFFFFFE00, s4;
	vm1 =	vgt.f32 v18, v3;
	v25 =	vmul.f32 $5.000000000e-01, v15;
	vm2 =	vgt.f32 v14, v3;
	v21 =	vld.idx.msk [tilespmem:v6+s26+$0x100 ss:$0x1], $0xffff  }
0x1ad: {  	s7 =	sadd.s32 $0x80, s7;
	vm3 =	vgt.f32 v15, v3;
	v16 =	vld.idx.msk [tilespmem:v8+s14+$0x100 ss:$0x1], $0xffff;
	v14 =	vsel vm2, v23, v14;
	[tilespmem:v8+s9+$0x100 ss:$0x1] =	vst.idx.msk $0xffff, v20;
	s9 =	smov.u32 s14;
	s14 =	smov.u32 s4  }
0x1ae: {  	p5 =	slt.u32 s7, s21;
	v20 =	vsel vm3, v25, v15;
	v15 =	vsel vm0, v24, v17;
	v23 =	vld.idx.msk [tilespmem:v2+s13+$0x100 ss:$0x1], $0xffff;
	[tilespmem:v7+s10+$0x100 ss:$0x1] =	vst.idx.msk $0xffff, v14;
	s10 =	smov.u32 s11;
	s11 =	smov.u32 s1  }
0x1af: {  	v18 =	vsel vm1, v19, v18;
	v17 =	vmul.f32 $5.000000000e-01, v12;
	v14 =	vld.idx.msk [tilespmem:v7+s10+$0x100 ss:$0x1], $0xffff;
	[tilespmem:v6+s6+$0x100 ss:$0x1] =	vst.idx.msk $0xffff, v15;
	s6 =	smov.u32 s26  }
.Ltmp39:
0x1b0: {  	vm0 =	vgt.f32 v12, v3;
	v19 =	vmul.f32 $5.000000000e-01, v13;
	v15 =	vld.idx.msk [tilespmem:v5+s25+$0x100 ss:$0x1], $0xffff;
	[tilespmem:v5+s8+$0x100 ss:$0x1] =	vst.idx.msk $0xffff, v20;
	s8 =	smov.u32 s25;
	(pc) =	sbr.rel @p5 .LBB2_71-.Ltmp39, $4  }
0x1b1: {  	s4 =	sadd.s32 $0x400, s4;
	vm1 =	vgt.f32 v13, v3;
	v12 =	vsel vm0, v17, v12;
	[tilespmem:v2+s2+$0x100 ss:$0x1] =	vst.idx.msk $0xffff, v18;
	s2 =	smov.u32 s13  }
0x1b2: {  	s1 =	sadd.s32 $0xFFFFFC80, s14;
	v24 =	vmul.f32 $5.000000000e-01, v22;
	s13 =	sadd.s32 $0xFFFFFF80, s14;
	v13 =	vsel vm1, v19, v13;
	vm0 =	vgt.f32 v21, v3;
	[tilespmem:v11+s5+$0x100 ss:$0x1] =	vst.idx.msk $0xffff, v12;
	s5 =	sand.u32 $0xFFFFFC00, s14  }
0x1b3: {  	s28 =	sadd.s32 $0xFFFFFF00, s14;
	s26 =	sadd.s32 $0xFFFFFE80, s14;
	vm2 =	vgt.f32 v22, v3;
	v20 =	vmul.f32 $5.000000000e-01, v16;
	v17 =	vmov v21;
	v12 =	vld.idx.msk [tilespmem:v11+s5+$0x100 ss:$0x1], $0xffff;
	[tilespmem:v9+s12+$0x100 ss:$0x1] =	vst.idx.msk $0xffff, v13;
	s12 =	sand.u32 $0xFFFFFC00, s1  }
0x1b4: {  	s29 =	sadd.s32 $0xFFFFFD00, s14;
	s25 =	sadd.s32 $0xFFFFFD80, s14;
	vm1 =	vgt.f32 v16, v3;
	v21 =	vsel vm2, v24, v22;
	s1 =	sand.u32 $0xFFFFFC00, s13;
	v19 =	vmul.f32 $5.000000000e-01, v23;
	v18 =	vmovc v23;
	v13 =	vld.idx.msk [tilespmem:v9+s12+$0x100 ss:$0x1], $0xffff  }
0x1b5: {  	s14 =	smov.u32 s5;
	s13 =	smov.u32 s12  }
.LBB2_73:
0x1b6: {  	_ =	sdelay $0x3  }
0x1b7: {  	s4 =	sand.u32 $0xFFFFFC00, s28;
	v22 =	vld.idx.msk [tilespmem:v10+s1+$0x100 ss:$0x1], $0xffff  }
0x1b8: {  	s5 =	sand.u32 $0xFFFFFC00, s26;
	v24 =	vld.idx.msk [tilespmem:v6+s4+$0x100 ss:$0x1], $0xffff  }
0x1b9: {  	v16 =	vsel @p4 vm1, v20, v16;
	s7 =	sand.u32 $0xFFFFFC00, s29;
	v50 =	vld.idx.msk [tilespmem:v8+s5+$0x100 ss:$0x1], $0xffff  }
0x1ba: {  	v23 =	vmul.f32 @p4 $5.000000000e-01, v14;
	v20 =	vmul.f32 @p4 $5.000000000e-01, v17;
	[tilespmem:v10+s11+$0x100 ss:$0x1] =	vst.idx.msk @p4 $0xffff, v21;
	vm1 =	vgt.f32 @p4 v18, v3;
	s3 =	sand.u32 $0xFFFFFC00, s3;
	v51 =	vld.idx.msk [tilespmem:v2+s7+$0x100 ss:$0x1], $0xffff  }
0x1bb: {  	vm2 =	vgt.f32 @p4 v14, v3;
	s31 =	sand.u32 $0xFFFFFC00, s25;
	[tilespmem:v8+s9+$0x100 ss:$0x1] =	vst.idx.msk @p4 $0xffff, v16;
	v52 =	vld.idx.msk [tilespmem:v7+s3+$0x100 ss:$0x1], $0xffff;
	v18 =	vsel @p4 vm1, v19, v18  }
0x1bc: {  	v25 =	vmul.f32 @p4 $5.000000000e-01, v15;
	v55 =	vld.idx.msk [tilespmem:v5+s31+$0x100 ss:$0x1], $0xffff;
	v14 =	vsel @p4 vm2, v23, v14;
	[tilespmem:v2+s2+$0x100 ss:$0x1] =	vst.idx.msk @p4 $0xffff, v18  }
0x1bd: {  	vm2 =	vgt.f32 @p4 v15, v3;
	v53 =	vmul.f32 $5.000000000e-01, v12;
	[tilespmem:v7+s10+$0x100 ss:$0x1] =	vst.idx.msk @p4 $0xffff, v14;
	v14 =	vsel @p4 vm0, v20, v17  }
0x1be: {  	vm8 =	vgt.f32 v12, v3;
	v15 =	vsel @p4 vm2, v25, v15;
	v54 =	vmul.f32 $5.000000000e-01, v13;
	[tilespmem:v6+s6+$0x100 ss:$0x1] =	vst.idx.msk @p4 $0xffff, v14  }
0x1bf: {  	vm9 =	vgt.f32 v13, v3;
	[tilespmem:v5+s8+$0x100 ss:$0x1] =	vst.idx.msk @p4 $0xffff, v15;
	v12 =	vsel vm8, v53, v12;
	v56 =	vmul.f32 $5.000000000e-01, v22  }
0x1c0: {  	v13 =	vsel vm9, v54, v13;
	[tilespmem:v11+s14+$0x100 ss:$0x1] =	vst.idx.msk $0xffff, v12;
	vm10 =	vgt.f32 v22, v3;
	v57 =	vmul.f32 $5.000000000e-01, v50  }
0x1c1: {  	[tilespmem:v9+s13+$0x100 ss:$0x1] =	vst.idx.msk $0xffff, v13;
	vm11 =	vgt.f32 v50, v3;
	v59 =	vmul.f32 $5.000000000e-01, v52;
	v58 =	vsel vm10, v56, v22  }
0x1c2: {  	vm12 =	vgt.f32 v52, v3;
	v61 =	vmul.f32 $5.000000000e-01, v55;
	v11 =	vsel vm11, v57, v50;
	[tilespmem:v10+s1+$0x100 ss:$0x1] =	vst.idx.msk $0xffff, v58  }
0x1c3: {  	v60 =	vmul.f32 $5.000000000e-01, v24;
	vm14 =	vgt.f32 v55, v3;
	v62 =	vsel vm12, v59, v52;
	[tilespmem:v8+s5+$0x100 ss:$0x1] =	vst.idx.msk $0xffff, v11  }
0x1c4: {  	vm13 =	vgt.f32 v24, v3;
	v63 =	vmul.f32 $5.000000000e-01, v51;
	v9 =	vsel vm14, v61, v55;
	[tilespmem:v7+s3+$0x100 ss:$0x1] =	vst.idx.msk $0xffff, v62  }
0x1c5: {  	vm15 =	vgt.f32 v51, v3;
	v7 =	vsel vm13, v60, v24;
	[tilespmem:v5+s31+$0x100 ss:$0x1] =	vst.idx.msk $0xffff, v9  }
0x1c6: {  	[tilespmem:v6+s4+$0x100 ss:$0x1] =	vst.idx.msk $0xffff, v7;
	v6 =	vsel vm15, v63, v51  }
0x1c7: {  	[tilespmem:v2+s7+$0x100 ss:$0x1] =	vst.idx.msk $0xffff, v6  }
.LBB2_63:
.Ltmp40:
0x1c8: {  	(pc) =	sbr.rel @p3 .LBB2_66-.Ltmp40, $1  }
0x1c9: {  	_ =	sdelay $0x3  }
0x1ca: {  	s1 =	sadd.s32 s19, s0;
	s2 =	sshll.u32 s21, $0x3  }
.LBB2_65:
0x1cb: {  	s1 =	sadd.s32 $0x10, s1;
	s3 =	sand.u32 $0xFFFFFC00, s2  }
0x1cc: {  	s4 =	sand.u32 $0x70, s1;
	s3 =	sadd.s32 s3, s15  }
0x1cd: {  	s3 =	sadd.s32 s4, s3  }
0x1ce: {  	v2 =	vld [tilespmem:s3+$0x100];
	_ =	sdelay $0x2  }
0x1cf: {  	p4 =	slt.u32 s1, $0xFF0  }
.Ltmp41:
0x1d0: {  	_ = 	snop;
	(pc) =	sbr.rel @p4 .LBB2_65-.Ltmp41, $4  }
0x1d1: {  	v5 =	vmul.f32 $5.000000000e-01, v2  }
0x1d2: {  	vm0 =	vgt.f32 v2, v3  }
0x1d3: {  	v2 =	vsel vm0, v5, v2  }
0x1d4: {  	s2 =	sadd.s32 $0x80, s2;
	[tilespmem:s3+$0x100] =	vst v2  }
.LBB2_66:
0x1d5: {  	v2 =	vld [tilespmem:s16+$0x180];
	_ =	sdelay $0x2  }
0x1d6: {  	s1 =	sor.u32 $0x3, s30  }
.Ltmp42:
0x1d7: {  	vm0 =	vgt.f32 v1, v3;
	v3 =	vmov s1;
	(pc) =	sbr.rel @p0 .LBB2_74-.Ltmp42, $4  }
0x1d8: {  	vm1 =	vne.s32 v4, v0;
	v4 =	vmul.f32 $5.000000000e-01, v1;
	v5 =	vperm.xlane v2, v3  }
0x1d9: {  	vm0 =	vmand vm1, vm0  }
0x1da: {  	v1 =	vsel vm0, v4, v1;
	v4 =	vmul.f32 $9.499999880e-01, v5  }
0x1db: {  	[tilespmem:s16+$0x100] =	vst v1  }
0x1dc: {  	s6 =	sadd.s32 $0x1F0, s15  }
0x1dd: {  	v6 =	vld [tilespmem:s6+$0x0]  }
0x1de: {  	v19 =	vld [tilespmem:s6+$0xFFFFFFA0]  }
0x1df: {  	p5 =	sgt.s32 s20, $0x80;
	v8 =	vld [tilespmem:s6+$0xFFFFFFB0]  }
.Ltmp43:
0x1e0: {  	v5 =	vld [tilespmem:s6+$0xFFFFFF90];
	(pc) =	sbr.rel @!p5 .LBB2_68-.Ltmp43, $4  }
0x1e1: {  	v16 =	vld [tilespmem:s6+$0xFFFFFFC0]  }
0x1e2: {  	v15 =	vld [tilespmem:s6+$0xFFFFFFD0];
	v7 =	vmul.f32 $5.000000000e-01, v6  }
0x1e3: {  	v14 =	vld [tilespmem:s6+$0xFFFFFFE0];
	vm0 =	vgt.f32 v19, v4;
	v11 =	vmul.f32 $5.000000000e-01, v19;
	vm2 =	vgt.f32 v6, v4  }
0x1e4: {  	p4 =	por $0x0, $0x0;
	v1 =	vld [tilespmem:s6+$0xFFFFFFF0];
	s2 =	sadd.s32 $0x400, s6;
	vm1 =	vgt.f32 v8, v4;
	v12 =	vmul.f32 $5.000000000e-01, v8;
	v18 =	vsel vm2, v7, v6  }
0x1e5: {  	v20 =	vld [tilespmem:s2+$0x0]  }
0x1e6: {  	v6 =	vld [tilespmem:s2+$0xFFFFFFA0];
	v10 =	vsel vm0, v11, v19;
	v13 =	vmul.f32 $5.000000000e-01, v5  }
0x1e7: {  	vm2 =	vgt.f32 v16, v4;
	v9 =	vmul.f32 $5.000000000e-01, v16;
	[tilespmem:s6+$0xFFFFFFA0] =	vst v10;
	v10 =	vsel vm1, v12, v8  }
0x1e8: {  	[tilespmem:s6+$0x0] =	vst v18;
	v7 =	vld [tilespmem:s2+$0xFFFFFFB0];
	p5 =	sgt.s32 s20, $0x100;
	vm0 =	vgt.f32 v15, v4;
	v11 =	vmul.f32 $5.000000000e-01, v15;
	vm1 =	vgt.f32 v14, v4  }
.Ltmp44:
0x1e9: {  	v8 =	vld [tilespmem:s2+$0xFFFFFFC0];
	[tilespmem:s6+$0xFFFFFFB0] =	vst v10;
	v12 =	vmul.f32 $5.000000000e-01, v14;
	v10 =	vsel vm2, v9, v16;
	vm2 =	vgt.f32 v5, v4;
	(pc) =	sbr.rel @!p5 .LBB2_81-.Ltmp44, $4  }
0x1ea: {  	v9 =	vld [tilespmem:s2+$0xFFFFFFD0];
	vm3 =	vgt.f32 v1, v4;
	v16 =	vmul.f32 $5.000000000e-01, v1;
	[tilespmem:s6+$0xFFFFFFC0] =	vst v10;
	v11 =	vsel vm0, v11, v15  }
0x1eb: {  	v10 =	vld [tilespmem:s2+$0xFFFFFFE0];
	v15 =	vmul.f32 $5.000000000e-01, v20;
	[tilespmem:s6+$0xFFFFFFD0] =	vst v11;
	v12 =	vsel vm1, v12, v14;
	vm0 =	vgt.f32 v6, v4  }
0x1ec: {  	v11 =	vmul.f32 $5.000000000e-01, v6;
	v14 =	vsel vm3, v16, v1;
	v1 =	vld [tilespmem:s2+$0xFFFFFFF0];
	vm3 =	vgt.f32 v20, v4;
	[tilespmem:s6+$0xFFFFFFE0] =	vst v12  }
0x1ed: {  	s1 =	simm.s32 $0x100;
	v17 =	vld [tilespmem:s2+$0xFFFFFF90];
	s3 =	sadd.s32 $0x400, s2;
	p4 =	por $0x1, $0x1;
	vm1 =	vgt.f32 v7, v4;
	v12 =	vmul.f32 $5.000000000e-01, v7;
	v18 =	vsel vm3, v15, v20;
	[tilespmem:s6+$0xFFFFFFF0] =	vst v14  }
.LBB2_82:
0x1ee: {  	v14 =	vld [tilespmem:s3+$0x0];
	s1 =	sadd.s32 $0x80, s1;
	vm3 =	vgt.f32 v8, v4;
	v15 =	vmul.f32 $5.000000000e-01, v8;
	[tilespmem:s2+$0x0] =	vst v18;
	v5 =	vsel vm2, v13, v5  }
0x1ef: {  	v11 =	vsel vm0, v11, v6;
	p5 =	slt.s32 s1, s20;
	v6 =	vld [tilespmem:s3+$0xFFFFFFA0];
	vm0 =	vgt.f32 v9, v4;
	v16 =	vmul.f32 $5.000000000e-01, v9;
	[tilespmem:s6+$0xFFFFFF90] =	vst v5;
	s6 =	smov.u32 s2;
	s2 =	smov.u32 s3  }
0x1f0: {  	v19 =	vsel vm1, v12, v7;
	[tilespmem:s6+$0xFFFFFFA0] =	vst v11;
	v7 =	vld [tilespmem:s3+$0xFFFFFFB0];
	vm1 =	vgt.f32 v10, v4;
	v11 =	vmul.f32 $5.000000000e-01, v10  }
.Ltmp45:
0x1f1: {  	v18 =	vsel vm3, v15, v8;
	[tilespmem:s6+$0xFFFFFFB0] =	vst v19;
	v8 =	vld [tilespmem:s3+$0xFFFFFFC0];
	vm3 =	vgt.f32 v1, v4;
	v12 =	vmul.f32 $5.000000000e-01, v1;
	(pc) =	sbr.rel @p5 .LBB2_82-.Ltmp45, $4  }
0x1f2: {  	v15 =	vsel vm0, v16, v9;
	vm2 =	vgt.f32 v17, v4;
	v13 =	vmul.f32 $5.000000000e-01, v17;
	[tilespmem:s6+$0xFFFFFFC0] =	vst v18;
	v9 =	vld [tilespmem:s3+$0xFFFFFFD0];
	v5 =	vmovc v17  }
0x1f3: {  	v16 =	vmul.f32 $5.000000000e-01, v14;
	[tilespmem:s6+$0xFFFFFFD0] =	vst v15;
	v15 =	vsel vm1, v11, v10;
	v10 =	vld [tilespmem:s3+$0xFFFFFFE0];
	v19 =	vsel vm3, v12, v1  }
0x1f4: {  	vm3 =	vgt.f32 v14, v4;
	vm0 =	vgt.f32 v6, v4;
	v11 =	vmul.f32 $5.000000000e-01, v6;
	v1 =	vld [tilespmem:s3+$0xFFFFFFF0];
	[tilespmem:s6+$0xFFFFFFE0] =	vst v15  }
0x1f5: {  	s3 =	sadd.s32 $0x400, s3;
	v17 =	vld [tilespmem:s2+$0xFFFFFF90];
	vm1 =	vgt.f32 v7, v4;
	v12 =	vmul.f32 $5.000000000e-01, v7;
	v18 =	vsel vm3, v16, v14;
	[tilespmem:s6+$0xFFFFFFF0] =	vst v19  }
0x1f6: {  	_ =	sdelay $0x2  }
0x1f7: {  	v20 =	vmov v5;
	v16 =	vmov v8  }
0x1f8: {  	v19 =	vmovc v6;
	v8 =	vmovc v7;
	v15 =	vmov v9;
	v14 =	vmov v10;
	v5 =	vmov v17  }
.LBB2_84:
0x1f9: {  	[tilespmem:s2+$0x0] =	vst v18;
	v6 =	vsel @p4 vm2, v13, v20  }
0x1fa: {  	v7 =	vmul.f32 $5.000000000e-01, v16;
	v9 =	vsel vm0, v11, v19;
	[tilespmem:s6+$0xFFFFFF90] =	vst @p4 v6  }
0x1fb: {  	vm11 =	vgt.f32 v16, v4;
	v8 =	vsel vm1, v12, v8;
	v63 =	vmul.f32 $5.000000000e-01, v1;
	[tilespmem:s2+$0xFFFFFFA0] =	vst v9  }
0x1fc: {  	vm14 =	vgt.f32 v1, v4;
	v6 =	vmul.f32 $5.000000000e-01, v15;
	[tilespmem:s2+$0xFFFFFFB0] =	vst v8;
	v7 =	vsel vm11, v7, v16  }
0x1fd: {  	vm12 =	vgt.f32 v15, v4;
	v62 =	vmul.f32 $5.000000000e-01, v14;
	v1 =	vsel vm14, v63, v1;
	[tilespmem:s2+$0xFFFFFFC0] =	vst v7  }
0x1fe: {  	vm13 =	vgt.f32 v14, v4;
	v6 =	vsel vm12, v6, v15;
	v7 =	vmul.f32 $5.000000000e-01, v5;
	[tilespmem:s2+$0xFFFFFFF0] =	vst v1  }
0x1ff: {  	vm15 =	vgt.f32 v5, v4;
	[tilespmem:s2+$0xFFFFFFD0] =	vst v6;
	v6 =	vsel vm13, v62, v14  }
0x200: {  	[tilespmem:s2+$0xFFFFFFE0] =	vst v6;
	v1 =	vsel vm15, v7, v5  }
0x201: {  	[tilespmem:s2+$0xFFFFFF90] =	vst v1  }
.LBB2_74:
.Ltmp46:
0x202: {  	(pc) =	sbr.rel @p1 .LBB2_77-.Ltmp46, $1  }
0x203: {  	_ =	sdelay $0x3  }
0x204: {  	s1 =	sand.u32 $0xFFFFFC00, s17;
	s2 =	smov.u32 s20  }
.LBB2_76:
0x205: {  	s3 =	sand.u32 $0xFFFFFC00, s1  }
0x206: {  	s4 =	sand.u32 $0x70, s2;
	s3 =	sadd.s32 s3, s15  }
0x207: {  	s3 =	sadd.s32 s4, s3  }
0x208: {  	v1 =	vld [tilespmem:s3+$0x180];
	_ =	sdelay $0x1  }
0x209: {  	s2 =	sadd.s32 $0x10, s2  }
0x20a: {  	p4 =	slt.s32 s2, s19  }
.Ltmp47:
0x20b: {  	_ = 	snop;
	(pc) =	sbr.rel @p4 .LBB2_76-.Ltmp47, $4  }
0x20c: {  	v5 =	vmul.f32 $5.000000000e-01, v1  }
0x20d: {  	vm0 =	vgt.f32 v1, v4  }
0x20e: {  	v1 =	vsel vm0, v5, v1  }
0x20f: {  	s1 =	sadd.s32 $0x80, s1;
	[tilespmem:s3+$0x180] =	vst v1  }
.LBB2_77:
.Ltmp48:
0x210: {  	(pc) =	sbr.rel @p2 .LBB2_85-.Ltmp48, $1  }
0x211: {  	_ =	sdelay $0x3  }
0x212: {  	s2 =	rddreg [dreg:$0xf]  }
0x213: {  	s4 =	rddreg [dreg:$0xb]  }
0x214: {  	s5 =	rddreg [dreg:$0xc]  }
0x215: {  	s6 =	rddreg [dreg:$0xd]  }
0x216: {  	s1 =	sadd.s32 $0x60, s19;
	s3 =	sadd.s32 $0x70, s19;
	s7 =	rddreg [dreg:$0xe]  }
0x217: {  	s14 =	sadd.s32 s18, s15;
	s25 =	sadd.s32 $0x400, s17;
	p4 =	por $0x0, $0x0  }
0x218: {  	s2 =	sand.u32 $0x70, s2;
	s1 =	sand.u32 $0x70, s1;
	s4 =	sadd.s32 s4, s15  }
0x219: {  	s3 =	sand.u32 $0x70, s3;
	s5 =	sadd.s32 s5, s15;
	v11 =	vmov s14;
	v9 =	vmov s4;
	s4 =	sadd.s32 $0x80, s22  }
0x21a: {  	s6 =	sadd.s32 s6, s15;
	s3 =	sadd.s32 s3, s15;
	p5 =	slt.u32 s4, s21  }
.Ltmp49:
0x21b: {  	s7 =	sadd.s32 s7, s15;
	s1 =	sadd.s32 s1, s15;
	v10 =	vmov s3;
	(pc) =	sbr.rel @!p5 .LBB2_79-.Ltmp49, $4  }
0x21c: {  	s26 =	sadd.s32 $0xFFFFFC80, s25;
	s31 =	sadd.s32 $0xFFFFFF80, s25;
	s2 =	sadd.s32 s2, s15;
	v6 =	vmov s1  }
0x21d: {  	s14 =	sand.u32 $0xFFFFFC00, s25;
	s28 =	sadd.s32 $0xFFFFFF00, s25;
	s29 =	sadd.s32 $0xFFFFFD00, s25;
	v8 =	vmov s2  }
0x21e: {  	v1 =	vmov s5;
	v7 =	vmov s7;
	s13 =	sand.u32 $0xFFFFFC00, s26;
	s26 =	sadd.s32 $0xFFFFFE80, s25;
	s11 =	sand.u32 $0xFFFFFC00, s31;
	v12 =	vld.idx.msk [tilespmem:v11+s14+$0x180 ss:$0x1], $0xffff  }
0x21f: {  	v5 =	vmov s6;
	s3 =	sadd.s32 $0xFFFFFE00, s25;
	s1 =	sadd.s32 $0x400, s25;
	s25 =	sadd.s32 $0xFFFFFD80, s25;
	v13 =	vld.idx.msk [tilespmem:v9+s13+$0x180 ss:$0x1], $0xffff  }
0x220: {  	_ =	sdelay $0x3  }
0x221: {  	s6 =	sand.u32 $0xFFFFFC00, s28;
	v21 =	vld.idx.msk [tilespmem:v10+s11+$0x180 ss:$0x1], $0xffff  }
0x222: {  	s9 =	sand.u32 $0xFFFFFC00, s26;
	v17 =	vld.idx.msk [tilespmem:v6+s6+$0x180 ss:$0x1], $0xffff  }
0x223: {  	s2 =	sand.u32 $0xFFFFFC00, s29;
	v16 =	vld.idx.msk [tilespmem:v8+s9+$0x180 ss:$0x1], $0xffff  }
0x224: {  	s7 =	sadd.s32 $0x80, s4;
	v18 =	vld.idx.msk [tilespmem:v1+s2+$0x180 ss:$0x1], $0xffff  }
0x225: {  	s10 =	sand.u32 $0xFFFFFC00, s3;
	p5 =	slt.u32 s7, s21;
	v19 =	vmul.f32 $5.000000000e-01, v12  }
.Ltmp50:
0x226: {  	s8 =	sand.u32 $0xFFFFFC00, s25;
	v14 =	vld.idx.msk [tilespmem:v7+s10+$0x180 ss:$0x1], $0xffff;
	vm0 =	vgt.f32 v12, v4;
	v20 =	vmul.f32 $5.000000000e-01, v13;
	(pc) =	sbr.rel @!p5 .LBB2_92-.Ltmp50, $4  }
0x227: {  	s3 =	sadd.s32 $0xFFFFFE00, s1;
	s4 =	sadd.s32 $0x400, s1;
	s12 =	sadd.s32 $0xFFFFFC80, s1;
	v15 =	vld.idx.msk [tilespmem:v5+s8+$0x180 ss:$0x1], $0xffff;
	vm1 =	vgt.f32 v13, v4;
	v12 =	vsel vm0, v19, v12  }
0x228: {  	s31 =	sadd.s32 $0xFFFFFF80, s1;
	s5 =	sand.u32 $0xFFFFFC00, s1;
	s26 =	sadd.s32 $0xFFFFFE80, s1;
	v22 =	vmul.f32 $5.000000000e-01, v21;
	vm2 =	vgt.f32 v21, v4;
	v13 =	vsel vm1, v20, v13  }
0x229: {  	s28 =	sadd.s32 $0xFFFFFF00, s1;
	s29 =	sadd.s32 $0xFFFFFD00, s1;
	s12 =	sand.u32 $0xFFFFFC00, s12;
	vm0 =	vgt.f32 v17, v4;
	[tilespmem:v11+s14+$0x180 ss:$0x1] =	vst.idx.msk $0xffff, v12;
	v12 =	vld.idx.msk [tilespmem:v11+s5+$0x180 ss:$0x1], $0xffff;
	v20 =	vmul.f32 $5.000000000e-01, v16;
	v19 =	vmul.f32 $5.000000000e-01, v18  }
0x22a: {  	s25 =	sadd.s32 $0xFFFFFD80, s1;
	p4 =	por $0x1, $0x1;
	s1 =	sand.u32 $0xFFFFFC00, s31;
	vm1 =	vgt.f32 v16, v4;
	[tilespmem:v9+s13+$0x180 ss:$0x1] =	vst.idx.msk $0xffff, v13;
	v13 =	vld.idx.msk [tilespmem:v9+s12+$0x180 ss:$0x1], $0xffff;
	v21 =	vsel vm2, v22, v21  }
.LBB2_93:
0x22b: {  	s13 =	sand.u32 $0xFFFFFC00, s29;
	s14 =	sand.u32 $0xFFFFFC00, s26;
	s26 =	sand.u32 $0xFFFFFC00, s28;
	v22 =	vld.idx.msk [tilespmem:v10+s1+$0x180 ss:$0x1], $0xffff;
	v23 =	vmul.f32 $5.000000000e-01, v14;
	v20 =	vsel vm1, v20, v16;
	v24 =	vmul.f32 $5.000000000e-01, v17;
	[tilespmem:v10+s11+$0x180 ss:$0x1] =	vst.idx.msk $0xffff, v21  }
0x22c: {  	s25 =	sand.u32 $0xFFFFFC00, s25;
	s11 =	sand.u32 $0xFFFFFC00, s3;
	s3 =	sadd.s32 $0xFFFFFE00, s4;
	vm1 =	vgt.f32 v18, v4;
	v25 =	vmul.f32 $5.000000000e-01, v15;
	vm2 =	vgt.f32 v14, v4;
	v21 =	vld.idx.msk [tilespmem:v6+s26+$0x180 ss:$0x1], $0xffff  }
0x22d: {  	s7 =	sadd.s32 $0x80, s7;
	vm3 =	vgt.f32 v15, v4;
	v16 =	vld.idx.msk [tilespmem:v8+s14+$0x180 ss:$0x1], $0xffff;
	v14 =	vsel vm2, v23, v14;
	[tilespmem:v8+s9+$0x180 ss:$0x1] =	vst.idx.msk $0xffff, v20;
	s9 =	smov.u32 s14;
	s14 =	smov.u32 s4  }
0x22e: {  	p5 =	slt.u32 s7, s21;
	v20 =	vsel vm3, v25, v15;
	v15 =	vsel vm0, v24, v17;
	v23 =	vld.idx.msk [tilespmem:v1+s13+$0x180 ss:$0x1], $0xffff;
	[tilespmem:v7+s10+$0x180 ss:$0x1] =	vst.idx.msk $0xffff, v14;
	s10 =	smov.u32 s11;
	s11 =	smov.u32 s1  }
0x22f: {  	v18 =	vsel vm1, v19, v18;
	v17 =	vmul.f32 $5.000000000e-01, v12;
	v14 =	vld.idx.msk [tilespmem:v7+s10+$0x180 ss:$0x1], $0xffff;
	[tilespmem:v6+s6+$0x180 ss:$0x1] =	vst.idx.msk $0xffff, v15;
	s6 =	smov.u32 s26  }
.Ltmp51:
0x230: {  	vm0 =	vgt.f32 v12, v4;
	v19 =	vmul.f32 $5.000000000e-01, v13;
	v15 =	vld.idx.msk [tilespmem:v5+s25+$0x180 ss:$0x1], $0xffff;
	[tilespmem:v5+s8+$0x180 ss:$0x1] =	vst.idx.msk $0xffff, v20;
	s8 =	smov.u32 s25;
	(pc) =	sbr.rel @p5 .LBB2_93-.Ltmp51, $4  }
0x231: {  	s4 =	sadd.s32 $0x400, s4;
	vm1 =	vgt.f32 v13, v4;
	v12 =	vsel vm0, v17, v12;
	[tilespmem:v1+s2+$0x180 ss:$0x1] =	vst.idx.msk $0xffff, v18;
	s2 =	smov.u32 s13  }
0x232: {  	s1 =	sadd.s32 $0xFFFFFC80, s14;
	v24 =	vmul.f32 $5.000000000e-01, v22;
	s13 =	sadd.s32 $0xFFFFFF80, s14;
	v13 =	vsel vm1, v19, v13;
	vm0 =	vgt.f32 v21, v4;
	[tilespmem:v11+s5+$0x180 ss:$0x1] =	vst.idx.msk $0xffff, v12;
	s5 =	sand.u32 $0xFFFFFC00, s14  }
0x233: {  	s28 =	sadd.s32 $0xFFFFFF00, s14;
	s26 =	sadd.s32 $0xFFFFFE80, s14;
	vm2 =	vgt.f32 v22, v4;
	v20 =	vmul.f32 $5.000000000e-01, v16;
	v17 =	vmov v21;
	v12 =	vld.idx.msk [tilespmem:v11+s5+$0x180 ss:$0x1], $0xffff;
	[tilespmem:v9+s12+$0x180 ss:$0x1] =	vst.idx.msk $0xffff, v13;
	s12 =	sand.u32 $0xFFFFFC00, s1  }
0x234: {  	s29 =	sadd.s32 $0xFFFFFD00, s14;
	s25 =	sadd.s32 $0xFFFFFD80, s14;
	vm1 =	vgt.f32 v16, v4;
	v21 =	vsel vm2, v24, v22;
	s1 =	sand.u32 $0xFFFFFC00, s13;
	v19 =	vmul.f32 $5.000000000e-01, v23;
	v18 =	vmovc v23;
	v13 =	vld.idx.msk [tilespmem:v9+s12+$0x180 ss:$0x1], $0xffff  }
0x235: {  	s14 =	smov.u32 s5;
	s13 =	smov.u32 s12  }
.LBB2_95:
0x236: {  	_ =	sdelay $0x3  }
0x237: {  	s4 =	sand.u32 $0xFFFFFC00, s28;
	v22 =	vld.idx.msk [tilespmem:v10+s1+$0x180 ss:$0x1], $0xffff  }
0x238: {  	s5 =	sand.u32 $0xFFFFFC00, s26;
	v24 =	vld.idx.msk [tilespmem:v6+s4+$0x180 ss:$0x1], $0xffff  }
0x239: {  	v16 =	vsel @p4 vm1, v20, v16;
	s7 =	sand.u32 $0xFFFFFC00, s29;
	v50 =	vld.idx.msk [tilespmem:v8+s5+$0x180 ss:$0x1], $0xffff  }
0x23a: {  	v23 =	vmul.f32 @p4 $5.000000000e-01, v14;
	v20 =	vmul.f32 @p4 $5.000000000e-01, v17;
	[tilespmem:v10+s11+$0x180 ss:$0x1] =	vst.idx.msk @p4 $0xffff, v21;
	vm1 =	vgt.f32 @p4 v18, v4;
	s3 =	sand.u32 $0xFFFFFC00, s3;
	v51 =	vld.idx.msk [tilespmem:v1+s7+$0x180 ss:$0x1], $0xffff  }
0x23b: {  	vm2 =	vgt.f32 @p4 v14, v4;
	s31 =	sand.u32 $0xFFFFFC00, s25;
	[tilespmem:v8+s9+$0x180 ss:$0x1] =	vst.idx.msk @p4 $0xffff, v16;
	v52 =	vld.idx.msk [tilespmem:v7+s3+$0x180 ss:$0x1], $0xffff;
	v18 =	vsel @p4 vm1, v19, v18  }
0x23c: {  	v25 =	vmul.f32 @p4 $5.000000000e-01, v15;
	v55 =	vld.idx.msk [tilespmem:v5+s31+$0x180 ss:$0x1], $0xffff;
	v14 =	vsel @p4 vm2, v23, v14;
	[tilespmem:v1+s2+$0x180 ss:$0x1] =	vst.idx.msk @p4 $0xffff, v18  }
0x23d: {  	vm2 =	vgt.f32 @p4 v15, v4;
	v53 =	vmul.f32 $5.000000000e-01, v12;
	[tilespmem:v7+s10+$0x180 ss:$0x1] =	vst.idx.msk @p4 $0xffff, v14;
	v14 =	vsel @p4 vm0, v20, v17  }
0x23e: {  	vm8 =	vgt.f32 v12, v4;
	v15 =	vsel @p4 vm2, v25, v15;
	v54 =	vmul.f32 $5.000000000e-01, v13;
	[tilespmem:v6+s6+$0x180 ss:$0x1] =	vst.idx.msk @p4 $0xffff, v14  }
0x23f: {  	vm9 =	vgt.f32 v13, v4;
	[tilespmem:v5+s8+$0x180 ss:$0x1] =	vst.idx.msk @p4 $0xffff, v15;
	v12 =	vsel vm8, v53, v12;
	v56 =	vmul.f32 $5.000000000e-01, v22  }
0x240: {  	v13 =	vsel vm9, v54, v13;
	[tilespmem:v11+s14+$0x180 ss:$0x1] =	vst.idx.msk $0xffff, v12;
	vm10 =	vgt.f32 v22, v4;
	v57 =	vmul.f32 $5.000000000e-01, v50  }
0x241: {  	[tilespmem:v9+s13+$0x180 ss:$0x1] =	vst.idx.msk $0xffff, v13;
	vm11 =	vgt.f32 v50, v4;
	v59 =	vmul.f32 $5.000000000e-01, v52;
	v58 =	vsel vm10, v56, v22  }
0x242: {  	vm12 =	vgt.f32 v52, v4;
	v61 =	vmul.f32 $5.000000000e-01, v55;
	v11 =	vsel vm11, v57, v50;
	[tilespmem:v10+s1+$0x180 ss:$0x1] =	vst.idx.msk $0xffff, v58  }
0x243: {  	v60 =	vmul.f32 $5.000000000e-01, v24;
	vm14 =	vgt.f32 v55, v4;
	v62 =	vsel vm12, v59, v52;
	[tilespmem:v8+s5+$0x180 ss:$0x1] =	vst.idx.msk $0xffff, v11  }
0x244: {  	vm13 =	vgt.f32 v24, v4;
	v63 =	vmul.f32 $5.000000000e-01, v51;
	v9 =	vsel vm14, v61, v55;
	[tilespmem:v7+s3+$0x180 ss:$0x1] =	vst.idx.msk $0xffff, v62  }
0x245: {  	vm15 =	vgt.f32 v51, v4;
	v7 =	vsel vm13, v60, v24;
	[tilespmem:v5+s31+$0x180 ss:$0x1] =	vst.idx.msk $0xffff, v9  }
0x246: {  	[tilespmem:v6+s4+$0x180 ss:$0x1] =	vst.idx.msk $0xffff, v7;
	v6 =	vsel vm15, v63, v51  }
0x247: {  	[tilespmem:v1+s7+$0x180 ss:$0x1] =	vst.idx.msk $0xffff, v6  }
.LBB2_85:
.Ltmp52:
0x248: {  	(pc) =	sbr.rel @p3 .LBB2_88-.Ltmp52, $1  }
0x249: {  	_ =	sdelay $0x3  }
0x24a: {  	s1 =	sadd.s32 s19, s0;
	s2 =	sshll.u32 s21, $0x3  }
.LBB2_87:
0x24b: {  	s1 =	sadd.s32 $0x10, s1;
	s3 =	sand.u32 $0xFFFFFC00, s2  }
0x24c: {  	s4 =	sand.u32 $0x70, s1;
	s3 =	sadd.s32 s3, s15  }
0x24d: {  	s3 =	sadd.s32 s4, s3  }
0x24e: {  	v1 =	vld [tilespmem:s3+$0x180];
	_ =	sdelay $0x2  }
0x24f: {  	p4 =	slt.u32 s1, $0xFF0  }
.Ltmp53:
0x250: {  	_ = 	snop;
	(pc) =	sbr.rel @p4 .LBB2_87-.Ltmp53, $4  }
0x251: {  	v5 =	vmul.f32 $5.000000000e-01, v1  }
0x252: {  	vm0 =	vgt.f32 v1, v4  }
0x253: {  	v1 =	vsel vm0, v5, v1  }
0x254: {  	s2 =	sadd.s32 $0x80, s2;
	[tilespmem:s3+$0x180] =	vst v1  }
.LBB2_88:
0x255: {  	v1 =	vld [tilespmem:s16+$0x200];
	_ =	sdelay $0x2  }
0x256: {  	s1 =	sor.u32 $0x4, s30  }
.Ltmp54:
0x257: {  	vm1 =	vne.s32 v3, v0;
	v3 =	vmov s1;
	(pc) =	sbr.rel @p0 .LBB2_96-.Ltmp54, $4  }
0x258: {  	vm0 =	vgt.f32 v2, v4;
	v4 =	vmul.f32 $5.000000000e-01, v2;
	v5 =	vperm.xlane v1, v3  }
0x259: {  	vm0 =	vmand vm1, vm0  }
0x25a: {  	v2 =	vsel vm0, v4, v2;
	v4 =	vmul.f32 $9.499999880e-01, v5  }
0x25b: {  	[tilespmem:s16+$0x180] =	vst v2  }
0x25c: {  	s6 =	sadd.s32 $0x270, s15  }
0x25d: {  	v6 =	vld [tilespmem:s6+$0x0]  }
0x25e: {  	v19 =	vld [tilespmem:s6+$0xFFFFFFA0]  }
0x25f: {  	p5 =	sgt.s32 s20, $0x80;
	v8 =	vld [tilespmem:s6+$0xFFFFFFB0]  }
.Ltmp55:
0x260: {  	v5 =	vld [tilespmem:s6+$0xFFFFFF90];
	(pc) =	sbr.rel @!p5 .LBB2_90-.Ltmp55, $4  }
0x261: {  	v16 =	vld [tilespmem:s6+$0xFFFFFFC0]  }
0x262: {  	v15 =	vld [tilespmem:s6+$0xFFFFFFD0];
	v7 =	vmul.f32 $5.000000000e-01, v6  }
0x263: {  	v14 =	vld [tilespmem:s6+$0xFFFFFFE0];
	vm0 =	vgt.f32 v19, v4;
	v11 =	vmul.f32 $5.000000000e-01, v19;
	vm2 =	vgt.f32 v6, v4  }
0x264: {  	p4 =	por $0x0, $0x0;
	v2 =	vld [tilespmem:s6+$0xFFFFFFF0];
	s2 =	sadd.s32 $0x400, s6;
	vm1 =	vgt.f32 v8, v4;
	v12 =	vmul.f32 $5.000000000e-01, v8;
	v18 =	vsel vm2, v7, v6  }
0x265: {  	v20 =	vld [tilespmem:s2+$0x0]  }
0x266: {  	v6 =	vld [tilespmem:s2+$0xFFFFFFA0];
	v10 =	vsel vm0, v11, v19;
	v13 =	vmul.f32 $5.000000000e-01, v5  }
0x267: {  	vm2 =	vgt.f32 v16, v4;
	v9 =	vmul.f32 $5.000000000e-01, v16;
	[tilespmem:s6+$0xFFFFFFA0] =	vst v10;
	v10 =	vsel vm1, v12, v8  }
0x268: {  	[tilespmem:s6+$0x0] =	vst v18;
	v7 =	vld [tilespmem:s2+$0xFFFFFFB0];
	p5 =	sgt.s32 s20, $0x100;
	vm0 =	vgt.f32 v15, v4;
	v11 =	vmul.f32 $5.000000000e-01, v15;
	vm1 =	vgt.f32 v14, v4  }
.Ltmp56:
0x269: {  	v8 =	vld [tilespmem:s2+$0xFFFFFFC0];
	[tilespmem:s6+$0xFFFFFFB0] =	vst v10;
	v12 =	vmul.f32 $5.000000000e-01, v14;
	v10 =	vsel vm2, v9, v16;
	vm2 =	vgt.f32 v5, v4;
	(pc) =	sbr.rel @!p5 .LBB2_103-.Ltmp56, $4  }
0x26a: {  	v9 =	vld [tilespmem:s2+$0xFFFFFFD0];
	vm3 =	vgt.f32 v2, v4;
	v16 =	vmul.f32 $5.000000000e-01, v2;
	[tilespmem:s6+$0xFFFFFFC0] =	vst v10;
	v11 =	vsel vm0, v11, v15  }
0x26b: {  	v10 =	vld [tilespmem:s2+$0xFFFFFFE0];
	v15 =	vmul.f32 $5.000000000e-01, v20;
	[tilespmem:s6+$0xFFFFFFD0] =	vst v11;
	v12 =	vsel vm1, v12, v14;
	vm0 =	vgt.f32 v6, v4  }
0x26c: {  	v11 =	vmul.f32 $5.000000000e-01, v6;
	v14 =	vsel vm3, v16, v2;
	v2 =	vld [tilespmem:s2+$0xFFFFFFF0];
	vm3 =	vgt.f32 v20, v4;
	[tilespmem:s6+$0xFFFFFFE0] =	vst v12  }
0x26d: {  	s1 =	simm.s32 $0x100;
	v17 =	vld [tilespmem:s2+$0xFFFFFF90];
	s3 =	sadd.s32 $0x400, s2;
	p4 =	por $0x1, $0x1;
	vm1 =	vgt.f32 v7, v4;
	v12 =	vmul.f32 $5.000000000e-01, v7;
	v18 =	vsel vm3, v15, v20;
	[tilespmem:s6+$0xFFFFFFF0] =	vst v14  }
.LBB2_104:
0x26e: {  	v14 =	vld [tilespmem:s3+$0x0];
	s1 =	sadd.s32 $0x80, s1;
	vm3 =	vgt.f32 v8, v4;
	v15 =	vmul.f32 $5.000000000e-01, v8;
	[tilespmem:s2+$0x0] =	vst v18;
	v5 =	vsel vm2, v13, v5  }
0x26f: {  	v11 =	vsel vm0, v11, v6;
	p5 =	slt.s32 s1, s20;
	v6 =	vld [tilespmem:s3+$0xFFFFFFA0];
	vm0 =	vgt.f32 v9, v4;
	v16 =	vmul.f32 $5.000000000e-01, v9;
	[tilespmem:s6+$0xFFFFFF90] =	vst v5;
	s6 =	smov.u32 s2;
	s2 =	smov.u32 s3  }
0x270: {  	v19 =	vsel vm1, v12, v7;
	[tilespmem:s6+$0xFFFFFFA0] =	vst v11;
	v7 =	vld [tilespmem:s3+$0xFFFFFFB0];
	vm1 =	vgt.f32 v10, v4;
	v11 =	vmul.f32 $5.000000000e-01, v10  }
.Ltmp57:
0x271: {  	v18 =	vsel vm3, v15, v8;
	[tilespmem:s6+$0xFFFFFFB0] =	vst v19;
	v8 =	vld [tilespmem:s3+$0xFFFFFFC0];
	vm3 =	vgt.f32 v2, v4;
	v12 =	vmul.f32 $5.000000000e-01, v2;
	(pc) =	sbr.rel @p5 .LBB2_104-.Ltmp57, $4  }
0x272: {  	v15 =	vsel vm0, v16, v9;
	vm2 =	vgt.f32 v17, v4;
	v13 =	vmul.f32 $5.000000000e-01, v17;
	[tilespmem:s6+$0xFFFFFFC0] =	vst v18;
	v9 =	vld [tilespmem:s3+$0xFFFFFFD0];
	v5 =	vmovc v17  }
0x273: {  	v16 =	vmul.f32 $5.000000000e-01, v14;
	[tilespmem:s6+$0xFFFFFFD0] =	vst v15;
	v15 =	vsel vm1, v11, v10;
	v10 =	vld [tilespmem:s3+$0xFFFFFFE0];
	v19 =	vsel vm3, v12, v2  }
0x274: {  	vm3 =	vgt.f32 v14, v4;
	vm0 =	vgt.f32 v6, v4;
	v11 =	vmul.f32 $5.000000000e-01, v6;
	v2 =	vld [tilespmem:s3+$0xFFFFFFF0];
	[tilespmem:s6+$0xFFFFFFE0] =	vst v15  }
0x275: {  	s3 =	sadd.s32 $0x400, s3;
	v17 =	vld [tilespmem:s2+$0xFFFFFF90];
	vm1 =	vgt.f32 v7, v4;
	v12 =	vmul.f32 $5.000000000e-01, v7;
	v18 =	vsel vm3, v16, v14;
	[tilespmem:s6+$0xFFFFFFF0] =	vst v19  }
0x276: {  	_ =	sdelay $0x2  }
0x277: {  	v20 =	vmov v5;
	v16 =	vmov v8  }
0x278: {  	v19 =	vmovc v6;
	v8 =	vmovc v7;
	v15 =	vmov v9;
	v14 =	vmov v10;
	v5 =	vmov v17  }
.LBB2_106:
0x279: {  	[tilespmem:s2+$0x0] =	vst v18;
	v6 =	vsel @p4 vm2, v13, v20  }
0x27a: {  	v7 =	vmul.f32 $5.000000000e-01, v16;
	v9 =	vsel vm0, v11, v19;
	[tilespmem:s6+$0xFFFFFF90] =	vst @p4 v6  }
0x27b: {  	vm11 =	vgt.f32 v16, v4;
	v8 =	vsel vm1, v12, v8;
	v63 =	vmul.f32 $5.000000000e-01, v2;
	[tilespmem:s2+$0xFFFFFFA0] =	vst v9  }
0x27c: {  	vm14 =	vgt.f32 v2, v4;
	v6 =	vmul.f32 $5.000000000e-01, v15;
	[tilespmem:s2+$0xFFFFFFB0] =	vst v8;
	v7 =	vsel vm11, v7, v16  }
0x27d: {  	vm12 =	vgt.f32 v15, v4;
	v62 =	vmul.f32 $5.000000000e-01, v14;
	v2 =	vsel vm14, v63, v2;
	[tilespmem:s2+$0xFFFFFFC0] =	vst v7  }
0x27e: {  	vm13 =	vgt.f32 v14, v4;
	v6 =	vsel vm12, v6, v15;
	v7 =	vmul.f32 $5.000000000e-01, v5;
	[tilespmem:s2+$0xFFFFFFF0] =	vst v2  }
0x27f: {  	vm15 =	vgt.f32 v5, v4;
	[tilespmem:s2+$0xFFFFFFD0] =	vst v6;
	v6 =	vsel vm13, v62, v14  }
0x280: {  	[tilespmem:s2+$0xFFFFFFE0] =	vst v6;
	v2 =	vsel vm15, v7, v5  }
0x281: {  	[tilespmem:s2+$0xFFFFFF90] =	vst v2  }
.LBB2_96:
.Ltmp58:
0x282: {  	(pc) =	sbr.rel @p1 .LBB2_99-.Ltmp58, $1  }
0x283: {  	_ =	sdelay $0x3  }
0x284: {  	s1 =	sand.u32 $0xFFFFFC00, s17;
	s2 =	smov.u32 s20  }
.LBB2_98:
0x285: {  	s3 =	sand.u32 $0xFFFFFC00, s1  }
0x286: {  	s4 =	sand.u32 $0x70, s2;
	s3 =	sadd.s32 s3, s15  }
0x287: {  	s3 =	sadd.s32 s4, s3  }
0x288: {  	v2 =	vld [tilespmem:s3+$0x200];
	_ =	sdelay $0x1  }
0x289: {  	s2 =	sadd.s32 $0x10, s2  }
0x28a: {  	p4 =	slt.s32 s2, s19  }
.Ltmp59:
0x28b: {  	_ = 	snop;
	(pc) =	sbr.rel @p4 .LBB2_98-.Ltmp59, $4  }
0x28c: {  	v5 =	vmul.f32 $5.000000000e-01, v2  }
0x28d: {  	vm0 =	vgt.f32 v2, v4  }
0x28e: {  	v2 =	vsel vm0, v5, v2  }
0x28f: {  	s1 =	sadd.s32 $0x80, s1;
	[tilespmem:s3+$0x200] =	vst v2  }
.LBB2_99:
.Ltmp60:
0x290: {  	(pc) =	sbr.rel @p2 .LBB2_107-.Ltmp60, $1  }
0x291: {  	_ =	sdelay $0x3  }
0x292: {  	s2 =	rddreg [dreg:$0xf]  }
0x293: {  	s4 =	rddreg [dreg:$0xb]  }
0x294: {  	s5 =	rddreg [dreg:$0xc]  }
0x295: {  	s6 =	rddreg [dreg:$0xd]  }
0x296: {  	s1 =	sadd.s32 $0x60, s19;
	s3 =	sadd.s32 $0x70, s19;
	s7 =	rddreg [dreg:$0xe]  }
0x297: {  	s14 =	sadd.s32 s18, s15;
	s25 =	sadd.s32 $0x400, s17;
	p4 =	por $0x0, $0x0  }
0x298: {  	s2 =	sand.u32 $0x70, s2;
	s1 =	sand.u32 $0x70, s1;
	s4 =	sadd.s32 s4, s15  }
0x299: {  	s3 =	sand.u32 $0x70, s3;
	s5 =	sadd.s32 s5, s15;
	v11 =	vmov s14;
	v9 =	vmov s4;
	s4 =	sadd.s32 $0x80, s22  }
0x29a: {  	s6 =	sadd.s32 s6, s15;
	s3 =	sadd.s32 s3, s15;
	p5 =	slt.u32 s4, s21  }
.Ltmp61:
0x29b: {  	s7 =	sadd.s32 s7, s15;
	s1 =	sadd.s32 s1, s15;
	v10 =	vmov s3;
	(pc) =	sbr.rel @!p5 .LBB2_101-.Ltmp61, $4  }
0x29c: {  	s26 =	sadd.s32 $0xFFFFFC80, s25;
	s31 =	sadd.s32 $0xFFFFFF80, s25;
	s2 =	sadd.s32 s2, s15;
	v6 =	vmov s1  }
0x29d: {  	s14 =	sand.u32 $0xFFFFFC00, s25;
	s28 =	sadd.s32 $0xFFFFFF00, s25;
	s29 =	sadd.s32 $0xFFFFFD00, s25;
	v8 =	vmov s2  }
0x29e: {  	v2 =	vmov s5;
	v7 =	vmov s7;
	s13 =	sand.u32 $0xFFFFFC00, s26;
	s26 =	sadd.s32 $0xFFFFFE80, s25;
	s11 =	sand.u32 $0xFFFFFC00, s31;
	v12 =	vld.idx.msk [tilespmem:v11+s14+$0x200 ss:$0x1], $0xffff  }
0x29f: {  	v5 =	vmov s6;
	s3 =	sadd.s32 $0xFFFFFE00, s25;
	s1 =	sadd.s32 $0x400, s25;
	s25 =	sadd.s32 $0xFFFFFD80, s25;
	v13 =	vld.idx.msk [tilespmem:v9+s13+$0x200 ss:$0x1], $0xffff  }
0x2a0: {  	_ =	sdelay $0x3  }
0x2a1: {  	s6 =	sand.u32 $0xFFFFFC00, s28;
	v21 =	vld.idx.msk [tilespmem:v10+s11+$0x200 ss:$0x1], $0xffff  }
0x2a2: {  	s9 =	sand.u32 $0xFFFFFC00, s26;
	v17 =	vld.idx.msk [tilespmem:v6+s6+$0x200 ss:$0x1], $0xffff  }
0x2a3: {  	s2 =	sand.u32 $0xFFFFFC00, s29;
	v16 =	vld.idx.msk [tilespmem:v8+s9+$0x200 ss:$0x1], $0xffff  }
0x2a4: {  	s7 =	sadd.s32 $0x80, s4;
	v18 =	vld.idx.msk [tilespmem:v2+s2+$0x200 ss:$0x1], $0xffff  }
0x2a5: {  	s10 =	sand.u32 $0xFFFFFC00, s3;
	p5 =	slt.u32 s7, s21;
	v19 =	vmul.f32 $5.000000000e-01, v12  }
.Ltmp62:
0x2a6: {  	s8 =	sand.u32 $0xFFFFFC00, s25;
	v14 =	vld.idx.msk [tilespmem:v7+s10+$0x200 ss:$0x1], $0xffff;
	vm0 =	vgt.f32 v12, v4;
	v20 =	vmul.f32 $5.000000000e-01, v13;
	(pc) =	sbr.rel @!p5 .LBB2_114-.Ltmp62, $4  }
0x2a7: {  	s3 =	sadd.s32 $0xFFFFFE00, s1;
	s4 =	sadd.s32 $0x400, s1;
	s12 =	sadd.s32 $0xFFFFFC80, s1;
	v15 =	vld.idx.msk [tilespmem:v5+s8+$0x200 ss:$0x1], $0xffff;
	vm1 =	vgt.f32 v13, v4;
	v12 =	vsel vm0, v19, v12  }
0x2a8: {  	s31 =	sadd.s32 $0xFFFFFF80, s1;
	s5 =	sand.u32 $0xFFFFFC00, s1;
	s26 =	sadd.s32 $0xFFFFFE80, s1;
	v22 =	vmul.f32 $5.000000000e-01, v21;
	vm2 =	vgt.f32 v21, v4;
	v13 =	vsel vm1, v20, v13  }
0x2a9: {  	s28 =	sadd.s32 $0xFFFFFF00, s1;
	s29 =	sadd.s32 $0xFFFFFD00, s1;
	s12 =	sand.u32 $0xFFFFFC00, s12;
	vm0 =	vgt.f32 v17, v4;
	[tilespmem:v11+s14+$0x200 ss:$0x1] =	vst.idx.msk $0xffff, v12;
	v12 =	vld.idx.msk [tilespmem:v11+s5+$0x200 ss:$0x1], $0xffff;
	v20 =	vmul.f32 $5.000000000e-01, v16;
	v19 =	vmul.f32 $5.000000000e-01, v18  }
0x2aa: {  	s25 =	sadd.s32 $0xFFFFFD80, s1;
	p4 =	por $0x1, $0x1;
	s1 =	sand.u32 $0xFFFFFC00, s31;
	vm1 =	vgt.f32 v16, v4;
	[tilespmem:v9+s13+$0x200 ss:$0x1] =	vst.idx.msk $0xffff, v13;
	v13 =	vld.idx.msk [tilespmem:v9+s12+$0x200 ss:$0x1], $0xffff;
	v21 =	vsel vm2, v22, v21  }
.LBB2_115:
0x2ab: {  	s13 =	sand.u32 $0xFFFFFC00, s29;
	s14 =	sand.u32 $0xFFFFFC00, s26;
	s26 =	sand.u32 $0xFFFFFC00, s28;
	v22 =	vld.idx.msk [tilespmem:v10+s1+$0x200 ss:$0x1], $0xffff;
	v23 =	vmul.f32 $5.000000000e-01, v14;
	v20 =	vsel vm1, v20, v16;
	v24 =	vmul.f32 $5.000000000e-01, v17;
	[tilespmem:v10+s11+$0x200 ss:$0x1] =	vst.idx.msk $0xffff, v21  }
0x2ac: {  	s25 =	sand.u32 $0xFFFFFC00, s25;
	s11 =	sand.u32 $0xFFFFFC00, s3;
	s3 =	sadd.s32 $0xFFFFFE00, s4;
	vm1 =	vgt.f32 v18, v4;
	v25 =	vmul.f32 $5.000000000e-01, v15;
	vm2 =	vgt.f32 v14, v4;
	v21 =	vld.idx.msk [tilespmem:v6+s26+$0x200 ss:$0x1], $0xffff  }
0x2ad: {  	s7 =	sadd.s32 $0x80, s7;
	vm3 =	vgt.f32 v15, v4;
	v16 =	vld.idx.msk [tilespmem:v8+s14+$0x200 ss:$0x1], $0xffff;
	v14 =	vsel vm2, v23, v14;
	[tilespmem:v8+s9+$0x200 ss:$0x1] =	vst.idx.msk $0xffff, v20;
	s9 =	smov.u32 s14;
	s14 =	smov.u32 s4  }
0x2ae: {  	p5 =	slt.u32 s7, s21;
	v20 =	vsel vm3, v25, v15;
	v15 =	vsel vm0, v24, v17;
	v23 =	vld.idx.msk [tilespmem:v2+s13+$0x200 ss:$0x1], $0xffff;
	[tilespmem:v7+s10+$0x200 ss:$0x1] =	vst.idx.msk $0xffff, v14;
	s10 =	smov.u32 s11;
	s11 =	smov.u32 s1  }
0x2af: {  	v18 =	vsel vm1, v19, v18;
	v17 =	vmul.f32 $5.000000000e-01, v12;
	v14 =	vld.idx.msk [tilespmem:v7+s10+$0x200 ss:$0x1], $0xffff;
	[tilespmem:v6+s6+$0x200 ss:$0x1] =	vst.idx.msk $0xffff, v15;
	s6 =	smov.u32 s26  }
.Ltmp63:
0x2b0: {  	vm0 =	vgt.f32 v12, v4;
	v19 =	vmul.f32 $5.000000000e-01, v13;
	v15 =	vld.idx.msk [tilespmem:v5+s25+$0x200 ss:$0x1], $0xffff;
	[tilespmem:v5+s8+$0x200 ss:$0x1] =	vst.idx.msk $0xffff, v20;
	s8 =	smov.u32 s25;
	(pc) =	sbr.rel @p5 .LBB2_115-.Ltmp63, $4  }
0x2b1: {  	s4 =	sadd.s32 $0x400, s4;
	vm1 =	vgt.f32 v13, v4;
	v12 =	vsel vm0, v17, v12;
	[tilespmem:v2+s2+$0x200 ss:$0x1] =	vst.idx.msk $0xffff, v18;
	s2 =	smov.u32 s13  }
0x2b2: {  	s1 =	sadd.s32 $0xFFFFFC80, s14;
	v24 =	vmul.f32 $5.000000000e-01, v22;
	s13 =	sadd.s32 $0xFFFFFF80, s14;
	v13 =	vsel vm1, v19, v13;
	vm0 =	vgt.f32 v21, v4;
	[tilespmem:v11+s5+$0x200 ss:$0x1] =	vst.idx.msk $0xffff, v12;
	s5 =	sand.u32 $0xFFFFFC00, s14  }
0x2b3: {  	s28 =	sadd.s32 $0xFFFFFF00, s14;
	s26 =	sadd.s32 $0xFFFFFE80, s14;
	vm2 =	vgt.f32 v22, v4;
	v20 =	vmul.f32 $5.000000000e-01, v16;
	v17 =	vmov v21;
	v12 =	vld.idx.msk [tilespmem:v11+s5+$0x200 ss:$0x1], $0xffff;
	[tilespmem:v9+s12+$0x200 ss:$0x1] =	vst.idx.msk $0xffff, v13;
	s12 =	sand.u32 $0xFFFFFC00, s1  }
0x2b4: {  	s29 =	sadd.s32 $0xFFFFFD00, s14;
	s25 =	sadd.s32 $0xFFFFFD80, s14;
	vm1 =	vgt.f32 v16, v4;
	v21 =	vsel vm2, v24, v22;
	s1 =	sand.u32 $0xFFFFFC00, s13;
	v19 =	vmul.f32 $5.000000000e-01, v23;
	v18 =	vmovc v23;
	v13 =	vld.idx.msk [tilespmem:v9+s12+$0x200 ss:$0x1], $0xffff  }
0x2b5: {  	s14 =	smov.u32 s5;
	s13 =	smov.u32 s12  }
.LBB2_117:
0x2b6: {  	_ =	sdelay $0x3  }
0x2b7: {  	s4 =	sand.u32 $0xFFFFFC00, s28;
	v22 =	vld.idx.msk [tilespmem:v10+s1+$0x200 ss:$0x1], $0xffff  }
0x2b8: {  	s5 =	sand.u32 $0xFFFFFC00, s26;
	v24 =	vld.idx.msk [tilespmem:v6+s4+$0x200 ss:$0x1], $0xffff  }
0x2b9: {  	v16 =	vsel @p4 vm1, v20, v16;
	s7 =	sand.u32 $0xFFFFFC00, s29;
	v50 =	vld.idx.msk [tilespmem:v8+s5+$0x200 ss:$0x1], $0xffff  }
0x2ba: {  	v23 =	vmul.f32 @p4 $5.000000000e-01, v14;
	v20 =	vmul.f32 @p4 $5.000000000e-01, v17;
	[tilespmem:v10+s11+$0x200 ss:$0x1] =	vst.idx.msk @p4 $0xffff, v21;
	vm1 =	vgt.f32 @p4 v18, v4;
	s3 =	sand.u32 $0xFFFFFC00, s3;
	v51 =	vld.idx.msk [tilespmem:v2+s7+$0x200 ss:$0x1], $0xffff  }
0x2bb: {  	vm2 =	vgt.f32 @p4 v14, v4;
	s31 =	sand.u32 $0xFFFFFC00, s25;
	[tilespmem:v8+s9+$0x200 ss:$0x1] =	vst.idx.msk @p4 $0xffff, v16;
	v52 =	vld.idx.msk [tilespmem:v7+s3+$0x200 ss:$0x1], $0xffff;
	v18 =	vsel @p4 vm1, v19, v18  }
0x2bc: {  	v25 =	vmul.f32 @p4 $5.000000000e-01, v15;
	v55 =	vld.idx.msk [tilespmem:v5+s31+$0x200 ss:$0x1], $0xffff;
	v14 =	vsel @p4 vm2, v23, v14;
	[tilespmem:v2+s2+$0x200 ss:$0x1] =	vst.idx.msk @p4 $0xffff, v18  }
0x2bd: {  	vm2 =	vgt.f32 @p4 v15, v4;
	v53 =	vmul.f32 $5.000000000e-01, v12;
	[tilespmem:v7+s10+$0x200 ss:$0x1] =	vst.idx.msk @p4 $0xffff, v14;
	v14 =	vsel @p4 vm0, v20, v17  }
0x2be: {  	vm8 =	vgt.f32 v12, v4;
	v15 =	vsel @p4 vm2, v25, v15;
	v54 =	vmul.f32 $5.000000000e-01, v13;
	[tilespmem:v6+s6+$0x200 ss:$0x1] =	vst.idx.msk @p4 $0xffff, v14  }
0x2bf: {  	vm9 =	vgt.f32 v13, v4;
	[tilespmem:v5+s8+$0x200 ss:$0x1] =	vst.idx.msk @p4 $0xffff, v15;
	v12 =	vsel vm8, v53, v12;
	v56 =	vmul.f32 $5.000000000e-01, v22  }
0x2c0: {  	v13 =	vsel vm9, v54, v13;
	[tilespmem:v11+s14+$0x200 ss:$0x1] =	vst.idx.msk $0xffff, v12;
	vm10 =	vgt.f32 v22, v4;
	v57 =	vmul.f32 $5.000000000e-01, v50  }
0x2c1: {  	[tilespmem:v9+s13+$0x200 ss:$0x1] =	vst.idx.msk $0xffff, v13;
	vm11 =	vgt.f32 v50, v4;
	v59 =	vmul.f32 $5.000000000e-01, v52;
	v58 =	vsel vm10, v56, v22  }
0x2c2: {  	vm12 =	vgt.f32 v52, v4;
	v61 =	vmul.f32 $5.000000000e-01, v55;
	v11 =	vsel vm11, v57, v50;
	[tilespmem:v10+s1+$0x200 ss:$0x1] =	vst.idx.msk $0xffff, v58  }
0x2c3: {  	v60 =	vmul.f32 $5.000000000e-01, v24;
	vm14 =	vgt.f32 v55, v4;
	v62 =	vsel vm12, v59, v52;
	[tilespmem:v8+s5+$0x200 ss:$0x1] =	vst.idx.msk $0xffff, v11  }
0x2c4: {  	vm13 =	vgt.f32 v24, v4;
	v63 =	vmul.f32 $5.000000000e-01, v51;
	v9 =	vsel vm14, v61, v55;
	[tilespmem:v7+s3+$0x200 ss:$0x1] =	vst.idx.msk $0xffff, v62  }
0x2c5: {  	vm15 =	vgt.f32 v51, v4;
	v7 =	vsel vm13, v60, v24;
	[tilespmem:v5+s31+$0x200 ss:$0x1] =	vst.idx.msk $0xffff, v9  }
0x2c6: {  	[tilespmem:v6+s4+$0x200 ss:$0x1] =	vst.idx.msk $0xffff, v7;
	v6 =	vsel vm15, v63, v51  }
0x2c7: {  	[tilespmem:v2+s7+$0x200 ss:$0x1] =	vst.idx.msk $0xffff, v6  }
.LBB2_107:
.Ltmp64:
0x2c8: {  	(pc) =	sbr.rel @p3 .LBB2_110-.Ltmp64, $1  }
0x2c9: {  	_ =	sdelay $0x3  }
0x2ca: {  	s1 =	sadd.s32 s19, s0;
	s2 =	sshll.u32 s21, $0x3  }
.LBB2_109:
0x2cb: {  	s1 =	sadd.s32 $0x10, s1;
	s3 =	sand.u32 $0xFFFFFC00, s2  }
0x2cc: {  	s4 =	sand.u32 $0x70, s1;
	s3 =	sadd.s32 s3, s15  }
0x2cd: {  	s3 =	sadd.s32 s4, s3  }
0x2ce: {  	v2 =	vld [tilespmem:s3+$0x200];
	_ =	sdelay $0x2  }
0x2cf: {  	p4 =	slt.u32 s1, $0xFF0  }
.Ltmp65:
0x2d0: {  	_ = 	snop;
	(pc) =	sbr.rel @p4 .LBB2_109-.Ltmp65, $4  }
0x2d1: {  	v5 =	vmul.f32 $5.000000000e-01, v2  }
0x2d2: {  	vm0 =	vgt.f32 v2, v4  }
0x2d3: {  	v2 =	vsel vm0, v5, v2  }
0x2d4: {  	s2 =	sadd.s32 $0x80, s2;
	[tilespmem:s3+$0x200] =	vst v2  }
.LBB2_110:
0x2d5: {  	v2 =	vld [tilespmem:s16+$0x280];
	_ =	sdelay $0x2  }
0x2d6: {  	s1 =	sor.u32 $0x5, s30  }
.Ltmp66:
0x2d7: {  	vm1 =	vne.s32 v3, v0;
	v3 =	vmov s1;
	(pc) =	sbr.rel @p0 .LBB2_118-.Ltmp66, $4  }
0x2d8: {  	vm0 =	vgt.f32 v1, v4;
	v4 =	vmul.f32 $5.000000000e-01, v1;
	v5 =	vperm.xlane v2, v3  }
0x2d9: {  	vm0 =	vmand vm1, vm0  }
0x2da: {  	v1 =	vsel vm0, v4, v1;
	v4 =	vmul.f32 $9.499999880e-01, v5  }
0x2db: {  	[tilespmem:s16+$0x200] =	vst v1  }
0x2dc: {  	s6 =	sadd.s32 $0x2F0, s15  }
0x2dd: {  	v6 =	vld [tilespmem:s6+$0x0]  }
0x2de: {  	v19 =	vld [tilespmem:s6+$0xFFFFFFA0]  }
0x2df: {  	p5 =	sgt.s32 s20, $0x80;
	v8 =	vld [tilespmem:s6+$0xFFFFFFB0]  }
.Ltmp67:
0x2e0: {  	v5 =	vld [tilespmem:s6+$0xFFFFFF90];
	(pc) =	sbr.rel @!p5 .LBB2_112-.Ltmp67, $4  }
0x2e1: {  	v16 =	vld [tilespmem:s6+$0xFFFFFFC0]  }
0x2e2: {  	v15 =	vld [tilespmem:s6+$0xFFFFFFD0];
	v7 =	vmul.f32 $5.000000000e-01, v6  }
0x2e3: {  	v14 =	vld [tilespmem:s6+$0xFFFFFFE0];
	vm0 =	vgt.f32 v19, v4;
	v11 =	vmul.f32 $5.000000000e-01, v19;
	vm2 =	vgt.f32 v6, v4  }
0x2e4: {  	p4 =	por $0x0, $0x0;
	v1 =	vld [tilespmem:s6+$0xFFFFFFF0];
	s2 =	sadd.s32 $0x400, s6;
	vm1 =	vgt.f32 v8, v4;
	v12 =	vmul.f32 $5.000000000e-01, v8;
	v18 =	vsel vm2, v7, v6  }
0x2e5: {  	v20 =	vld [tilespmem:s2+$0x0]  }
0x2e6: {  	v6 =	vld [tilespmem:s2+$0xFFFFFFA0];
	v10 =	vsel vm0, v11, v19;
	v13 =	vmul.f32 $5.000000000e-01, v5  }
0x2e7: {  	vm2 =	vgt.f32 v16, v4;
	v9 =	vmul.f32 $5.000000000e-01, v16;
	[tilespmem:s6+$0xFFFFFFA0] =	vst v10;
	v10 =	vsel vm1, v12, v8  }
0x2e8: {  	[tilespmem:s6+$0x0] =	vst v18;
	v7 =	vld [tilespmem:s2+$0xFFFFFFB0];
	p5 =	sgt.s32 s20, $0x100;
	vm0 =	vgt.f32 v15, v4;
	v11 =	vmul.f32 $5.000000000e-01, v15;
	vm1 =	vgt.f32 v14, v4  }
.Ltmp68:
0x2e9: {  	v8 =	vld [tilespmem:s2+$0xFFFFFFC0];
	[tilespmem:s6+$0xFFFFFFB0] =	vst v10;
	v12 =	vmul.f32 $5.000000000e-01, v14;
	v10 =	vsel vm2, v9, v16;
	vm2 =	vgt.f32 v5, v4;
	(pc) =	sbr.rel @!p5 .LBB2_125-.Ltmp68, $4  }
0x2ea: {  	v9 =	vld [tilespmem:s2+$0xFFFFFFD0];
	vm3 =	vgt.f32 v1, v4;
	v16 =	vmul.f32 $5.000000000e-01, v1;
	[tilespmem:s6+$0xFFFFFFC0] =	vst v10;
	v11 =	vsel vm0, v11, v15  }
0x2eb: {  	v10 =	vld [tilespmem:s2+$0xFFFFFFE0];
	v15 =	vmul.f32 $5.000000000e-01, v20;
	[tilespmem:s6+$0xFFFFFFD0] =	vst v11;
	v12 =	vsel vm1, v12, v14;
	vm0 =	vgt.f32 v6, v4  }
0x2ec: {  	v11 =	vmul.f32 $5.000000000e-01, v6;
	v14 =	vsel vm3, v16, v1;
	v1 =	vld [tilespmem:s2+$0xFFFFFFF0];
	vm3 =	vgt.f32 v20, v4;
	[tilespmem:s6+$0xFFFFFFE0] =	vst v12  }
0x2ed: {  	s1 =	simm.s32 $0x100;
	v17 =	vld [tilespmem:s2+$0xFFFFFF90];
	s3 =	sadd.s32 $0x400, s2;
	p4 =	por $0x1, $0x1;
	vm1 =	vgt.f32 v7, v4;
	v12 =	vmul.f32 $5.000000000e-01, v7;
	v18 =	vsel vm3, v15, v20;
	[tilespmem:s6+$0xFFFFFFF0] =	vst v14  }
.LBB2_126:
0x2ee: {  	v14 =	vld [tilespmem:s3+$0x0];
	s1 =	sadd.s32 $0x80, s1;
	vm3 =	vgt.f32 v8, v4;
	v15 =	vmul.f32 $5.000000000e-01, v8;
	[tilespmem:s2+$0x0] =	vst v18;
	v5 =	vsel vm2, v13, v5  }
0x2ef: {  	v11 =	vsel vm0, v11, v6;
	p5 =	slt.s32 s1, s20;
	v6 =	vld [tilespmem:s3+$0xFFFFFFA0];
	vm0 =	vgt.f32 v9, v4;
	v16 =	vmul.f32 $5.000000000e-01, v9;
	[tilespmem:s6+$0xFFFFFF90] =	vst v5;
	s6 =	smov.u32 s2;
	s2 =	smov.u32 s3  }
0x2f0: {  	v19 =	vsel vm1, v12, v7;
	[tilespmem:s6+$0xFFFFFFA0] =	vst v11;
	v7 =	vld [tilespmem:s3+$0xFFFFFFB0];
	vm1 =	vgt.f32 v10, v4;
	v11 =	vmul.f32 $5.000000000e-01, v10  }
.Ltmp69:
0x2f1: {  	v18 =	vsel vm3, v15, v8;
	[tilespmem:s6+$0xFFFFFFB0] =	vst v19;
	v8 =	vld [tilespmem:s3+$0xFFFFFFC0];
	vm3 =	vgt.f32 v1, v4;
	v12 =	vmul.f32 $5.000000000e-01, v1;
	(pc) =	sbr.rel @p5 .LBB2_126-.Ltmp69, $4  }
0x2f2: {  	v15 =	vsel vm0, v16, v9;
	vm2 =	vgt.f32 v17, v4;
	v13 =	vmul.f32 $5.000000000e-01, v17;
	[tilespmem:s6+$0xFFFFFFC0] =	vst v18;
	v9 =	vld [tilespmem:s3+$0xFFFFFFD0];
	v5 =	vmovc v17  }
0x2f3: {  	v16 =	vmul.f32 $5.000000000e-01, v14;
	[tilespmem:s6+$0xFFFFFFD0] =	vst v15;
	v15 =	vsel vm1, v11, v10;
	v10 =	vld [tilespmem:s3+$0xFFFFFFE0];
	v19 =	vsel vm3, v12, v1  }
0x2f4: {  	vm3 =	vgt.f32 v14, v4;
	vm0 =	vgt.f32 v6, v4;
	v11 =	vmul.f32 $5.000000000e-01, v6;
	v1 =	vld [tilespmem:s3+$0xFFFFFFF0];
	[tilespmem:s6+$0xFFFFFFE0] =	vst v15  }
0x2f5: {  	s3 =	sadd.s32 $0x400, s3;
	v17 =	vld [tilespmem:s2+$0xFFFFFF90];
	vm1 =	vgt.f32 v7, v4;
	v12 =	vmul.f32 $5.000000000e-01, v7;
	v18 =	vsel vm3, v16, v14;
	[tilespmem:s6+$0xFFFFFFF0] =	vst v19  }
0x2f6: {  	_ =	sdelay $0x2  }
0x2f7: {  	v20 =	vmov v5;
	v16 =	vmov v8  }
0x2f8: {  	v19 =	vmovc v6;
	v8 =	vmovc v7;
	v15 =	vmov v9;
	v14 =	vmov v10;
	v5 =	vmov v17  }
.LBB2_128:
0x2f9: {  	[tilespmem:s2+$0x0] =	vst v18;
	v6 =	vsel @p4 vm2, v13, v20  }
0x2fa: {  	v7 =	vmul.f32 $5.000000000e-01, v16;
	v9 =	vsel vm0, v11, v19;
	[tilespmem:s6+$0xFFFFFF90] =	vst @p4 v6  }
0x2fb: {  	vm11 =	vgt.f32 v16, v4;
	v8 =	vsel vm1, v12, v8;
	v63 =	vmul.f32 $5.000000000e-01, v1;
	[tilespmem:s2+$0xFFFFFFA0] =	vst v9  }
0x2fc: {  	vm14 =	vgt.f32 v1, v4;
	v6 =	vmul.f32 $5.000000000e-01, v15;
	[tilespmem:s2+$0xFFFFFFB0] =	vst v8;
	v7 =	vsel vm11, v7, v16  }
0x2fd: {  	vm12 =	vgt.f32 v15, v4;
	v62 =	vmul.f32 $5.000000000e-01, v14;
	v1 =	vsel vm14, v63, v1;
	[tilespmem:s2+$0xFFFFFFC0] =	vst v7  }
0x2fe: {  	vm13 =	vgt.f32 v14, v4;
	v6 =	vsel vm12, v6, v15;
	v7 =	vmul.f32 $5.000000000e-01, v5;
	[tilespmem:s2+$0xFFFFFFF0] =	vst v1  }
0x2ff: {  	vm15 =	vgt.f32 v5, v4;
	[tilespmem:s2+$0xFFFFFFD0] =	vst v6;
	v6 =	vsel vm13, v62, v14  }
0x300: {  	[tilespmem:s2+$0xFFFFFFE0] =	vst v6;
	v1 =	vsel vm15, v7, v5  }
0x301: {  	[tilespmem:s2+$0xFFFFFF90] =	vst v1  }
.LBB2_118:
.Ltmp70:
0x302: {  	(pc) =	sbr.rel @p1 .LBB2_121-.Ltmp70, $1  }
0x303: {  	_ =	sdelay $0x3  }
0x304: {  	s1 =	sand.u32 $0xFFFFFC00, s17;
	s2 =	smov.u32 s20  }
.LBB2_120:
0x305: {  	s3 =	sand.u32 $0xFFFFFC00, s1  }
0x306: {  	s4 =	sand.u32 $0x70, s2;
	s3 =	sadd.s32 s3, s15  }
0x307: {  	s3 =	sadd.s32 s4, s3  }
0x308: {  	v1 =	vld [tilespmem:s3+$0x280];
	_ =	sdelay $0x1  }
0x309: {  	s2 =	sadd.s32 $0x10, s2  }
0x30a: {  	p4 =	slt.s32 s2, s19  }
.Ltmp71:
0x30b: {  	_ = 	snop;
	(pc) =	sbr.rel @p4 .LBB2_120-.Ltmp71, $4  }
0x30c: {  	v5 =	vmul.f32 $5.000000000e-01, v1  }
0x30d: {  	vm0 =	vgt.f32 v1, v4  }
0x30e: {  	v1 =	vsel vm0, v5, v1  }
0x30f: {  	s1 =	sadd.s32 $0x80, s1;
	[tilespmem:s3+$0x280] =	vst v1  }
.LBB2_121:
.Ltmp72:
0x310: {  	(pc) =	sbr.rel @p2 .LBB2_129-.Ltmp72, $1  }
0x311: {  	_ =	sdelay $0x3  }
0x312: {  	s2 =	rddreg [dreg:$0xf]  }
0x313: {  	s4 =	rddreg [dreg:$0xb]  }
0x314: {  	s5 =	rddreg [dreg:$0xc]  }
0x315: {  	s6 =	rddreg [dreg:$0xd]  }
0x316: {  	s1 =	sadd.s32 $0x60, s19;
	s3 =	sadd.s32 $0x70, s19;
	s7 =	rddreg [dreg:$0xe]  }
0x317: {  	s14 =	sadd.s32 s18, s15;
	s25 =	sadd.s32 $0x400, s17;
	p4 =	por $0x0, $0x0  }
0x318: {  	s2 =	sand.u32 $0x70, s2;
	s1 =	sand.u32 $0x70, s1;
	s4 =	sadd.s32 s4, s15  }
0x319: {  	s3 =	sand.u32 $0x70, s3;
	s5 =	sadd.s32 s5, s15;
	v11 =	vmov s14;
	v9 =	vmov s4;
	s4 =	sadd.s32 $0x80, s22  }
0x31a: {  	s6 =	sadd.s32 s6, s15;
	s3 =	sadd.s32 s3, s15;
	p5 =	slt.u32 s4, s21  }
.Ltmp73:
0x31b: {  	s7 =	sadd.s32 s7, s15;
	s1 =	sadd.s32 s1, s15;
	v10 =	vmov s3;
	(pc) =	sbr.rel @!p5 .LBB2_123-.Ltmp73, $4  }
0x31c: {  	s26 =	sadd.s32 $0xFFFFFC80, s25;
	s31 =	sadd.s32 $0xFFFFFF80, s25;
	s2 =	sadd.s32 s2, s15;
	v6 =	vmov s1  }
0x31d: {  	s14 =	sand.u32 $0xFFFFFC00, s25;
	s28 =	sadd.s32 $0xFFFFFF00, s25;
	s29 =	sadd.s32 $0xFFFFFD00, s25;
	v8 =	vmov s2  }
0x31e: {  	v1 =	vmov s5;
	v7 =	vmov s7;
	s13 =	sand.u32 $0xFFFFFC00, s26;
	s26 =	sadd.s32 $0xFFFFFE80, s25;
	s11 =	sand.u32 $0xFFFFFC00, s31;
	v12 =	vld.idx.msk [tilespmem:v11+s14+$0x280 ss:$0x1], $0xffff  }
0x31f: {  	v5 =	vmov s6;
	s3 =	sadd.s32 $0xFFFFFE00, s25;
	s1 =	sadd.s32 $0x400, s25;
	s25 =	sadd.s32 $0xFFFFFD80, s25;
	v13 =	vld.idx.msk [tilespmem:v9+s13+$0x280 ss:$0x1], $0xffff  }
0x320: {  	_ =	sdelay $0x3  }
0x321: {  	s6 =	sand.u32 $0xFFFFFC00, s28;
	v21 =	vld.idx.msk [tilespmem:v10+s11+$0x280 ss:$0x1], $0xffff  }
0x322: {  	s9 =	sand.u32 $0xFFFFFC00, s26;
	v17 =	vld.idx.msk [tilespmem:v6+s6+$0x280 ss:$0x1], $0xffff  }
0x323: {  	s2 =	sand.u32 $0xFFFFFC00, s29;
	v16 =	vld.idx.msk [tilespmem:v8+s9+$0x280 ss:$0x1], $0xffff  }
0x324: {  	s7 =	sadd.s32 $0x80, s4;
	v18 =	vld.idx.msk [tilespmem:v1+s2+$0x280 ss:$0x1], $0xffff  }
0x325: {  	s10 =	sand.u32 $0xFFFFFC00, s3;
	p5 =	slt.u32 s7, s21;
	v19 =	vmul.f32 $5.000000000e-01, v12  }
.Ltmp74:
0x326: {  	s8 =	sand.u32 $0xFFFFFC00, s25;
	v14 =	vld.idx.msk [tilespmem:v7+s10+$0x280 ss:$0x1], $0xffff;
	vm0 =	vgt.f32 v12, v4;
	v20 =	vmul.f32 $5.000000000e-01, v13;
	(pc) =	sbr.rel @!p5 .LBB2_136-.Ltmp74, $4  }
0x327: {  	s3 =	sadd.s32 $0xFFFFFE00, s1;
	s4 =	sadd.s32 $0x400, s1;
	s12 =	sadd.s32 $0xFFFFFC80, s1;
	v15 =	vld.idx.msk [tilespmem:v5+s8+$0x280 ss:$0x1], $0xffff;
	vm1 =	vgt.f32 v13, v4;
	v12 =	vsel vm0, v19, v12  }
0x328: {  	s31 =	sadd.s32 $0xFFFFFF80, s1;
	s5 =	sand.u32 $0xFFFFFC00, s1;
	s26 =	sadd.s32 $0xFFFFFE80, s1;
	v22 =	vmul.f32 $5.000000000e-01, v21;
	vm2 =	vgt.f32 v21, v4;
	v13 =	vsel vm1, v20, v13  }
0x329: {  	s28 =	sadd.s32 $0xFFFFFF00, s1;
	s29 =	sadd.s32 $0xFFFFFD00, s1;
	s12 =	sand.u32 $0xFFFFFC00, s12;
	vm0 =	vgt.f32 v17, v4;
	[tilespmem:v11+s14+$0x280 ss:$0x1] =	vst.idx.msk $0xffff, v12;
	v12 =	vld.idx.msk [tilespmem:v11+s5+$0x280 ss:$0x1], $0xffff;
	v20 =	vmul.f32 $5.000000000e-01, v16;
	v19 =	vmul.f32 $5.000000000e-01, v18  }
0x32a: {  	s25 =	sadd.s32 $0xFFFFFD80, s1;
	p4 =	por $0x1, $0x1;
	s1 =	sand.u32 $0xFFFFFC00, s31;
	vm1 =	vgt.f32 v16, v4;
	[tilespmem:v9+s13+$0x280 ss:$0x1] =	vst.idx.msk $0xffff, v13;
	v13 =	vld.idx.msk [tilespmem:v9+s12+$0x280 ss:$0x1], $0xffff;
	v21 =	vsel vm2, v22, v21  }
.LBB2_137:
0x32b: {  	s13 =	sand.u32 $0xFFFFFC00, s29;
	s14 =	sand.u32 $0xFFFFFC00, s26;
	s26 =	sand.u32 $0xFFFFFC00, s28;
	v22 =	vld.idx.msk [tilespmem:v10+s1+$0x280 ss:$0x1], $0xffff;
	v23 =	vmul.f32 $5.000000000e-01, v14;
	v20 =	vsel vm1, v20, v16;
	v24 =	vmul.f32 $5.000000000e-01, v17;
	[tilespmem:v10+s11+$0x280 ss:$0x1] =	vst.idx.msk $0xffff, v21  }
0x32c: {  	s25 =	sand.u32 $0xFFFFFC00, s25;
	s11 =	sand.u32 $0xFFFFFC00, s3;
	s3 =	sadd.s32 $0xFFFFFE00, s4;
	vm1 =	vgt.f32 v18, v4;
	v25 =	vmul.f32 $5.000000000e-01, v15;
	vm2 =	vgt.f32 v14, v4;
	v21 =	vld.idx.msk [tilespmem:v6+s26+$0x280 ss:$0x1], $0xffff  }
0x32d: {  	s7 =	sadd.s32 $0x80, s7;
	vm3 =	vgt.f32 v15, v4;
	v16 =	vld.idx.msk [tilespmem:v8+s14+$0x280 ss:$0x1], $0xffff;
	v14 =	vsel vm2, v23, v14;
	[tilespmem:v8+s9+$0x280 ss:$0x1] =	vst.idx.msk $0xffff, v20;
	s9 =	smov.u32 s14;
	s14 =	smov.u32 s4  }
0x32e: {  	p5 =	slt.u32 s7, s21;
	v20 =	vsel vm3, v25, v15;
	v15 =	vsel vm0, v24, v17;
	v23 =	vld.idx.msk [tilespmem:v1+s13+$0x280 ss:$0x1], $0xffff;
	[tilespmem:v7+s10+$0x280 ss:$0x1] =	vst.idx.msk $0xffff, v14;
	s10 =	smov.u32 s11;
	s11 =	smov.u32 s1  }
0x32f: {  	v18 =	vsel vm1, v19, v18;
	v17 =	vmul.f32 $5.000000000e-01, v12;
	v14 =	vld.idx.msk [tilespmem:v7+s10+$0x280 ss:$0x1], $0xffff;
	[tilespmem:v6+s6+$0x280 ss:$0x1] =	vst.idx.msk $0xffff, v15;
	s6 =	smov.u32 s26  }
.Ltmp75:
0x330: {  	vm0 =	vgt.f32 v12, v4;
	v19 =	vmul.f32 $5.000000000e-01, v13;
	v15 =	vld.idx.msk [tilespmem:v5+s25+$0x280 ss:$0x1], $0xffff;
	[tilespmem:v5+s8+$0x280 ss:$0x1] =	vst.idx.msk $0xffff, v20;
	s8 =	smov.u32 s25;
	(pc) =	sbr.rel @p5 .LBB2_137-.Ltmp75, $4  }
0x331: {  	s4 =	sadd.s32 $0x400, s4;
	vm1 =	vgt.f32 v13, v4;
	v12 =	vsel vm0, v17, v12;
	[tilespmem:v1+s2+$0x280 ss:$0x1] =	vst.idx.msk $0xffff, v18;
	s2 =	smov.u32 s13  }
0x332: {  	s1 =	sadd.s32 $0xFFFFFC80, s14;
	v24 =	vmul.f32 $5.000000000e-01, v22;
	s13 =	sadd.s32 $0xFFFFFF80, s14;
	v13 =	vsel vm1, v19, v13;
	vm0 =	vgt.f32 v21, v4;
	[tilespmem:v11+s5+$0x280 ss:$0x1] =	vst.idx.msk $0xffff, v12;
	s5 =	sand.u32 $0xFFFFFC00, s14  }
0x333: {  	s28 =	sadd.s32 $0xFFFFFF00, s14;
	s26 =	sadd.s32 $0xFFFFFE80, s14;
	vm2 =	vgt.f32 v22, v4;
	v20 =	vmul.f32 $5.000000000e-01, v16;
	v17 =	vmov v21;
	v12 =	vld.idx.msk [tilespmem:v11+s5+$0x280 ss:$0x1], $0xffff;
	[tilespmem:v9+s12+$0x280 ss:$0x1] =	vst.idx.msk $0xffff, v13;
	s12 =	sand.u32 $0xFFFFFC00, s1  }
0x334: {  	s29 =	sadd.s32 $0xFFFFFD00, s14;
	s25 =	sadd.s32 $0xFFFFFD80, s14;
	vm1 =	vgt.f32 v16, v4;
	v21 =	vsel vm2, v24, v22;
	s1 =	sand.u32 $0xFFFFFC00, s13;
	v19 =	vmul.f32 $5.000000000e-01, v23;
	v18 =	vmovc v23;
	v13 =	vld.idx.msk [tilespmem:v9+s12+$0x280 ss:$0x1], $0xffff  }
0x335: {  	s14 =	smov.u32 s5;
	s13 =	smov.u32 s12  }
.LBB2_139:
0x336: {  	_ =	sdelay $0x3  }
0x337: {  	s4 =	sand.u32 $0xFFFFFC00, s28;
	v22 =	vld.idx.msk [tilespmem:v10+s1+$0x280 ss:$0x1], $0xffff  }
0x338: {  	s5 =	sand.u32 $0xFFFFFC00, s26;
	v24 =	vld.idx.msk [tilespmem:v6+s4+$0x280 ss:$0x1], $0xffff  }
0x339: {  	v16 =	vsel @p4 vm1, v20, v16;
	s7 =	sand.u32 $0xFFFFFC00, s29;
	v50 =	vld.idx.msk [tilespmem:v8+s5+$0x280 ss:$0x1], $0xffff  }
0x33a: {  	v23 =	vmul.f32 @p4 $5.000000000e-01, v14;
	v20 =	vmul.f32 @p4 $5.000000000e-01, v17;
	[tilespmem:v10+s11+$0x280 ss:$0x1] =	vst.idx.msk @p4 $0xffff, v21;
	vm1 =	vgt.f32 @p4 v18, v4;
	s3 =	sand.u32 $0xFFFFFC00, s3;
	v51 =	vld.idx.msk [tilespmem:v1+s7+$0x280 ss:$0x1], $0xffff  }
0x33b: {  	vm2 =	vgt.f32 @p4 v14, v4;
	s31 =	sand.u32 $0xFFFFFC00, s25;
	[tilespmem:v8+s9+$0x280 ss:$0x1] =	vst.idx.msk @p4 $0xffff, v16;
	v52 =	vld.idx.msk [tilespmem:v7+s3+$0x280 ss:$0x1], $0xffff;
	v18 =	vsel @p4 vm1, v19, v18  }
0x33c: {  	v25 =	vmul.f32 @p4 $5.000000000e-01, v15;
	v55 =	vld.idx.msk [tilespmem:v5+s31+$0x280 ss:$0x1], $0xffff;
	v14 =	vsel @p4 vm2, v23, v14;
	[tilespmem:v1+s2+$0x280 ss:$0x1] =	vst.idx.msk @p4 $0xffff, v18  }
0x33d: {  	vm2 =	vgt.f32 @p4 v15, v4;
	v53 =	vmul.f32 $5.000000000e-01, v12;
	[tilespmem:v7+s10+$0x280 ss:$0x1] =	vst.idx.msk @p4 $0xffff, v14;
	v14 =	vsel @p4 vm0, v20, v17  }
0x33e: {  	vm8 =	vgt.f32 v12, v4;
	v15 =	vsel @p4 vm2, v25, v15;
	v54 =	vmul.f32 $5.000000000e-01, v13;
	[tilespmem:v6+s6+$0x280 ss:$0x1] =	vst.idx.msk @p4 $0xffff, v14  }
0x33f: {  	vm9 =	vgt.f32 v13, v4;
	[tilespmem:v5+s8+$0x280 ss:$0x1] =	vst.idx.msk @p4 $0xffff, v15;
	v12 =	vsel vm8, v53, v12;
	v56 =	vmul.f32 $5.000000000e-01, v22  }
0x340: {  	v13 =	vsel vm9, v54, v13;
	[tilespmem:v11+s14+$0x280 ss:$0x1] =	vst.idx.msk $0xffff, v12;
	vm10 =	vgt.f32 v22, v4;
	v57 =	vmul.f32 $5.000000000e-01, v50  }
0x341: {  	[tilespmem:v9+s13+$0x280 ss:$0x1] =	vst.idx.msk $0xffff, v13;
	vm11 =	vgt.f32 v50, v4;
	v59 =	vmul.f32 $5.000000000e-01, v52;
	v58 =	vsel vm10, v56, v22  }
0x342: {  	vm12 =	vgt.f32 v52, v4;
	v61 =	vmul.f32 $5.000000000e-01, v55;
	v11 =	vsel vm11, v57, v50;
	[tilespmem:v10+s1+$0x280 ss:$0x1] =	vst.idx.msk $0xffff, v58  }
0x343: {  	v60 =	vmul.f32 $5.000000000e-01, v24;
	vm14 =	vgt.f32 v55, v4;
	v62 =	vsel vm12, v59, v52;
	[tilespmem:v8+s5+$0x280 ss:$0x1] =	vst.idx.msk $0xffff, v11  }
0x344: {  	vm13 =	vgt.f32 v24, v4;
	v63 =	vmul.f32 $5.000000000e-01, v51;
	v9 =	vsel vm14, v61, v55;
	[tilespmem:v7+s3+$0x280 ss:$0x1] =	vst.idx.msk $0xffff, v62  }
0x345: {  	vm15 =	vgt.f32 v51, v4;
	v7 =	vsel vm13, v60, v24;
	[tilespmem:v5+s31+$0x280 ss:$0x1] =	vst.idx.msk $0xffff, v9  }
0x346: {  	[tilespmem:v6+s4+$0x280 ss:$0x1] =	vst.idx.msk $0xffff, v7;
	v6 =	vsel vm15, v63, v51  }
0x347: {  	[tilespmem:v1+s7+$0x280 ss:$0x1] =	vst.idx.msk $0xffff, v6  }
.LBB2_129:
.Ltmp76:
0x348: {  	(pc) =	sbr.rel @p3 .LBB2_132-.Ltmp76, $1  }
0x349: {  	_ =	sdelay $0x3  }
0x34a: {  	s1 =	sadd.s32 s19, s0;
	s2 =	sshll.u32 s21, $0x3  }
.LBB2_131:
0x34b: {  	s1 =	sadd.s32 $0x10, s1;
	s3 =	sand.u32 $0xFFFFFC00, s2  }
0x34c: {  	s4 =	sand.u32 $0x70, s1;
	s3 =	sadd.s32 s3, s15  }
0x34d: {  	s3 =	sadd.s32 s4, s3  }
0x34e: {  	v1 =	vld [tilespmem:s3+$0x280];
	_ =	sdelay $0x2  }
0x34f: {  	p4 =	slt.u32 s1, $0xFF0  }
.Ltmp77:
0x350: {  	_ = 	snop;
	(pc) =	sbr.rel @p4 .LBB2_131-.Ltmp77, $4  }
0x351: {  	v5 =	vmul.f32 $5.000000000e-01, v1  }
0x352: {  	vm0 =	vgt.f32 v1, v4  }
0x353: {  	v1 =	vsel vm0, v5, v1  }
0x354: {  	s2 =	sadd.s32 $0x80, s2;
	[tilespmem:s3+$0x280] =	vst v1  }
.LBB2_132:
0x355: {  	v1 =	vld [tilespmem:s16+$0x300];
	_ =	sdelay $0x2  }
0x356: {  	s1 =	sor.u32 $0x6, s30  }
.Ltmp78:
0x357: {  	vm1 =	vne.s32 v3, v0;
	v3 =	vmov s1;
	(pc) =	sbr.rel @p0 .LBB2_140-.Ltmp78, $4  }
0x358: {  	vm0 =	vgt.f32 v2, v4;
	v4 =	vmul.f32 $5.000000000e-01, v2;
	v5 =	vperm.xlane v1, v3  }
0x359: {  	vm0 =	vmand vm1, vm0  }
0x35a: {  	v2 =	vsel vm0, v4, v2;
	v4 =	vmul.f32 $9.499999880e-01, v5  }
0x35b: {  	[tilespmem:s16+$0x280] =	vst v2  }
0x35c: {  	s6 =	sadd.s32 $0x370, s15  }
0x35d: {  	v6 =	vld [tilespmem:s6+$0x0]  }
0x35e: {  	v19 =	vld [tilespmem:s6+$0xFFFFFFA0]  }
0x35f: {  	p5 =	sgt.s32 s20, $0x80;
	v8 =	vld [tilespmem:s6+$0xFFFFFFB0]  }
.Ltmp79:
0x360: {  	v5 =	vld [tilespmem:s6+$0xFFFFFF90];
	(pc) =	sbr.rel @!p5 .LBB2_134-.Ltmp79, $4  }
0x361: {  	v16 =	vld [tilespmem:s6+$0xFFFFFFC0]  }
0x362: {  	v15 =	vld [tilespmem:s6+$0xFFFFFFD0];
	v7 =	vmul.f32 $5.000000000e-01, v6  }
0x363: {  	v14 =	vld [tilespmem:s6+$0xFFFFFFE0];
	vm0 =	vgt.f32 v19, v4;
	v11 =	vmul.f32 $5.000000000e-01, v19;
	vm2 =	vgt.f32 v6, v4  }
0x364: {  	p4 =	por $0x0, $0x0;
	v2 =	vld [tilespmem:s6+$0xFFFFFFF0];
	s2 =	sadd.s32 $0x400, s6;
	vm1 =	vgt.f32 v8, v4;
	v12 =	vmul.f32 $5.000000000e-01, v8;
	v18 =	vsel vm2, v7, v6  }
0x365: {  	v20 =	vld [tilespmem:s2+$0x0]  }
0x366: {  	v6 =	vld [tilespmem:s2+$0xFFFFFFA0];
	v10 =	vsel vm0, v11, v19;
	v13 =	vmul.f32 $5.000000000e-01, v5  }
0x367: {  	vm2 =	vgt.f32 v16, v4;
	v9 =	vmul.f32 $5.000000000e-01, v16;
	[tilespmem:s6+$0xFFFFFFA0] =	vst v10;
	v10 =	vsel vm1, v12, v8  }
0x368: {  	[tilespmem:s6+$0x0] =	vst v18;
	v7 =	vld [tilespmem:s2+$0xFFFFFFB0];
	p5 =	sgt.s32 s20, $0x100;
	vm0 =	vgt.f32 v15, v4;
	v11 =	vmul.f32 $5.000000000e-01, v15;
	vm1 =	vgt.f32 v14, v4  }
.Ltmp80:
0x369: {  	v8 =	vld [tilespmem:s2+$0xFFFFFFC0];
	[tilespmem:s6+$0xFFFFFFB0] =	vst v10;
	v12 =	vmul.f32 $5.000000000e-01, v14;
	v10 =	vsel vm2, v9, v16;
	vm2 =	vgt.f32 v5, v4;
	(pc) =	sbr.rel @!p5 .LBB2_147-.Ltmp80, $4  }
0x36a: {  	v9 =	vld [tilespmem:s2+$0xFFFFFFD0];
	vm3 =	vgt.f32 v2, v4;
	v16 =	vmul.f32 $5.000000000e-01, v2;
	[tilespmem:s6+$0xFFFFFFC0] =	vst v10;
	v11 =	vsel vm0, v11, v15  }
0x36b: {  	v10 =	vld [tilespmem:s2+$0xFFFFFFE0];
	v15 =	vmul.f32 $5.000000000e-01, v20;
	[tilespmem:s6+$0xFFFFFFD0] =	vst v11;
	v12 =	vsel vm1, v12, v14;
	vm0 =	vgt.f32 v6, v4  }
0x36c: {  	v11 =	vmul.f32 $5.000000000e-01, v6;
	v14 =	vsel vm3, v16, v2;
	v2 =	vld [tilespmem:s2+$0xFFFFFFF0];
	vm3 =	vgt.f32 v20, v4;
	[tilespmem:s6+$0xFFFFFFE0] =	vst v12  }
0x36d: {  	s1 =	simm.s32 $0x100;
	v17 =	vld [tilespmem:s2+$0xFFFFFF90];
	s3 =	sadd.s32 $0x400, s2;
	p4 =	por $0x1, $0x1;
	vm1 =	vgt.f32 v7, v4;
	v12 =	vmul.f32 $5.000000000e-01, v7;
	v18 =	vsel vm3, v15, v20;
	[tilespmem:s6+$0xFFFFFFF0] =	vst v14  }
.LBB2_148:
0x36e: {  	v14 =	vld [tilespmem:s3+$0x0];
	s1 =	sadd.s32 $0x80, s1;
	vm3 =	vgt.f32 v8, v4;
	v15 =	vmul.f32 $5.000000000e-01, v8;
	[tilespmem:s2+$0x0] =	vst v18;
	v5 =	vsel vm2, v13, v5  }
0x36f: {  	v11 =	vsel vm0, v11, v6;
	p5 =	slt.s32 s1, s20;
	v6 =	vld [tilespmem:s3+$0xFFFFFFA0];
	vm0 =	vgt.f32 v9, v4;
	v16 =	vmul.f32 $5.000000000e-01, v9;
	[tilespmem:s6+$0xFFFFFF90] =	vst v5;
	s6 =	smov.u32 s2;
	s2 =	smov.u32 s3  }
0x370: {  	v19 =	vsel vm1, v12, v7;
	[tilespmem:s6+$0xFFFFFFA0] =	vst v11;
	v7 =	vld [tilespmem:s3+$0xFFFFFFB0];
	vm1 =	vgt.f32 v10, v4;
	v11 =	vmul.f32 $5.000000000e-01, v10  }
.Ltmp81:
0x371: {  	v18 =	vsel vm3, v15, v8;
	[tilespmem:s6+$0xFFFFFFB0] =	vst v19;
	v8 =	vld [tilespmem:s3+$0xFFFFFFC0];
	vm3 =	vgt.f32 v2, v4;
	v12 =	vmul.f32 $5.000000000e-01, v2;
	(pc) =	sbr.rel @p5 .LBB2_148-.Ltmp81, $4  }
0x372: {  	v15 =	vsel vm0, v16, v9;
	vm2 =	vgt.f32 v17, v4;
	v13 =	vmul.f32 $5.000000000e-01, v17;
	[tilespmem:s6+$0xFFFFFFC0] =	vst v18;
	v9 =	vld [tilespmem:s3+$0xFFFFFFD0];
	v5 =	vmovc v17  }
0x373: {  	v16 =	vmul.f32 $5.000000000e-01, v14;
	[tilespmem:s6+$0xFFFFFFD0] =	vst v15;
	v15 =	vsel vm1, v11, v10;
	v10 =	vld [tilespmem:s3+$0xFFFFFFE0];
	v19 =	vsel vm3, v12, v2  }
0x374: {  	vm3 =	vgt.f32 v14, v4;
	vm0 =	vgt.f32 v6, v4;
	v11 =	vmul.f32 $5.000000000e-01, v6;
	v2 =	vld [tilespmem:s3+$0xFFFFFFF0];
	[tilespmem:s6+$0xFFFFFFE0] =	vst v15  }
0x375: {  	s3 =	sadd.s32 $0x400, s3;
	v17 =	vld [tilespmem:s2+$0xFFFFFF90];
	vm1 =	vgt.f32 v7, v4;
	v12 =	vmul.f32 $5.000000000e-01, v7;
	v18 =	vsel vm3, v16, v14;
	[tilespmem:s6+$0xFFFFFFF0] =	vst v19  }
0x376: {  	_ =	sdelay $0x2  }
0x377: {  	v20 =	vmov v5;
	v16 =	vmov v8  }
0x378: {  	v19 =	vmovc v6;
	v8 =	vmovc v7;
	v15 =	vmov v9;
	v14 =	vmov v10;
	v5 =	vmov v17  }
.LBB2_150:
0x379: {  	[tilespmem:s2+$0x0] =	vst v18;
	v6 =	vsel @p4 vm2, v13, v20  }
0x37a: {  	v7 =	vmul.f32 $5.000000000e-01, v16;
	v9 =	vsel vm0, v11, v19;
	[tilespmem:s6+$0xFFFFFF90] =	vst @p4 v6  }
0x37b: {  	vm11 =	vgt.f32 v16, v4;
	v8 =	vsel vm1, v12, v8;
	v63 =	vmul.f32 $5.000000000e-01, v2;
	[tilespmem:s2+$0xFFFFFFA0] =	vst v9  }
0x37c: {  	vm14 =	vgt.f32 v2, v4;
	v6 =	vmul.f32 $5.000000000e-01, v15;
	[tilespmem:s2+$0xFFFFFFB0] =	vst v8;
	v7 =	vsel vm11, v7, v16  }
0x37d: {  	vm12 =	vgt.f32 v15, v4;
	v62 =	vmul.f32 $5.000000000e-01, v14;
	v2 =	vsel vm14, v63, v2;
	[tilespmem:s2+$0xFFFFFFC0] =	vst v7  }
0x37e: {  	vm13 =	vgt.f32 v14, v4;
	v6 =	vsel vm12, v6, v15;
	v7 =	vmul.f32 $5.000000000e-01, v5;
	[tilespmem:s2+$0xFFFFFFF0] =	vst v2  }
0x37f: {  	vm15 =	vgt.f32 v5, v4;
	[tilespmem:s2+$0xFFFFFFD0] =	vst v6;
	v6 =	vsel vm13, v62, v14  }
0x380: {  	[tilespmem:s2+$0xFFFFFFE0] =	vst v6;
	v2 =	vsel vm15, v7, v5  }
0x381: {  	[tilespmem:s2+$0xFFFFFF90] =	vst v2  }
.LBB2_140:
.Ltmp82:
0x382: {  	(pc) =	sbr.rel @p1 .LBB2_143-.Ltmp82, $1  }
0x383: {  	_ =	sdelay $0x3  }
0x384: {  	s1 =	sand.u32 $0xFFFFFC00, s17;
	s2 =	smov.u32 s20  }
.LBB2_142:
0x385: {  	s3 =	sand.u32 $0xFFFFFC00, s1  }
0x386: {  	s4 =	sand.u32 $0x70, s2;
	s3 =	sadd.s32 s3, s15  }
0x387: {  	s3 =	sadd.s32 s4, s3  }
0x388: {  	v2 =	vld [tilespmem:s3+$0x300];
	_ =	sdelay $0x1  }
0x389: {  	s2 =	sadd.s32 $0x10, s2  }
0x38a: {  	p4 =	slt.s32 s2, s19  }
.Ltmp83:
0x38b: {  	_ = 	snop;
	(pc) =	sbr.rel @p4 .LBB2_142-.Ltmp83, $4  }
0x38c: {  	v5 =	vmul.f32 $5.000000000e-01, v2  }
0x38d: {  	vm0 =	vgt.f32 v2, v4  }
0x38e: {  	v2 =	vsel vm0, v5, v2  }
0x38f: {  	s1 =	sadd.s32 $0x80, s1;
	[tilespmem:s3+$0x300] =	vst v2  }
.LBB2_143:
.Ltmp84:
0x390: {  	(pc) =	sbr.rel @p2 .LBB2_151-.Ltmp84, $1  }
0x391: {  	_ =	sdelay $0x3  }
0x392: {  	s2 =	rddreg [dreg:$0xf]  }
0x393: {  	s4 =	rddreg [dreg:$0xb]  }
0x394: {  	s5 =	rddreg [dreg:$0xc]  }
0x395: {  	s6 =	rddreg [dreg:$0xd]  }
0x396: {  	s1 =	sadd.s32 $0x60, s19;
	s3 =	sadd.s32 $0x70, s19;
	s7 =	rddreg [dreg:$0xe]  }
0x397: {  	s14 =	sadd.s32 s18, s15;
	s25 =	sadd.s32 $0x400, s17;
	p4 =	por $0x0, $0x0  }
0x398: {  	s2 =	sand.u32 $0x70, s2;
	s1 =	sand.u32 $0x70, s1;
	s4 =	sadd.s32 s4, s15  }
0x399: {  	s3 =	sand.u32 $0x70, s3;
	s5 =	sadd.s32 s5, s15;
	v11 =	vmov s14;
	v9 =	vmov s4;
	s4 =	sadd.s32 $0x80, s22  }
0x39a: {  	s6 =	sadd.s32 s6, s15;
	s3 =	sadd.s32 s3, s15;
	p5 =	slt.u32 s4, s21  }
.Ltmp85:
0x39b: {  	s7 =	sadd.s32 s7, s15;
	s1 =	sadd.s32 s1, s15;
	v10 =	vmov s3;
	(pc) =	sbr.rel @!p5 .LBB2_145-.Ltmp85, $4  }
0x39c: {  	s26 =	sadd.s32 $0xFFFFFC80, s25;
	s31 =	sadd.s32 $0xFFFFFF80, s25;
	s2 =	sadd.s32 s2, s15;
	v6 =	vmov s1  }
0x39d: {  	s14 =	sand.u32 $0xFFFFFC00, s25;
	s28 =	sadd.s32 $0xFFFFFF00, s25;
	s29 =	sadd.s32 $0xFFFFFD00, s25;
	v8 =	vmov s2  }
0x39e: {  	v2 =	vmov s5;
	v7 =	vmov s7;
	s13 =	sand.u32 $0xFFFFFC00, s26;
	s26 =	sadd.s32 $0xFFFFFE80, s25;
	s11 =	sand.u32 $0xFFFFFC00, s31;
	v12 =	vld.idx.msk [tilespmem:v11+s14+$0x300 ss:$0x1], $0xffff  }
0x39f: {  	v5 =	vmov s6;
	s3 =	sadd.s32 $0xFFFFFE00, s25;
	s1 =	sadd.s32 $0x400, s25;
	s25 =	sadd.s32 $0xFFFFFD80, s25;
	v13 =	vld.idx.msk [tilespmem:v9+s13+$0x300 ss:$0x1], $0xffff  }
0x3a0: {  	_ =	sdelay $0x3  }
0x3a1: {  	s6 =	sand.u32 $0xFFFFFC00, s28;
	v21 =	vld.idx.msk [tilespmem:v10+s11+$0x300 ss:$0x1], $0xffff  }
0x3a2: {  	s9 =	sand.u32 $0xFFFFFC00, s26;
	v17 =	vld.idx.msk [tilespmem:v6+s6+$0x300 ss:$0x1], $0xffff  }
0x3a3: {  	s2 =	sand.u32 $0xFFFFFC00, s29;
	v16 =	vld.idx.msk [tilespmem:v8+s9+$0x300 ss:$0x1], $0xffff  }
0x3a4: {  	s7 =	sadd.s32 $0x80, s4;
	v18 =	vld.idx.msk [tilespmem:v2+s2+$0x300 ss:$0x1], $0xffff  }
0x3a5: {  	s10 =	sand.u32 $0xFFFFFC00, s3;
	p5 =	slt.u32 s7, s21;
	v19 =	vmul.f32 $5.000000000e-01, v12  }
.Ltmp86:
0x3a6: {  	s8 =	sand.u32 $0xFFFFFC00, s25;
	v14 =	vld.idx.msk [tilespmem:v7+s10+$0x300 ss:$0x1], $0xffff;
	vm0 =	vgt.f32 v12, v4;
	v20 =	vmul.f32 $5.000000000e-01, v13;
	(pc) =	sbr.rel @!p5 .LBB2_158-.Ltmp86, $4  }
0x3a7: {  	s3 =	sadd.s32 $0xFFFFFE00, s1;
	s4 =	sadd.s32 $0x400, s1;
	s12 =	sadd.s32 $0xFFFFFC80, s1;
	v15 =	vld.idx.msk [tilespmem:v5+s8+$0x300 ss:$0x1], $0xffff;
	vm1 =	vgt.f32 v13, v4;
	v12 =	vsel vm0, v19, v12  }
0x3a8: {  	s31 =	sadd.s32 $0xFFFFFF80, s1;
	s5 =	sand.u32 $0xFFFFFC00, s1;
	s26 =	sadd.s32 $0xFFFFFE80, s1;
	v22 =	vmul.f32 $5.000000000e-01, v21;
	vm2 =	vgt.f32 v21, v4;
	v13 =	vsel vm1, v20, v13  }
0x3a9: {  	s28 =	sadd.s32 $0xFFFFFF00, s1;
	s29 =	sadd.s32 $0xFFFFFD00, s1;
	s12 =	sand.u32 $0xFFFFFC00, s12;
	vm0 =	vgt.f32 v17, v4;
	[tilespmem:v11+s14+$0x300 ss:$0x1] =	vst.idx.msk $0xffff, v12;
	v12 =	vld.idx.msk [tilespmem:v11+s5+$0x300 ss:$0x1], $0xffff;
	v20 =	vmul.f32 $5.000000000e-01, v16;
	v19 =	vmul.f32 $5.000000000e-01, v18  }
0x3aa: {  	s25 =	sadd.s32 $0xFFFFFD80, s1;
	p4 =	por $0x1, $0x1;
	s1 =	sand.u32 $0xFFFFFC00, s31;
	vm1 =	vgt.f32 v16, v4;
	[tilespmem:v9+s13+$0x300 ss:$0x1] =	vst.idx.msk $0xffff, v13;
	v13 =	vld.idx.msk [tilespmem:v9+s12+$0x300 ss:$0x1], $0xffff;
	v21 =	vsel vm2, v22, v21  }
.LBB2_159:
0x3ab: {  	s13 =	sand.u32 $0xFFFFFC00, s29;
	s14 =	sand.u32 $0xFFFFFC00, s26;
	s26 =	sand.u32 $0xFFFFFC00, s28;
	v22 =	vld.idx.msk [tilespmem:v10+s1+$0x300 ss:$0x1], $0xffff;
	v23 =	vmul.f32 $5.000000000e-01, v14;
	v20 =	vsel vm1, v20, v16;
	v24 =	vmul.f32 $5.000000000e-01, v17;
	[tilespmem:v10+s11+$0x300 ss:$0x1] =	vst.idx.msk $0xffff, v21  }
0x3ac: {  	s25 =	sand.u32 $0xFFFFFC00, s25;
	s11 =	sand.u32 $0xFFFFFC00, s3;
	s3 =	sadd.s32 $0xFFFFFE00, s4;
	vm1 =	vgt.f32 v18, v4;
	v25 =	vmul.f32 $5.000000000e-01, v15;
	vm2 =	vgt.f32 v14, v4;
	v21 =	vld.idx.msk [tilespmem:v6+s26+$0x300 ss:$0x1], $0xffff  }
0x3ad: {  	s7 =	sadd.s32 $0x80, s7;
	vm3 =	vgt.f32 v15, v4;
	v16 =	vld.idx.msk [tilespmem:v8+s14+$0x300 ss:$0x1], $0xffff;
	v14 =	vsel vm2, v23, v14;
	[tilespmem:v8+s9+$0x300 ss:$0x1] =	vst.idx.msk $0xffff, v20;
	s9 =	smov.u32 s14;
	s14 =	smov.u32 s4  }
0x3ae: {  	p5 =	slt.u32 s7, s21;
	v20 =	vsel vm3, v25, v15;
	v15 =	vsel vm0, v24, v17;
	v23 =	vld.idx.msk [tilespmem:v2+s13+$0x300 ss:$0x1], $0xffff;
	[tilespmem:v7+s10+$0x300 ss:$0x1] =	vst.idx.msk $0xffff, v14;
	s10 =	smov.u32 s11;
	s11 =	smov.u32 s1  }
0x3af: {  	v18 =	vsel vm1, v19, v18;
	v17 =	vmul.f32 $5.000000000e-01, v12;
	v14 =	vld.idx.msk [tilespmem:v7+s10+$0x300 ss:$0x1], $0xffff;
	[tilespmem:v6+s6+$0x300 ss:$0x1] =	vst.idx.msk $0xffff, v15;
	s6 =	smov.u32 s26  }
.Ltmp87:
0x3b0: {  	vm0 =	vgt.f32 v12, v4;
	v19 =	vmul.f32 $5.000000000e-01, v13;
	v15 =	vld.idx.msk [tilespmem:v5+s25+$0x300 ss:$0x1], $0xffff;
	[tilespmem:v5+s8+$0x300 ss:$0x1] =	vst.idx.msk $0xffff, v20;
	s8 =	smov.u32 s25;
	(pc) =	sbr.rel @p5 .LBB2_159-.Ltmp87, $4  }
0x3b1: {  	s4 =	sadd.s32 $0x400, s4;
	vm1 =	vgt.f32 v13, v4;
	v12 =	vsel vm0, v17, v12;
	[tilespmem:v2+s2+$0x300 ss:$0x1] =	vst.idx.msk $0xffff, v18;
	s2 =	smov.u32 s13  }
0x3b2: {  	s1 =	sadd.s32 $0xFFFFFC80, s14;
	v24 =	vmul.f32 $5.000000000e-01, v22;
	s13 =	sadd.s32 $0xFFFFFF80, s14;
	v13 =	vsel vm1, v19, v13;
	vm0 =	vgt.f32 v21, v4;
	[tilespmem:v11+s5+$0x300 ss:$0x1] =	vst.idx.msk $0xffff, v12;
	s5 =	sand.u32 $0xFFFFFC00, s14  }
0x3b3: {  	s28 =	sadd.s32 $0xFFFFFF00, s14;
	s26 =	sadd.s32 $0xFFFFFE80, s14;
	vm2 =	vgt.f32 v22, v4;
	v20 =	vmul.f32 $5.000000000e-01, v16;
	v17 =	vmov v21;
	v12 =	vld.idx.msk [tilespmem:v11+s5+$0x300 ss:$0x1], $0xffff;
	[tilespmem:v9+s12+$0x300 ss:$0x1] =	vst.idx.msk $0xffff, v13;
	s12 =	sand.u32 $0xFFFFFC00, s1  }
0x3b4: {  	s29 =	sadd.s32 $0xFFFFFD00, s14;
	s25 =	sadd.s32 $0xFFFFFD80, s14;
	vm1 =	vgt.f32 v16, v4;
	v21 =	vsel vm2, v24, v22;
	s1 =	sand.u32 $0xFFFFFC00, s13;
	v19 =	vmul.f32 $5.000000000e-01, v23;
	v18 =	vmovc v23;
	v13 =	vld.idx.msk [tilespmem:v9+s12+$0x300 ss:$0x1], $0xffff  }
0x3b5: {  	s14 =	smov.u32 s5;
	s13 =	smov.u32 s12  }
.LBB2_161:
0x3b6: {  	_ =	sdelay $0x3  }
0x3b7: {  	s4 =	sand.u32 $0xFFFFFC00, s28;
	v22 =	vld.idx.msk [tilespmem:v10+s1+$0x300 ss:$0x1], $0xffff  }
0x3b8: {  	s5 =	sand.u32 $0xFFFFFC00, s26;
	v24 =	vld.idx.msk [tilespmem:v6+s4+$0x300 ss:$0x1], $0xffff  }
0x3b9: {  	v16 =	vsel @p4 vm1, v20, v16;
	s7 =	sand.u32 $0xFFFFFC00, s29;
	v50 =	vld.idx.msk [tilespmem:v8+s5+$0x300 ss:$0x1], $0xffff  }
0x3ba: {  	v23 =	vmul.f32 @p4 $5.000000000e-01, v14;
	v20 =	vmul.f32 @p4 $5.000000000e-01, v17;
	[tilespmem:v10+s11+$0x300 ss:$0x1] =	vst.idx.msk @p4 $0xffff, v21;
	vm1 =	vgt.f32 @p4 v18, v4;
	s3 =	sand.u32 $0xFFFFFC00, s3;
	v51 =	vld.idx.msk [tilespmem:v2+s7+$0x300 ss:$0x1], $0xffff  }
0x3bb: {  	vm2 =	vgt.f32 @p4 v14, v4;
	s31 =	sand.u32 $0xFFFFFC00, s25;
	[tilespmem:v8+s9+$0x300 ss:$0x1] =	vst.idx.msk @p4 $0xffff, v16;
	v52 =	vld.idx.msk [tilespmem:v7+s3+$0x300 ss:$0x1], $0xffff;
	v18 =	vsel @p4 vm1, v19, v18  }
0x3bc: {  	v25 =	vmul.f32 @p4 $5.000000000e-01, v15;
	v55 =	vld.idx.msk [tilespmem:v5+s31+$0x300 ss:$0x1], $0xffff;
	v14 =	vsel @p4 vm2, v23, v14;
	[tilespmem:v2+s2+$0x300 ss:$0x1] =	vst.idx.msk @p4 $0xffff, v18  }
0x3bd: {  	vm2 =	vgt.f32 @p4 v15, v4;
	v53 =	vmul.f32 $5.000000000e-01, v12;
	[tilespmem:v7+s10+$0x300 ss:$0x1] =	vst.idx.msk @p4 $0xffff, v14;
	v14 =	vsel @p4 vm0, v20, v17  }
0x3be: {  	vm8 =	vgt.f32 v12, v4;
	v15 =	vsel @p4 vm2, v25, v15;
	v54 =	vmul.f32 $5.000000000e-01, v13;
	[tilespmem:v6+s6+$0x300 ss:$0x1] =	vst.idx.msk @p4 $0xffff, v14  }
0x3bf: {  	vm9 =	vgt.f32 v13, v4;
	[tilespmem:v5+s8+$0x300 ss:$0x1] =	vst.idx.msk @p4 $0xffff, v15;
	v12 =	vsel vm8, v53, v12;
	v56 =	vmul.f32 $5.000000000e-01, v22  }
0x3c0: {  	v13 =	vsel vm9, v54, v13;
	[tilespmem:v11+s14+$0x300 ss:$0x1] =	vst.idx.msk $0xffff, v12;
	vm10 =	vgt.f32 v22, v4;
	v57 =	vmul.f32 $5.000000000e-01, v50  }
0x3c1: {  	[tilespmem:v9+s13+$0x300 ss:$0x1] =	vst.idx.msk $0xffff, v13;
	vm11 =	vgt.f32 v50, v4;
	v59 =	vmul.f32 $5.000000000e-01, v52;
	v58 =	vsel vm10, v56, v22  }
0x3c2: {  	vm12 =	vgt.f32 v52, v4;
	v61 =	vmul.f32 $5.000000000e-01, v55;
	v11 =	vsel vm11, v57, v50;
	[tilespmem:v10+s1+$0x300 ss:$0x1] =	vst.idx.msk $0xffff, v58  }
0x3c3: {  	v60 =	vmul.f32 $5.000000000e-01, v24;
	vm14 =	vgt.f32 v55, v4;
	v62 =	vsel vm12, v59, v52;
	[tilespmem:v8+s5+$0x300 ss:$0x1] =	vst.idx.msk $0xffff, v11  }
0x3c4: {  	vm13 =	vgt.f32 v24, v4;
	v63 =	vmul.f32 $5.000000000e-01, v51;
	v9 =	vsel vm14, v61, v55;
	[tilespmem:v7+s3+$0x300 ss:$0x1] =	vst.idx.msk $0xffff, v62  }
0x3c5: {  	vm15 =	vgt.f32 v51, v4;
	v7 =	vsel vm13, v60, v24;
	[tilespmem:v5+s31+$0x300 ss:$0x1] =	vst.idx.msk $0xffff, v9  }
0x3c6: {  	[tilespmem:v6+s4+$0x300 ss:$0x1] =	vst.idx.msk $0xffff, v7;
	v6 =	vsel vm15, v63, v51  }
0x3c7: {  	[tilespmem:v2+s7+$0x300 ss:$0x1] =	vst.idx.msk $0xffff, v6  }
.LBB2_151:
.Ltmp88:
0x3c8: {  	(pc) =	sbr.rel @p3 .LBB2_154-.Ltmp88, $1  }
0x3c9: {  	_ =	sdelay $0x3  }
0x3ca: {  	s0 =	sadd.s32 s19, s0;
	s1 =	sshll.u32 s21, $0x3  }
.LBB2_153:
0x3cb: {  	s0 =	sadd.s32 $0x10, s0;
	s2 =	sand.u32 $0xFFFFFC00, s1  }
0x3cc: {  	s3 =	sand.u32 $0x70, s0;
	s2 =	sadd.s32 s2, s15  }
0x3cd: {  	s2 =	sadd.s32 s3, s2  }
0x3ce: {  	v2 =	vld [tilespmem:s2+$0x300];
	_ =	sdelay $0x2  }
0x3cf: {  	p4 =	slt.u32 s0, $0xFF0  }
.Ltmp89:
0x3d0: {  	_ = 	snop;
	(pc) =	sbr.rel @p4 .LBB2_153-.Ltmp89, $4  }
0x3d1: {  	v5 =	vmul.f32 $5.000000000e-01, v2  }
0x3d2: {  	vm0 =	vgt.f32 v2, v4  }
0x3d3: {  	v2 =	vsel vm0, v5, v2  }
0x3d4: {  	s1 =	sadd.s32 $0x80, s1;
	[tilespmem:s2+$0x300] =	vst v2  }
.LBB2_154:
0x3d5: {  	v2 =	vld [tilespmem:s16+$0x380];
	_ =	sdelay $0x2  }
0x3d6: {  	vm0 =	vgt.f32 v1, v4;
	s0 =	sor.u32 $0x7, s30  }
.Ltmp90:
0x3d7: {  	vm1 =	vne.s32 v3, v0;
	v4 =	vmul.f32 $5.000000000e-01, v1;
	v3 =	vmov s0;
	(pc) =	sbr.rel @p0 .LBB2_162-.Ltmp90, $3  }
0x3d8: {  	vm0 =	vmand vm1, vm0;
	v5 =	vperm.xlane v2, v3  }
0x3d9: {  	v1 =	vsel vm0, v4, v1  }
0x3da: {  	[tilespmem:s16+$0x300] =	vst v1;
	v1 =	vmul.f32 $9.499999880e-01, v5;
	_ =	sdelay $0x1  }
0x3db: {  	s2 =	sadd.s32 $0x3F0, s15  }
0x3dc: {  	v6 =	vld [tilespmem:s2+$0x0]  }
0x3dd: {  	v19 =	vld [tilespmem:s2+$0xFFFFFFA0]  }
0x3de: {  	p4 =	sgt.s32 s20, $0x80;
	v8 =	vld [tilespmem:s2+$0xFFFFFFB0]  }
.Ltmp91:
0x3df: {  	v5 =	vld [tilespmem:s2+$0xFFFFFF90];
	(pc) =	sbr.rel @!p4 .LBB2_156-.Ltmp91, $4  }
0x3e0: {  	v16 =	vld [tilespmem:s2+$0xFFFFFFC0]  }
0x3e1: {  	v15 =	vld [tilespmem:s2+$0xFFFFFFD0];
	v7 =	vmul.f32 $5.000000000e-01, v6  }
0x3e2: {  	v14 =	vld [tilespmem:s2+$0xFFFFFFE0];
	vm0 =	vgt.f32 v19, v1;
	v11 =	vmul.f32 $5.000000000e-01, v19;
	vm2 =	vgt.f32 v6, v1  }
0x3e3: {  	p0 =	por $0x0, $0x0;
	v4 =	vld [tilespmem:s2+$0xFFFFFFF0];
	s0 =	sadd.s32 $0x400, s2;
	vm1 =	vgt.f32 v8, v1;
	v12 =	vmul.f32 $5.000000000e-01, v8;
	v18 =	vsel vm2, v7, v6  }
0x3e4: {  	v20 =	vld [tilespmem:s0+$0x0]  }
0x3e5: {  	v6 =	vld [tilespmem:s0+$0xFFFFFFA0];
	v10 =	vsel vm0, v11, v19;
	v13 =	vmul.f32 $5.000000000e-01, v5  }
0x3e6: {  	vm2 =	vgt.f32 v16, v1;
	v9 =	vmul.f32 $5.000000000e-01, v16;
	[tilespmem:s2+$0xFFFFFFA0] =	vst v10;
	v10 =	vsel vm1, v12, v8  }
0x3e7: {  	[tilespmem:s2+$0x0] =	vst v18;
	v7 =	vld [tilespmem:s0+$0xFFFFFFB0];
	p4 =	sgt.s32 s20, $0x100;
	vm0 =	vgt.f32 v15, v1;
	v11 =	vmul.f32 $5.000000000e-01, v15;
	vm1 =	vgt.f32 v14, v1  }
.Ltmp92:
0x3e8: {  	v8 =	vld [tilespmem:s0+$0xFFFFFFC0];
	[tilespmem:s2+$0xFFFFFFB0] =	vst v10;
	v12 =	vmul.f32 $5.000000000e-01, v14;
	v10 =	vsel vm2, v9, v16;
	vm2 =	vgt.f32 v5, v1;
	(pc) =	sbr.rel @!p4 .LBB2_169-.Ltmp92, $4  }
0x3e9: {  	v9 =	vld [tilespmem:s0+$0xFFFFFFD0];
	vm3 =	vgt.f32 v4, v1;
	v16 =	vmul.f32 $5.000000000e-01, v4;
	[tilespmem:s2+$0xFFFFFFC0] =	vst v10;
	v11 =	vsel vm0, v11, v15  }
0x3ea: {  	v10 =	vld [tilespmem:s0+$0xFFFFFFE0];
	v15 =	vmul.f32 $5.000000000e-01, v20;
	[tilespmem:s2+$0xFFFFFFD0] =	vst v11;
	v12 =	vsel vm1, v12, v14;
	vm0 =	vgt.f32 v6, v1  }
0x3eb: {  	v11 =	vmul.f32 $5.000000000e-01, v6;
	v14 =	vsel vm3, v16, v4;
	v4 =	vld [tilespmem:s0+$0xFFFFFFF0];
	vm3 =	vgt.f32 v20, v1;
	[tilespmem:s2+$0xFFFFFFE0] =	vst v12  }
0x3ec: {  	s1 =	simm.s32 $0x100;
	v17 =	vld [tilespmem:s0+$0xFFFFFF90];
	s3 =	sadd.s32 $0x400, s0;
	p0 =	por $0x1, $0x1;
	vm1 =	vgt.f32 v7, v1;
	v12 =	vmul.f32 $5.000000000e-01, v7;
	v18 =	vsel vm3, v15, v20;
	[tilespmem:s2+$0xFFFFFFF0] =	vst v14  }
.LBB2_170:
0x3ed: {  	v14 =	vld [tilespmem:s3+$0x0];
	s1 =	sadd.s32 $0x80, s1;
	vm3 =	vgt.f32 v8, v1;
	v15 =	vmul.f32 $5.000000000e-01, v8;
	[tilespmem:s0+$0x0] =	vst v18;
	v5 =	vsel vm2, v13, v5  }
0x3ee: {  	v11 =	vsel vm0, v11, v6;
	p4 =	slt.s32 s1, s20;
	v6 =	vld [tilespmem:s3+$0xFFFFFFA0];
	vm0 =	vgt.f32 v9, v1;
	v16 =	vmul.f32 $5.000000000e-01, v9;
	[tilespmem:s2+$0xFFFFFF90] =	vst v5;
	s2 =	smov.u32 s0;
	s0 =	smov.u32 s3  }
0x3ef: {  	v19 =	vsel vm1, v12, v7;
	[tilespmem:s2+$0xFFFFFFA0] =	vst v11;
	v7 =	vld [tilespmem:s3+$0xFFFFFFB0];
	vm1 =	vgt.f32 v10, v1;
	v11 =	vmul.f32 $5.000000000e-01, v10  }
.Ltmp93:
0x3f0: {  	v18 =	vsel vm3, v15, v8;
	[tilespmem:s2+$0xFFFFFFB0] =	vst v19;
	v8 =	vld [tilespmem:s3+$0xFFFFFFC0];
	vm3 =	vgt.f32 v4, v1;
	v12 =	vmul.f32 $5.000000000e-01, v4;
	(pc) =	sbr.rel @p4 .LBB2_170-.Ltmp93, $4  }
0x3f1: {  	v15 =	vsel vm0, v16, v9;
	vm2 =	vgt.f32 v17, v1;
	v13 =	vmul.f32 $5.000000000e-01, v17;
	[tilespmem:s2+$0xFFFFFFC0] =	vst v18;
	v9 =	vld [tilespmem:s3+$0xFFFFFFD0];
	v5 =	vmovc v17  }
0x3f2: {  	v16 =	vmul.f32 $5.000000000e-01, v14;
	[tilespmem:s2+$0xFFFFFFD0] =	vst v15;
	v15 =	vsel vm1, v11, v10;
	v10 =	vld [tilespmem:s3+$0xFFFFFFE0];
	v19 =	vsel vm3, v12, v4  }
0x3f3: {  	vm3 =	vgt.f32 v14, v1;
	vm0 =	vgt.f32 v6, v1;
	v11 =	vmul.f32 $5.000000000e-01, v6;
	v4 =	vld [tilespmem:s3+$0xFFFFFFF0];
	[tilespmem:s2+$0xFFFFFFE0] =	vst v15  }
0x3f4: {  	s3 =	sadd.s32 $0x400, s3;
	v17 =	vld [tilespmem:s0+$0xFFFFFF90];
	vm1 =	vgt.f32 v7, v1;
	v12 =	vmul.f32 $5.000000000e-01, v7;
	v18 =	vsel vm3, v16, v14;
	[tilespmem:s2+$0xFFFFFFF0] =	vst v19  }
0x3f5: {  	_ =	sdelay $0x2  }
0x3f6: {  	v20 =	vmov v5;
	v16 =	vmov v8  }
0x3f7: {  	v19 =	vmovc v6;
	v8 =	vmovc v7;
	v15 =	vmov v9;
	v14 =	vmov v10;
	v5 =	vmov v17  }
.LBB2_172:
0x3f8: {  	[tilespmem:s0+$0x0] =	vst v18;
	v6 =	vsel @p0 vm2, v13, v20  }
0x3f9: {  	v7 =	vmul.f32 $5.000000000e-01, v16;
	v9 =	vsel vm0, v11, v19;
	[tilespmem:s2+$0xFFFFFF90] =	vst @p0 v6  }
0x3fa: {  	vm11 =	vgt.f32 v16, v1;
	v59 =	vmul.f32 $5.000000000e-01, v15;
	v8 =	vsel vm1, v12, v8;
	[tilespmem:s0+$0xFFFFFFA0] =	vst v9  }
0x3fb: {  	vm12 =	vgt.f32 v15, v1;
	v60 =	vmul.f32 $5.000000000e-01, v14;
	[tilespmem:s0+$0xFFFFFFB0] =	vst v8;
	v7 =	vsel vm11, v7, v16  }
0x3fc: {  	vm13 =	vgt.f32 v14, v1;
	v61 =	vmul.f32 $5.000000000e-01, v4;
	v6 =	vsel vm12, v59, v15;
	[tilespmem:s0+$0xFFFFFFC0] =	vst v7  }
0x3fd: {  	vm14 =	vgt.f32 v4, v1;
	v62 =	vmul.f32 $5.000000000e-01, v5;
	v63 =	vsel vm13, v60, v14;
	[tilespmem:s0+$0xFFFFFFD0] =	vst v6  }
0x3fe: {  	vm15 =	vgt.f32 v5, v1;
	v4 =	vsel vm14, v61, v4;
	[tilespmem:s0+$0xFFFFFFE0] =	vst v63  }
0x3ff: {  	[tilespmem:s0+$0xFFFFFFF0] =	vst v4;
	v4 =	vsel vm15, v62, v5  }
0x400: {  	[tilespmem:s0+$0xFFFFFF90] =	vst v4  }
.LBB2_162:
.Ltmp94:
0x401: {  	(pc) =	sbr.rel @p1 .LBB2_165-.Ltmp94, $1  }
0x402: {  	_ =	sdelay $0x3  }
0x403: {  	s0 =	sand.u32 $0xFFFFFC00, s17  }
.LBB2_164:
0x404: {  	s1 =	sand.u32 $0xFFFFFC00, s0  }
0x405: {  	s2 =	sand.u32 $0x70, s20;
	s1 =	sadd.s32 s1, s15  }
0x406: {  	s1 =	sadd.s32 s2, s1  }
0x407: {  	v4 =	vld [tilespmem:s1+$0x380];
	_ =	sdelay $0x1  }
0x408: {  	s20 =	sadd.s32 $0x10, s20  }
0x409: {  	p0 =	slt.s32 s20, s19  }
.Ltmp95:
0x40a: {  	_ = 	snop;
	(pc) =	sbr.rel @p0 .LBB2_164-.Ltmp95, $4  }
0x40b: {  	v5 =	vmul.f32 $5.000000000e-01, v4  }
0x40c: {  	vm0 =	vgt.f32 v4, v1  }
0x40d: {  	v4 =	vsel vm0, v5, v4  }
0x40e: {  	s0 =	sadd.s32 $0x80, s0;
	[tilespmem:s1+$0x380] =	vst v4  }
.LBB2_165:
.Ltmp96:
0x40f: {  	(pc) =	sbr.rel @p2 .LBB2_173-.Ltmp96, $1  }
0x410: {  	_ =	sdelay $0x3  }
0x411: {  	s1 =	rddreg [dreg:$0xf]  }
0x412: {  	s3 =	rddreg [dreg:$0xb]  }
0x413: {  	s4 =	rddreg [dreg:$0xc]  }
0x414: {  	s5 =	rddreg [dreg:$0xd]  }
0x415: {  	s0 =	sadd.s32 $0x60, s19;
	s2 =	sadd.s32 $0x70, s19;
	s6 =	rddreg [dreg:$0xe]  }
0x416: {  	s28 =	sadd.s32 s18, s15;
	s29 =	sadd.s32 $0x400, s17;
	p0 =	por $0x0, $0x0  }
0x417: {  	s1 =	sand.u32 $0x70, s1;
	s0 =	sand.u32 $0x70, s0;
	s4 =	sadd.s32 s4, s15  }
0x418: {  	s2 =	sand.u32 $0x70, s2;
	s3 =	sadd.s32 s3, s15;
	v11 =	vmov s28;
	v4 =	vmov s4;
	s4 =	sadd.s32 $0x80, s22  }
0x419: {  	s5 =	sadd.s32 s5, s15;
	v9 =	vmov s3;
	s2 =	sadd.s32 s2, s15;
	p1 =	slt.u32 s4, s21  }
.Ltmp97:
0x41a: {  	s6 =	sadd.s32 s6, s15;
	s26 =	sadd.s32 s0, s15;
	v10 =	vmov s2;
	(pc) =	sbr.rel @!p1 .LBB2_167-.Ltmp97, $4  }
0x41b: {  	s30 =	sadd.s32 $0xFFFFFC80, s29;
	s31 =	sadd.s32 $0xFFFFFF80, s29;
	s1 =	sadd.s32 s1, s15;
	v6 =	vmov s26  }
0x41c: {  	s13 =	sand.u32 $0xFFFFFC00, s29;
	s17 =	sadd.s32 $0xFFFFFE80, s29;
	s18 =	sadd.s32 $0xFFFFFF00, s29;
	v8 =	vmov s1  }
0x41d: {  	s19 =	sadd.s32 $0xFFFFFD00, s29;
	s14 =	sadd.s32 $0xFFFFFD80, s29;
	v7 =	vmov s6;
	s11 =	sand.u32 $0xFFFFFC00, s30;
	v12 =	vld.idx.msk [tilespmem:v11+s13+$0x380 ss:$0x1], $0xffff  }
0x41e: {  	v5 =	vmov s5;
	s3 =	sadd.s32 $0xFFFFFE00, s29;
	s10 =	sand.u32 $0xFFFFFC00, s31;
	s1 =	sadd.s32 $0x400, s29;
	v13 =	vld.idx.msk [tilespmem:v9+s11+$0x380 ss:$0x1], $0xffff  }
0x41f: {  	_ =	sdelay $0x3  }
0x420: {  	s2 =	sand.u32 $0xFFFFFC00, s18;
	v21 =	vld.idx.msk [tilespmem:v10+s10+$0x380 ss:$0x1], $0xffff  }
0x421: {  	s8 =	sand.u32 $0xFFFFFC00, s17;
	v17 =	vld.idx.msk [tilespmem:v6+s2+$0x380 ss:$0x1], $0xffff  }
0x422: {  	s0 =	sand.u32 $0xFFFFFC00, s19;
	v16 =	vld.idx.msk [tilespmem:v8+s8+$0x380 ss:$0x1], $0xffff  }
0x423: {  	s7 =	sadd.s32 $0x80, s4;
	v18 =	vld.idx.msk [tilespmem:v4+s0+$0x380 ss:$0x1], $0xffff  }
0x424: {  	s9 =	sand.u32 $0xFFFFFC00, s3;
	p1 =	slt.u32 s7, s21;
	v19 =	vmul.f32 $5.000000000e-01, v12  }
.Ltmp98:
0x425: {  	s6 =	sand.u32 $0xFFFFFC00, s14;
	v14 =	vld.idx.msk [tilespmem:v7+s9+$0x380 ss:$0x1], $0xffff;
	vm0 =	vgt.f32 v12, v1;
	v20 =	vmul.f32 $5.000000000e-01, v13;
	(pc) =	sbr.rel @!p1 .LBB2_179-.Ltmp98, $4  }
0x426: {  	s3 =	sadd.s32 $0xFFFFFE00, s1;
	s4 =	sadd.s32 $0x400, s1;
	s12 =	sadd.s32 $0xFFFFFC80, s1;
	v15 =	vld.idx.msk [tilespmem:v5+s6+$0x380 ss:$0x1], $0xffff;
	vm1 =	vgt.f32 v13, v1;
	v12 =	vsel vm0, v19, v12  }
0x427: {  	s20 =	sadd.s32 $0xFFFFFF80, s1;
	s5 =	sand.u32 $0xFFFFFC00, s1;
	s17 =	sadd.s32 $0xFFFFFE80, s1;
	v22 =	vmul.f32 $5.000000000e-01, v21;
	vm2 =	vgt.f32 v21, v1;
	v13 =	vsel vm1, v20, v13  }
0x428: {  	s18 =	sadd.s32 $0xFFFFFF00, s1;
	s19 =	sadd.s32 $0xFFFFFD00, s1;
	s12 =	sand.u32 $0xFFFFFC00, s12;
	vm0 =	vgt.f32 v17, v1;
	[tilespmem:v11+s13+$0x380 ss:$0x1] =	vst.idx.msk $0xffff, v12;
	v12 =	vld.idx.msk [tilespmem:v11+s5+$0x380 ss:$0x1], $0xffff;
	v20 =	vmul.f32 $5.000000000e-01, v16;
	v19 =	vmul.f32 $5.000000000e-01, v18  }
0x429: {  	s14 =	sadd.s32 $0xFFFFFD80, s1;
	p0 =	por $0x1, $0x1;
	s1 =	sand.u32 $0xFFFFFC00, s20;
	vm1 =	vgt.f32 v16, v1;
	[tilespmem:v9+s11+$0x380 ss:$0x1] =	vst.idx.msk $0xffff, v13;
	v13 =	vld.idx.msk [tilespmem:v9+s12+$0x380 ss:$0x1], $0xffff;
	v21 =	vsel vm2, v22, v21  }
.LBB2_180:
0x42a: {  	s11 =	sand.u32 $0xFFFFFC00, s19;
	s13 =	sand.u32 $0xFFFFFC00, s17;
	s17 =	sand.u32 $0xFFFFFC00, s18;
	v22 =	vld.idx.msk [tilespmem:v10+s1+$0x380 ss:$0x1], $0xffff;
	v23 =	vmul.f32 $5.000000000e-01, v14;
	v20 =	vsel vm1, v20, v16;
	v24 =	vmul.f32 $5.000000000e-01, v17;
	[tilespmem:v10+s10+$0x380 ss:$0x1] =	vst.idx.msk $0xffff, v21  }
0x42b: {  	s14 =	sand.u32 $0xFFFFFC00, s14;
	s10 =	sand.u32 $0xFFFFFC00, s3;
	s3 =	sadd.s32 $0xFFFFFE00, s4;
	vm1 =	vgt.f32 v18, v1;
	v25 =	vmul.f32 $5.000000000e-01, v15;
	vm2 =	vgt.f32 v14, v1;
	v21 =	vld.idx.msk [tilespmem:v6+s17+$0x380 ss:$0x1], $0xffff  }
0x42c: {  	s7 =	sadd.s32 $0x80, s7;
	vm3 =	vgt.f32 v15, v1;
	v16 =	vld.idx.msk [tilespmem:v8+s13+$0x380 ss:$0x1], $0xffff;
	v14 =	vsel vm2, v23, v14;
	[tilespmem:v8+s8+$0x380 ss:$0x1] =	vst.idx.msk $0xffff, v20;
	s8 =	smov.u32 s13;
	s13 =	smov.u32 s4  }
0x42d: {  	p1 =	slt.u32 s7, s21;
	v20 =	vsel vm3, v25, v15;
	v15 =	vsel vm0, v24, v17;
	v23 =	vld.idx.msk [tilespmem:v4+s11+$0x380 ss:$0x1], $0xffff;
	[tilespmem:v7+s9+$0x380 ss:$0x1] =	vst.idx.msk $0xffff, v14;
	s9 =	smov.u32 s10;
	s10 =	smov.u32 s1  }
0x42e: {  	v18 =	vsel vm1, v19, v18;
	v17 =	vmul.f32 $5.000000000e-01, v12;
	v14 =	vld.idx.msk [tilespmem:v7+s9+$0x380 ss:$0x1], $0xffff;
	[tilespmem:v6+s2+$0x380 ss:$0x1] =	vst.idx.msk $0xffff, v15;
	s2 =	smov.u32 s17  }
.Ltmp99:
0x42f: {  	vm0 =	vgt.f32 v12, v1;
	v19 =	vmul.f32 $5.000000000e-01, v13;
	v15 =	vld.idx.msk [tilespmem:v5+s14+$0x380 ss:$0x1], $0xffff;
	[tilespmem:v5+s6+$0x380 ss:$0x1] =	vst.idx.msk $0xffff, v20;
	s6 =	smov.u32 s14;
	(pc) =	sbr.rel @p1 .LBB2_180-.Ltmp99, $4  }
0x430: {  	s4 =	sadd.s32 $0x400, s4;
	vm1 =	vgt.f32 v13, v1;
	v12 =	vsel vm0, v17, v12;
	[tilespmem:v4+s0+$0x380 ss:$0x1] =	vst.idx.msk $0xffff, v18;
	s0 =	smov.u32 s11  }
0x431: {  	s1 =	sadd.s32 $0xFFFFFC80, s13;
	v24 =	vmul.f32 $5.000000000e-01, v22;
	s11 =	sadd.s32 $0xFFFFFF80, s13;
	v13 =	vsel vm1, v19, v13;
	vm0 =	vgt.f32 v21, v1;
	[tilespmem:v11+s5+$0x380 ss:$0x1] =	vst.idx.msk $0xffff, v12;
	s5 =	sand.u32 $0xFFFFFC00, s13  }
0x432: {  	s18 =	sadd.s32 $0xFFFFFF00, s13;
	s17 =	sadd.s32 $0xFFFFFE80, s13;
	vm2 =	vgt.f32 v22, v1;
	v20 =	vmul.f32 $5.000000000e-01, v16;
	v17 =	vmov v21;
	v12 =	vld.idx.msk [tilespmem:v11+s5+$0x380 ss:$0x1], $0xffff;
	[tilespmem:v9+s12+$0x380 ss:$0x1] =	vst.idx.msk $0xffff, v13;
	s12 =	sand.u32 $0xFFFFFC00, s1  }
0x433: {  	s19 =	sadd.s32 $0xFFFFFD00, s13;
	s14 =	sadd.s32 $0xFFFFFD80, s13;
	vm1 =	vgt.f32 v16, v1;
	v21 =	vsel vm2, v24, v22;
	s1 =	sand.u32 $0xFFFFFC00, s11;
	v19 =	vmul.f32 $5.000000000e-01, v23;
	v18 =	vmovc v23;
	v13 =	vld.idx.msk [tilespmem:v9+s12+$0x380 ss:$0x1], $0xffff  }
0x434: {  	s13 =	smov.u32 s5;
	s11 =	smov.u32 s12  }
.LBB2_182:
0x435: {  	_ =	sdelay $0x3  }
0x436: {  	s4 =	sand.u32 $0xFFFFFC00, s18;
	v22 =	vld.idx.msk [tilespmem:v10+s1+$0x380 ss:$0x1], $0xffff  }
0x437: {  	s5 =	sand.u32 $0xFFFFFC00, s17;
	v24 =	vld.idx.msk [tilespmem:v6+s4+$0x380 ss:$0x1], $0xffff  }
0x438: {  	v16 =	vsel @p0 vm1, v20, v16;
	s7 =	sand.u32 $0xFFFFFC00, s19;
	v48 =	vld.idx.msk [tilespmem:v8+s5+$0x380 ss:$0x1], $0xffff  }
0x439: {  	v23 =	vmul.f32 @p0 $5.000000000e-01, v14;
	v20 =	vmul.f32 @p0 $5.000000000e-01, v17;
	[tilespmem:v10+s10+$0x380 ss:$0x1] =	vst.idx.msk @p0 $0xffff, v21;
	vm1 =	vgt.f32 @p0 v18, v1;
	s3 =	sand.u32 $0xFFFFFC00, s3;
	v49 =	vld.idx.msk [tilespmem:v4+s7+$0x380 ss:$0x1], $0xffff  }
0x43a: {  	vm2 =	vgt.f32 @p0 v14, v1;
	s31 =	sand.u32 $0xFFFFFC00, s14;
	[tilespmem:v8+s8+$0x380 ss:$0x1] =	vst.idx.msk @p0 $0xffff, v16;
	v50 =	vld.idx.msk [tilespmem:v7+s3+$0x380 ss:$0x1], $0xffff;
	v18 =	vsel @p0 vm1, v19, v18  }
0x43b: {  	v25 =	vmul.f32 @p0 $5.000000000e-01, v15;
	v53 =	vld.idx.msk [tilespmem:v5+s31+$0x380 ss:$0x1], $0xffff;
	v14 =	vsel @p0 vm2, v23, v14;
	[tilespmem:v4+s0+$0x380 ss:$0x1] =	vst.idx.msk @p0 $0xffff, v18  }
0x43c: {  	vm2 =	vgt.f32 @p0 v15, v1;
	v51 =	vmul.f32 $5.000000000e-01, v12;
	[tilespmem:v7+s9+$0x380 ss:$0x1] =	vst.idx.msk @p0 $0xffff, v14;
	v14 =	vsel @p0 vm0, v20, v17  }
0x43d: {  	vm8 =	vgt.f32 v12, v1;
	v15 =	vsel @p0 vm2, v25, v15;
	v52 =	vmul.f32 $5.000000000e-01, v13;
	[tilespmem:v6+s2+$0x380 ss:$0x1] =	vst.idx.msk @p0 $0xffff, v14  }
0x43e: {  	vm9 =	vgt.f32 v13, v1;
	[tilespmem:v5+s6+$0x380 ss:$0x1] =	vst.idx.msk @p0 $0xffff, v15;
	v12 =	vsel vm8, v51, v12;
	v54 =	vmul.f32 $5.000000000e-01, v22  }
0x43f: {  	v13 =	vsel vm9, v52, v13;
	[tilespmem:v11+s13+$0x380 ss:$0x1] =	vst.idx.msk $0xffff, v12;
	vm10 =	vgt.f32 v22, v1;
	v55 =	vmul.f32 $5.000000000e-01, v48  }
0x440: {  	[tilespmem:v9+s11+$0x380 ss:$0x1] =	vst.idx.msk $0xffff, v13;
	vm11 =	vgt.f32 v48, v1;
	v57 =	vmul.f32 $5.000000000e-01, v50;
	v56 =	vsel vm10, v54, v22  }
0x441: {  	v58 =	vmul.f32 $5.000000000e-01, v24;
	vm12 =	vgt.f32 v50, v1;
	v11 =	vsel vm11, v55, v48;
	[tilespmem:v10+s1+$0x380 ss:$0x1] =	vst.idx.msk $0xffff, v56  }
0x442: {  	vm13 =	vgt.f32 v24, v1;
	v59 =	vmul.f32 $5.000000000e-01, v53;
	v60 =	vsel vm12, v57, v50;
	[tilespmem:v8+s5+$0x380 ss:$0x1] =	vst.idx.msk $0xffff, v11  }
0x443: {  	v61 =	vmul.f32 $5.000000000e-01, v49;
	vm14 =	vgt.f32 v53, v1;
	v62 =	vsel vm13, v58, v24;
	[tilespmem:v7+s3+$0x380 ss:$0x1] =	vst.idx.msk $0xffff, v60  }
0x444: {  	vm15 =	vgt.f32 v49, v1;
	v9 =	vsel vm14, v59, v53;
	[tilespmem:v6+s4+$0x380 ss:$0x1] =	vst.idx.msk $0xffff, v62  }
0x445: {  	v63 =	vsel vm15, v61, v49;
	[tilespmem:v5+s31+$0x380 ss:$0x1] =	vst.idx.msk $0xffff, v9  }
0x446: {  	[tilespmem:v4+s7+$0x380 ss:$0x1] =	vst.idx.msk $0xffff, v63  }
.LBB2_173:
.Ltmp100:
0x447: {  	(pc) =	sbr.rel @p3 .LBB2_175-.Ltmp100, $2  }
0x448: {  	_ =	sdelay $0x2  }
0x449: {  	s2 =	rddreg [dreg:$0x9]  }
.LBB2_174:
0x44a: {  	s23 =	sadd.s32 $0x10, s23;
	s0 =	sand.u32 $0xFFFFFC00, s24  }
0x44b: {  	s1 =	sand.u32 $0x70, s23;
	s0 =	sadd.s32 s0, s15  }
0x44c: {  	s0 =	sadd.s32 s1, s0  }
0x44d: {  	v4 =	vld [tilespmem:s0+$0x380];
	_ =	sdelay $0x2  }
0x44e: {  	p0 =	slt.u32 s23, $0xFF0  }
.Ltmp101:
0x44f: {  	_ = 	snop;
	(pc) =	sbr.rel @p0 .LBB2_174-.Ltmp101, $4  }
0x450: {  	v5 =	vmul.f32 $5.000000000e-01, v4  }
0x451: {  	vm0 =	vgt.f32 v4, v1  }
0x452: {  	v4 =	vsel vm0, v5, v4  }
0x453: {  	s24 =	sadd.s32 $0x80, s24;
	[tilespmem:s0+$0x380] =	vst v4  }
.Ltmp102:
0x454: {  	_ = 	snop;
	(pc) =	sbr.rel .LBB2_175-.Ltmp102, $1  }
0x455: {  	_ =	sdelay $0x3  }
.LBB2_7:
.Ltmp103:
0x456: {  	(pc) =	sbr.rel .LBB2_18-.Ltmp103, $2  }
0x457: {  	_ =	sdelay $0x2  }
0x458: {  	s2 =	smov.u32 s6  }
.LBB2_13:
.Ltmp104:
0x459: {  	(pc) =	sbr.rel .LBB2_29-.Ltmp104, $2  }
0x45a: {  	_ =	sdelay $0x2  }
0x45b: {  	s11 =	smov.u32 s10  }
.LBB2_24:
.Ltmp105:
0x45c: {  	(pc) =	sbr.rel .LBB2_40-.Ltmp105, $2  }
0x45d: {  	_ =	sdelay $0x2  }
0x45e: {  	s2 =	smov.u32 s6  }
.LBB2_35:
.Ltmp106:
0x45f: {  	(pc) =	sbr.rel .LBB2_51-.Ltmp106, $2  }
0x460: {  	_ =	sdelay $0x2  }
0x461: {  	s11 =	smov.u32 s1  }
.LBB2_46:
.Ltmp107:
0x462: {  	(pc) =	sbr.rel .LBB2_62-.Ltmp107, $2  }
0x463: {  	_ =	sdelay $0x2  }
0x464: {  	s2 =	smov.u32 s6  }
.LBB2_57:
.Ltmp108:
0x465: {  	(pc) =	sbr.rel .LBB2_73-.Ltmp108, $2  }
0x466: {  	_ =	sdelay $0x2  }
0x467: {  	s1 =	smov.u32 s11  }
.LBB2_68:
.Ltmp109:
0x468: {  	(pc) =	sbr.rel .LBB2_84-.Ltmp109, $2  }
0x469: {  	_ =	sdelay $0x2  }
0x46a: {  	s2 =	smov.u32 s6  }
.LBB2_79:
.Ltmp110:
0x46b: {  	(pc) =	sbr.rel .LBB2_95-.Ltmp110, $2  }
0x46c: {  	_ =	sdelay $0x2  }
0x46d: {  	s1 =	smov.u32 s11  }
.LBB2_90:
.Ltmp111:
0x46e: {  	(pc) =	sbr.rel .LBB2_106-.Ltmp111, $2  }
0x46f: {  	_ =	sdelay $0x2  }
0x470: {  	s2 =	smov.u32 s6  }
.LBB2_101:
.Ltmp112:
0x471: {  	(pc) =	sbr.rel .LBB2_117-.Ltmp112, $2  }
0x472: {  	_ =	sdelay $0x2  }
0x473: {  	s1 =	smov.u32 s11  }
.LBB2_112:
.Ltmp113:
0x474: {  	(pc) =	sbr.rel .LBB2_128-.Ltmp113, $2  }
0x475: {  	_ =	sdelay $0x2  }
0x476: {  	s2 =	smov.u32 s6  }
.LBB2_123:
.Ltmp114:
0x477: {  	(pc) =	sbr.rel .LBB2_139-.Ltmp114, $2  }
0x478: {  	_ =	sdelay $0x2  }
0x479: {  	s1 =	smov.u32 s11  }
.LBB2_134:
.Ltmp115:
0x47a: {  	(pc) =	sbr.rel .LBB2_150-.Ltmp115, $2  }
0x47b: {  	_ =	sdelay $0x2  }
0x47c: {  	s2 =	smov.u32 s6  }
.LBB2_145:
.Ltmp116:
0x47d: {  	(pc) =	sbr.rel .LBB2_161-.Ltmp116, $2  }
0x47e: {  	_ =	sdelay $0x2  }
0x47f: {  	s1 =	smov.u32 s11  }
.LBB2_156:
.Ltmp117:
0x480: {  	(pc) =	sbr.rel .LBB2_172-.Ltmp117, $2  }
0x481: {  	_ =	sdelay $0x2  }
0x482: {  	s0 =	smov.u32 s2  }
.LBB2_167:
.Ltmp118:
0x483: {  	(pc) =	sbr.rel .LBB2_182-.Ltmp118, $2  }
0x484: {  	_ =	sdelay $0x2  }
0x485: {  	s1 =	smov.u32 s10  }
.LBB2_15:
.Ltmp119:
0x486: {  	_ = 	snop;
	(pc) =	sbr.rel .LBB2_18-.Ltmp119, $3  }
0x487: {  	_ =	sdelay $0x1  }
0x488: {  	v20 =	vmov v5;
	v16 =	vmov v8  }
0x489: {  	v19 =	vmovc v6;
	v8 =	vmovc v7;
	v15 =	vmov v9;
	v14 =	vmov v10;
	v5 =	vmov v17  }
.LBB2_26:
.Ltmp120:
0x48a: {  	(pc) =	sbr.rel .LBB2_29-.Ltmp120, $2  }
0x48b: {  	_ =	sdelay $0x2  }
0x48c: {  	s12 =	smov.u32 s4;
	s5 =	smov.u32 s13  }
.LBB2_37:
.Ltmp121:
0x48d: {  	_ = 	snop;
	(pc) =	sbr.rel .LBB2_40-.Ltmp121, $3  }
0x48e: {  	_ =	sdelay $0x1  }
0x48f: {  	v20 =	vmov v5;
	v16 =	vmov v8  }
0x490: {  	v19 =	vmovc v6;
	v8 =	vmovc v7;
	v15 =	vmov v9;
	v14 =	vmov v10;
	v5 =	vmov v17  }
.LBB2_48:
.Ltmp122:
0x491: {  	(pc) =	sbr.rel .LBB2_51-.Ltmp122, $2  }
0x492: {  	_ =	sdelay $0x2  }
0x493: {  	s14 =	smov.u32 s5;
	s12 =	smov.u32 s13  }
.LBB2_59:
.Ltmp123:
0x494: {  	_ = 	snop;
	(pc) =	sbr.rel .LBB2_62-.Ltmp123, $3  }
0x495: {  	_ =	sdelay $0x1  }
0x496: {  	v20 =	vmov v5;
	v16 =	vmov v8  }
0x497: {  	v19 =	vmovc v6;
	v8 =	vmovc v7;
	v15 =	vmov v9;
	v14 =	vmov v10;
	v5 =	vmov v17  }
.LBB2_70:
.Ltmp124:
0x498: {  	(pc) =	sbr.rel .LBB2_73-.Ltmp124, $2  }
0x499: {  	_ =	sdelay $0x2  }
0x49a: {  	s14 =	smov.u32 s5;
	s13 =	smov.u32 s12  }
.LBB2_81:
.Ltmp125:
0x49b: {  	_ = 	snop;
	(pc) =	sbr.rel .LBB2_84-.Ltmp125, $3  }
0x49c: {  	_ =	sdelay $0x1  }
0x49d: {  	v20 =	vmov v5;
	v16 =	vmov v8  }
0x49e: {  	v19 =	vmovc v6;
	v8 =	vmovc v7;
	v15 =	vmov v9;
	v14 =	vmov v10;
	v5 =	vmov v17  }
.LBB2_92:
.Ltmp126:
0x49f: {  	(pc) =	sbr.rel .LBB2_95-.Ltmp126, $2  }
0x4a0: {  	_ =	sdelay $0x2  }
0x4a1: {  	s14 =	smov.u32 s5;
	s13 =	smov.u32 s12  }
.LBB2_103:
.Ltmp127:
0x4a2: {  	_ = 	snop;
	(pc) =	sbr.rel .LBB2_106-.Ltmp127, $3  }
0x4a3: {  	_ =	sdelay $0x1  }
0x4a4: {  	v20 =	vmov v5;
	v16 =	vmov v8  }
0x4a5: {  	v19 =	vmovc v6;
	v8 =	vmovc v7;
	v15 =	vmov v9;
	v14 =	vmov v10;
	v5 =	vmov v17  }
.LBB2_114:
.Ltmp128:
0x4a6: {  	(pc) =	sbr.rel .LBB2_117-.Ltmp128, $2  }
0x4a7: {  	_ =	sdelay $0x2  }
0x4a8: {  	s14 =	smov.u32 s5;
	s13 =	smov.u32 s12  }
.LBB2_125:
.Ltmp129:
0x4a9: {  	_ = 	snop;
	(pc) =	sbr.rel .LBB2_128-.Ltmp129, $3  }
0x4aa: {  	_ =	sdelay $0x1  }
0x4ab: {  	v20 =	vmov v5;
	v16 =	vmov v8  }
0x4ac: {  	v19 =	vmovc v6;
	v8 =	vmovc v7;
	v15 =	vmov v9;
	v14 =	vmov v10;
	v5 =	vmov v17  }
.LBB2_136:
.Ltmp130:
0x4ad: {  	(pc) =	sbr.rel .LBB2_139-.Ltmp130, $2  }
0x4ae: {  	_ =	sdelay $0x2  }
0x4af: {  	s14 =	smov.u32 s5;
	s13 =	smov.u32 s12  }
.LBB2_147:
.Ltmp131:
0x4b0: {  	_ = 	snop;
	(pc) =	sbr.rel .LBB2_150-.Ltmp131, $3  }
0x4b1: {  	_ =	sdelay $0x1  }
0x4b2: {  	v20 =	vmov v5;
	v16 =	vmov v8  }
0x4b3: {  	v19 =	vmovc v6;
	v8 =	vmovc v7;
	v15 =	vmov v9;
	v14 =	vmov v10;
	v5 =	vmov v17  }
.LBB2_158:
.Ltmp132:
0x4b4: {  	(pc) =	sbr.rel .LBB2_161-.Ltmp132, $2  }
0x4b5: {  	_ =	sdelay $0x2  }
0x4b6: {  	s14 =	smov.u32 s5;
	s13 =	smov.u32 s12  }
.LBB2_169:
.Ltmp133:
0x4b7: {  	_ = 	snop;
	(pc) =	sbr.rel .LBB2_172-.Ltmp133, $3  }
0x4b8: {  	_ =	sdelay $0x1  }
0x4b9: {  	v20 =	vmov v5;
	v16 =	vmov v8  }
0x4ba: {  	v19 =	vmovc v6;
	v8 =	vmovc v7;
	v15 =	vmov v9;
	v14 =	vmov v10;
	v5 =	vmov v17  }
.LBB2_179:
.Ltmp134:
0x4bb: {  	(pc) =	sbr.rel .LBB2_182-.Ltmp134, $2  }
0x4bc: {  	_ =	sdelay $0x2  }
0x4bd: {  	s13 =	smov.u32 s5;
	s11 =	smov.u32 s12  }
.LBB2_177:
0x4be: {  	_ =	sfence.sel $0x180000  }
0x4bf: {  	[bflag:$0x0] =	sbarrier.arrive $0xFFFF  }
0x4c0: {  	_ =	strace $0x90000047  }
0x4c1: {  	s0 =	stileid.u32;
	[bflag:$0x2] =	sbarrier.arrive $0xFFFF  }
0x4c2: {  	p0 =	sne.s32 s0, $0x0;
	s0 =	rddreg [dreg:$0x2]  }
0x4c3: {  	s0 =	sadd.s32 @!p0 $0x100000, s0  }
0x4c4: {  	[sflag:s0] =	ssyncadd.tile.s32 @!p0 $0x1;
	_ =	shalt  }
.Lfunc_end2:
_tile_overlayer_lowered:
.L_overlay_start_2:
0x4c5: {  	(tag) =	ssettag $0x2  }
0x4c6: {  	s0 =	rddreg [dreg:$0x0];
	s2 =	stileid.u32  }
0x4c7: {  	s1 =	rddreg [dreg:$0x1];
	p0 =	sne.s32 s2, $0x0  }
0x4c8: {  	s3 =	rddreg [dreg:$0x2];
	[bflag:$0x3] =	sbarrier.arrive $0xFFFF;
	s2 =	simm.s32 @!p0 $0x1C07  }
0x4c9: {  	[timem:s3], [sflag:s2] =	dma.local @!p0 [hbm:s0], s1  }
0x4ca: {  	s0 =	simm.s32 @!p0 $0x7  }
0x4cb: {  	_ =	swait.ge @!p0 [sflag:s0], s1  }
0x4cc: {  	s1 =	ssub.s32 @!p0 $0x0, s1;
	[sflag:s0] =	ssyncset.done @!p0 $0x0  }
0x4cd: {  	[sflag:s0] =	ssyncadd.s32 @!p0 s1  }
0x4ce: {  	[bflag:$0x3] =	sbarrier.arrive $0xFFFF  }
0x4cf: {  	_ =	shalt  }

</sc_bundles>
